<compile_context>
chip_gen: v7x
topology: tpu7x:2x2x1
jax: 0.10.2.dev20260603
libtpu: 0.0.44.dev20260713+nightly
codegen_flags: <defaults>
</compile_context>

<pallas_src>
import functools

import jax
import jax.numpy as jnp
from jax import lax
from jax.experimental import pallas as pl
from jax.experimental.pallas import tpu as pltpu
from jax.experimental.pallas import tpu_sc as plsc

_N = 10000
_E = 160000
_NP = 10112
_CHUNK = 512
_NTILES = 32
_CHUNKS_PER_PAIR = 20
_E_PAD = 16 * _CHUNKS_PER_PAIR * _CHUNK
_RPT = _NP // 16


def _make_sc_scatter(feat, chunks_c1):
    chunks_c0 = _CHUNKS_PER_PAIR - chunks_c1
    mesh = plsc.VectorSubcoreMesh(core_axis_name="c", subcore_axis_name="s")

    @functools.partial(
        pl.kernel,
        out_type=jax.ShapeDtypeStruct((2, _NP, feat), jnp.float32),
        mesh=mesh,
        scratch_types=[
            pltpu.VMEM((2, max(chunks_c0, chunks_c1), _CHUNK), jnp.int32),
            pltpu.VMEM((2, _CHUNK, feat), jnp.float32),
            pltpu.VMEM_SHARED((_NP, feat), jnp.float32),
            pltpu.SemaphoreType.DMA,
            pltpu.SemaphoreType.DMA,
            pltpu.SemaphoreType.DMA,
        ],
        compiler_params=pltpu.CompilerParams(use_tc_tiling_on_sc=False),
    )
    def sc_scatter(y_hbm, edges_hbm, zero_hbm, out_hbm,
                   eidx, rows, acc, gsem, ssem, msem):
        c = lax.axis_index("c")
        s = lax.axis_index("s")
        r0 = s * _RPT

        def run(nch, gc0):
            idx_cp = pltpu.async_copy(
                edges_hbm.at[:, pl.ds(gc0, nch), :],
                eidx.at[:, pl.ds(0, nch), :], msem)
            pltpu.sync_copy(zero_hbm.at[pl.ds(r0, _RPT)],
                            acc.at[pl.ds(r0, _RPT)])
            idx_cp.wait()
            plsc.subcore_barrier()

            pltpu.async_copy(y_hbm.at[eidx.at[0, 0]], rows.at[0], gsem)

            def body(j, carry):
                slot = lax.rem(j, 2)
                nslot = 1 - slot

                @pl.when(j >= 1)
                def _wait_prev_scatter():
                    pltpu.make_async_copy(
                        rows.at[nslot], acc.at[eidx.at[1, j - 1]], ssem).wait()

                @pl.when(j + 1 < nch)
                def _start_next_gather():
                    pltpu.async_copy(
                        y_hbm.at[eidx.at[0, j + 1]], rows.at[nslot], gsem)

                pltpu.make_async_copy(
                    y_hbm.at[eidx.at[0, j]], rows.at[slot], gsem).wait()
                pltpu.async_copy(
                    rows.at[slot], acc.at[eidx.at[1, j]], ssem, add=True)
                return carry

            lax.fori_loop(0, nch, body, 0)
            last = nch - 1
            pltpu.make_async_copy(
                rows.at[last % 2], acc.at[eidx.at[1, last]], ssem).wait()
            plsc.subcore_barrier()
            pltpu.sync_copy(acc.at[pl.ds(r0, _RPT)],
                            out_hbm.at[c, pl.ds(r0, _RPT)])

        @pl.when(c == 0)
        def _c0():
            run(chunks_c0, s * chunks_c0)

        @pl.when(c == 1)
        def _c1():
            run(chunks_c1, 16 * chunks_c0 + s * chunks_c1)

    return sc_scatter


def _make_sc_degree(chunks_c1):
    chunks_c0 = _CHUNKS_PER_PAIR - chunks_c1
    mesh = plsc.VectorSubcoreMesh(core_axis_name="c", subcore_axis_name="s")

    @functools.partial(
        pl.kernel,
        out_type=jax.ShapeDtypeStruct((2, _NP, 16), jnp.float32),
        mesh=mesh,
        scratch_types=[
            pltpu.VMEM((max(chunks_c0, chunks_c1), _CHUNK), jnp.int32),
            pltpu.VMEM((_CHUNK, 16), jnp.float32),
            pltpu.VMEM_SHARED((_NP, 16), jnp.float32),
            pltpu.SemaphoreType.DMA,
            pltpu.SemaphoreType.DMA,
        ],
        compiler_params=pltpu.CompilerParams(use_tc_tiling_on_sc=False),
    )
    def sc_degree(ones_hbm, edges_hbm, zero_hbm, out_hbm,
                  didx, ones, acc, ssem, msem):
        c = lax.axis_index("c")
        s = lax.axis_index("s")
        r0 = s * _RPT

        def run(nch, gc0):
            idx_cp = pltpu.async_copy(
                edges_hbm.at[1, pl.ds(gc0, nch), :],
                didx.at[pl.ds(0, nch), :], msem)
            ones_cp = pltpu.async_copy(ones_hbm, ones, msem)
            pltpu.sync_copy(zero_hbm.at[pl.ds(r0, _RPT)],
                            acc.at[pl.ds(r0, _RPT)])
            idx_cp.wait()
            ones_cp.wait()
            plsc.subcore_barrier()

            def fire(j, carry):
                pltpu.async_copy(ones, acc.at[didx.at[j]], ssem, add=True)
                return carry

            lax.fori_loop(0, nch, fire, 0)

            def drain(j, carry):
                pltpu.make_async_copy(ones, acc.at[didx.at[j]], ssem).wait()
                return carry

            lax.fori_loop(0, nch, drain, 0)
            plsc.subcore_barrier()
            pltpu.sync_copy(acc.at[pl.ds(r0, _RPT)],
                            out_hbm.at[c, pl.ds(r0, _RPT)])

        @pl.when(c == 0)
        def _c0():
            run(chunks_c0, s * chunks_c0)

        @pl.when(c == 1)
        def _c1():
            run(chunks_c1, 16 * chunks_c0 + s * chunks_c1)

    return sc_degree


_sc_degree = _make_sc_degree(10)
_sc_scatter16 = _make_sc_scatter(16, 9)
_sc_scatter32 = _make_sc_scatter(32, 8)


def _proj_body(x_ref, w_ref, u0_ref):
    u0_ref[...] = jnp.dot(x_ref[...], w_ref[...],
                          preferred_element_type=jnp.float32)


def _prep_body(cnt_ref, u0_ref, dinv_ref, z0_ref):
    cnt = cnt_ref[0, :, 0:1] + cnt_ref[1, :, 0:1]
    dinv = lax.rsqrt(cnt + 1.0)
    dinv_ref[...] = dinv
    z0_ref[...] = u0_ref[...] * dinv


def _mid_body(p_ref, z_ref, dinv_ref, b_ref, w_ref, o_ref):
    dinv = dinv_ref[...]
    t = jnp.maximum(dinv * (p_ref[0] + p_ref[1] + z_ref[...]) + b_ref[...],
                    0.0)
    o_ref[...] = jnp.dot(dinv * t, w_ref[...],
                         preferred_element_type=jnp.float32)


def _last_body(p_ref, z_ref, dinv_ref, b_ref, o_ref):
    dinv = dinv_ref[...]
    t = jnp.maximum(dinv * (p_ref[0] + p_ref[1] + z_ref[...]) + b_ref[...],
                    0.0)
    o_ref[...] = dinv * t


def _final_body(p_ref, y_ref, dinv_ref, w_ref, b_ref, o_ref):
    agg = dinv_ref[...] * (p_ref[0] + p_ref[1] + y_ref[...])
    o_ref[...] = jnp.dot(agg, w_ref[...],
                         preferred_element_type=jnp.float32) + b_ref[...]


_BR = 2000


def _proj_call(x, w1):
    return pl.pallas_call(
        _proj_body,
        grid=(_N // _BR,),
        in_specs=[
            pl.BlockSpec((_BR, 128), lambda i: (i, 0)),
            pl.BlockSpec((128, 32), lambda i: (0, 0)),
        ],
        out_specs=pl.BlockSpec((_BR, 32), lambda i: (i, 0)),
        out_shape=jax.ShapeDtypeStruct((_N, 32), jnp.float32),
    )(x, w1)


def _prep_call(cnt, u0):
    return pl.pallas_call(
        _prep_body,
        grid=(_N // _BR,),
        in_specs=[
            pl.BlockSpec((2, _BR, 16), lambda i: (0, i, 0)),
            pl.BlockSpec((_BR, 32), lambda i: (i, 0)),
        ],
        out_specs=[
            pl.BlockSpec((_BR, 1), lambda i: (i, 0)),
            pl.BlockSpec((_BR, 32), lambda i: (i, 0)),
        ],
        out_shape=[
            jax.ShapeDtypeStruct((_N, 1), jnp.float32),
            jax.ShapeDtypeStruct((_N, 32), jnp.float32),
        ],
    )(cnt, u0)


def _mid_call(p, z, dinv, b, w, f_in, f_out):
    return pl.pallas_call(
        _mid_body,
        grid=(_N // _BR,),
        in_specs=[
            pl.BlockSpec((2, _BR, f_in), lambda i: (0, i, 0)),
            pl.BlockSpec((_BR, f_in), lambda i: (i, 0)),
            pl.BlockSpec((_BR, 1), lambda i: (i, 0)),
            pl.BlockSpec((1, f_in), lambda i: (0, 0)),
            pl.BlockSpec((f_in, f_out), lambda i: (0, 0)),
        ],
        out_specs=pl.BlockSpec((_BR, f_out), lambda i: (i, 0)),
        out_shape=jax.ShapeDtypeStruct((_N, f_out), jnp.float32),
    )(p, z, dinv, b.reshape(1, f_in), w)


def _last_call(p, z, dinv, b, f_in):
    return pl.pallas_call(
        _last_body,
        grid=(_N // _BR,),
        in_specs=[
            pl.BlockSpec((2, _BR, f_in), lambda i: (0, i, 0)),
            pl.BlockSpec((_BR, f_in), lambda i: (i, 0)),
            pl.BlockSpec((_BR, 1), lambda i: (i, 0)),
            pl.BlockSpec((1, f_in), lambda i: (0, 0)),
        ],
        out_specs=pl.BlockSpec((_BR, f_in), lambda i: (i, 0)),
        out_shape=jax.ShapeDtypeStruct((_N, f_in), jnp.float32),
    )(p, z, dinv, b.reshape(1, f_in))


_FR, _FC = 1000, 2048


def _final_call(p, y, dinv, w, b):
    return pl.pallas_call(
        _final_body,
        grid=(_N // _FR, pl.cdiv(_N, _FC)),
        in_specs=[
            pl.BlockSpec((2, _FR, 16), lambda i, j: (0, i, 0)),
            pl.BlockSpec((_FR, 16), lambda i, j: (i, 0)),
            pl.BlockSpec((_FR, 1), lambda i, j: (i, 0)),
            pl.BlockSpec((16, _FC), lambda i, j: (0, j)),
            pl.BlockSpec((1, _FC), lambda i, j: (0, j)),
        ],
        out_specs=pl.BlockSpec((_FR, _FC), lambda i, j: (i, j)),
        out_shape=jax.ShapeDtypeStruct((_N, _N), jnp.float32),
    )(p, y, dinv, w, b.reshape(1, _N))


def kernel(x, edge_index, W1, b1, W2, b2, W3, b3):
    ei = edge_index.astype(jnp.int32)
    pad = _E_PAD - _E
    pad_vals = jnp.stack([jnp.zeros((pad,), jnp.int32),
                          _N + (jnp.arange(pad, dtype=jnp.int32) % (_NP - _N))])
    edges = jnp.concatenate([ei, pad_vals], axis=1)
    edges = edges.reshape(2, _E_PAD // _CHUNK, _CHUNK)

    ones16 = jnp.ones((_CHUNK, 16), jnp.float32)
    z16 = jnp.zeros((_NP, 16), jnp.float32)
    z32 = jnp.zeros((_NP, 32), jnp.float32)

    u0 = _proj_call(x, W1)
    cnt = _sc_degree(ones16, edges, z16)
    dinv, z0 = _prep_call(cnt, u0)
    s0 = _sc_scatter32(z0, edges, z32)
    z1 = _mid_call(s0, z0, dinv, b1, W2, 32, 16)
    s1 = _sc_scatter16(z1, edges, z16)
    z2 = _last_call(s1, z1, dinv, b2, 16)
    s2 = _sc_scatter16(z2, edges, z16)
    return _final_call(s2, z2, dinv, W3, b3)

# --- scband reference (transcript-rebuilt; emitter-appended) ---
"""Pipeline reference for scband-gnn-9732395893291 (READ-ONLY COPY).

The authoritative reference and input builder live on the scoring server;
editing this copy changes nothing except your own understanding.
"""

import jax, jax.numpy as jnp
import numpy as np

N = 10000
E = 160000
D_IN = 128
H1 = 32
H2 = 16
N_CLASSES = N  # original code: conv3 out = len(titles) = num nodes


def setup_inputs(seed: int = 0) -> dict:
    key = jax.random.key(seed)
    ks = jax.random.split(key, 10)
    x = jax.random.normal(ks[0], (N, D_IN), dtype=jnp.float32)
    edge_index = jax.random.randint(ks[1], (2, E), 0, N)
    W1 = jax.random.normal(ks[2], (D_IN, H1), dtype=jnp.float32) * 0.05
    b1 = jnp.zeros((H1,), dtype=jnp.float32)
    W2 = jax.random.normal(ks[3], (H1, H2), dtype=jnp.float32) * 0.05
    b2 = jnp.zeros((H2,), dtype=jnp.float32)
    W3 = jax.random.normal(ks[4], (H2, N_CLASSES), dtype=jnp.float32) * 0.05
    b3 = jnp.zeros((N_CLASSES,), dtype=jnp.float32)
    return {"x": x, "edge_index": edge_index, "W1": W1, "b1": b1,
            "W2": W2, "b2": b2, "W3": W3, "b3": b3}


def gcn_layer(x, src, dst, W, b):
    # GCNConv math: add self loops, sym-normalize, aggregate, transform.
    # Aggregation and the linear transform commute (norm is a per-edge scalar),
    # so aggregating first is mathematically identical to PyG's transform-first
    # ordering while avoiding materializing [E, N_CLASSES] messages.
    n = x.shape[0]
    loop = jnp.arange(n, dtype=src.dtype)
    src2 = jnp.concatenate([src, loop])
    dst2 = jnp.concatenate([dst, loop])
    deg = jnp.zeros((n,), dtype=x.dtype).at[dst2].add(1.0)
    dinv = jax.lax.rsqrt(deg)
    norm = dinv[src2] * dinv[dst2]
    msg = jnp.take(x, src2, axis=0) * norm[:, None]
    agg = jnp.zeros((n, x.shape[1]), dtype=x.dtype).at[dst2].add(msg)
    return agg @ W + b


def reference(x, edge_index, W1, b1, W2, b2, W3, b3):
    src = edge_index[0]
    dst = edge_index[1]
    h = jax.nn.relu(gcn_layer(x, src, dst, W1, b1))
    h = jax.nn.relu(gcn_layer(h, src, dst, W2, b2))
    out = gcn_layer(h, src, dst, W3, b3)
    return out

if __name__ == "__main__":
    import jax
    _d = setup_inputs()
    print(jax.jit(kernel)(*tuple(_d.values())))

</pallas_src>

<mosaic_0001>
#map = affine_map<(d0, d1) -> (0, 0)>
#map1 = affine_map<(d0, d1) -> (0, 0, 0)>
module attributes {stable_mosaic.version = 14 : i64} {
  func.func @sc_scatter(%arg0: i32, %arg1: i32, %arg2: memref<10000x16xf32, #tpu.memory_space<hbm>>, %arg3: memref<2x320x512xi32, #tpu.memory_space<hbm>>, %arg4: memref<10112x16xf32, #tpu.memory_space<hbm>>, %arg5: memref<2x10112x16xf32, #tpu.memory_space<hbm>>, %arg6: memref<2x11x512xi32, #tpu.memory_space<vmem>>, %arg7: memref<2x512x16xf32, #tpu.memory_space<vmem>>, %arg8: memref<10112x16xf32, #tpu.memory_space<vmem_shared>>, %arg9: memref<!tpu.dma_semaphore, #tpu.memory_space<semaphore_mem>>, %arg10: memref<!tpu.dma_semaphore, #tpu.memory_space<semaphore_mem>>, %arg11: memref<!tpu.dma_semaphore, #tpu.memory_space<semaphore_mem>>) attributes {dimension_semantics = [#tpu.dimension_semantics<core_parallel>, #tpu.dimension_semantics<subcore_parallel>], iteration_bounds = array<i64: 2, 16>, scalar_prefetch = 0 : i64, scratch_operands = 6 : i64, tpu.core_type = #tpu.core_type<sc_vector_subcore>, window_params = [{transform_indices = #map}, {transform_indices = #map1}, {transform_indices = #map}, {transform_indices = #map1}]} {
    %mul3A = arith.constant 632 : i32
    %mul3A_0 = arith.muli %arg1, %mul3A : i32
    %eq3A = arith.constant 0 : i32
    %eq3A_1 = arith.cmpi eq, %arg0, %eq3A : i32
    %convert_element_type3A = arith.extui %eq3A_1 : i1 to i32
    %cond3A = arith.constant 0 : i32
    %cond3A_2 = arith.cmpi ne, %convert_element_type3A, %cond3A : i32
    scf.if %cond3A_2 {
      %mul3A_8 = arith.constant 11 : i32
      %mul3A_9 = arith.muli %arg1, %mul3A_8 : i32
      %dma_start3A = arith.constant 0 : i32
      %dma_start3A_10 = arith.constant 0 : i32
      %dma_start3A_11 = arith.constant 0 : i32
      %dma_start3A_12 = tpu.memref_slice %arg6[%dma_start3A, %dma_start3A_10, %dma_start3A_11] : memref<2x11x512xi32, #tpu.memory_space<vmem>> -> memref<2x11x512xi32, #tpu.memory_space<vmem>>
      %dma_start3A_13 = arith.constant 0 : i32
      %dma_start3A_14 = arith.constant 0 : i32
      %dma_start3A_15 = tpu.memref_slice %arg3[%dma_start3A_13, %mul3A_9, %dma_start3A_14] : memref<2x320x512xi32, #tpu.memory_space<hbm>> -> memref<2x11x512xi32, #tpu.memory_space<hbm>>
      %dma_start3A_16 = arith.constant 0 : i32
      %dma_start3A_17 = arith.constant 0 : i32
      %dma_start3A_18 = arith.constant 0 : i32
      %dma_start3A_19 = tpu.memref_slice %arg6[%dma_start3A_16, %dma_start3A_17, %dma_start3A_18] : memref<2x11x512xi32, #tpu.memory_space<vmem>> -> memref<2x11x512xi32, #tpu.memory_space<vmem>>
      %dma_start3A_20 = arith.constant 0 : i32
      %dma_start3A_21 = arith.constant 0 : i32
      %dma_start3A_22 = tpu.memref_slice %arg3[%dma_start3A_20, %mul3A_9, %dma_start3A_21] : memref<2x320x512xi32, #tpu.memory_space<hbm>> -> memref<2x11x512xi32, #tpu.memory_space<hbm>>
      tpu.enqueue_dma source(%dma_start3A_22 : memref<2x11x512xi32, #tpu.memory_space<hbm>>) target(%dma_start3A_19 : memref<2x11x512xi32, #tpu.memory_space<vmem>>) target_semaphore(%arg11 : memref<!tpu.dma_semaphore, #tpu.memory_space<semaphore_mem>>)
      "tpu.region"() ({
        %run_scoped3A = tpu.sem_alloc : memref<!tpu.dma_semaphore, #tpu.memory_space<semaphore_mem>>
        %dma_start3A_68 = arith.constant 0 : i32
        %dma_start3A_69 = tpu.memref_slice %arg8[%mul3A_0, %dma_start3A_68] : memref<10112x16xf32, #tpu.memory_space<vmem_shared>> -> memref<632x16xf32, #tpu.memory_space<vmem_shared>>
        %dma_start3A_70 = arith.constant 0 : i32
        %dma_start3A_71 = tpu.memref_slice %arg4[%mul3A_0, %dma_start3A_70] : memref<10112x16xf32, #tpu.memory_space<hbm>> -> memref<632x16xf32, #tpu.memory_space<hbm>>
        tpu.enqueue_dma source(%dma_start3A_71 : memref<632x16xf32, #tpu.memory_space<hbm>>) target(%dma_start3A_69 : memref<632x16xf32, #tpu.memory_space<vmem_shared>>) target_semaphore(%run_scoped3A : memref<!tpu.dma_semaphore, #tpu.memory_space<semaphore_mem>>)
        %dma_wait3A_72 = arith.constant 0 : i32
        %dma_wait3A_73 = tpu.memref_slice %arg8[%mul3A_0, %dma_wait3A_72] : memref<10112x16xf32, #tpu.memory_space<vmem_shared>> -> memref<632x16xf32, #tpu.memory_space<vmem_shared>>
        %dma_wait3A_74 = arith.constant 0 : i32
        %dma_wait3A_75 = tpu.memref_slice %arg4[%mul3A_0, %dma_wait3A_74] : memref<10112x16xf32, #tpu.memory_space<hbm>> -> memref<632x16xf32, #tpu.memory_space<hbm>>
        tpu.wait_dma2 semaphore(%run_scoped3A : memref<!tpu.dma_semaphore, #tpu.memory_space<semaphore_mem>>) src(%dma_wait3A_75 : memref<632x16xf32, #tpu.memory_space<hbm>>) dst(%dma_wait3A_73 : memref<632x16xf32, #tpu.memory_space<vmem_shared>>)
        tpu.yield
      }) : () -> ()
      %dma_wait3A = arith.constant 0 : i32
      %dma_wait3A_23 = arith.constant 0 : i32
      %dma_wait3A_24 = arith.constant 0 : i32
      %dma_wait3A_25 = tpu.memref_slice %arg6[%dma_wait3A, %dma_wait3A_23, %dma_wait3A_24] : memref<2x11x512xi32, #tpu.memory_space<vmem>> -> memref<2x11x512xi32, #tpu.memory_space<vmem>>
      %dma_wait3A_26 = arith.constant 0 : i32
      %dma_wait3A_27 = arith.constant 0 : i32
      %dma_wait3A_28 = tpu.memref_slice %arg3[%dma_wait3A_26, %mul3A_9, %dma_wait3A_27] : memref<2x320x512xi32, #tpu.memory_space<hbm>> -> memref<2x11x512xi32, #tpu.memory_space<hbm>>
      %dma_wait3A_29 = arith.constant 0 : i32
      %dma_wait3A_30 = arith.constant 0 : i32
      %dma_wait3A_31 = arith.constant 0 : i32
      %dma_wait3A_32 = tpu.memref_slice %arg6[%dma_wait3A_29, %dma_wait3A_30, %dma_wait3A_31] : memref<2x11x512xi32, #tpu.memory_space<vmem>> -> memref<2x11x512xi32, #tpu.memory_space<vmem>>
      %dma_wait3A_33 = arith.constant 0 : i32
      %dma_wait3A_34 = arith.constant 0 : i32
      %dma_wait3A_35 = tpu.memref_slice %arg3[%dma_wait3A_33, %mul3A_9, %dma_wait3A_34] : memref<2x320x512xi32, #tpu.memory_space<hbm>> -> memref<2x11x512xi32, #tpu.memory_space<hbm>>
      tpu.wait_dma2 semaphore(%arg11 : memref<!tpu.dma_semaphore, #tpu.memory_space<semaphore_mem>>) src(%dma_wait3A_35 : memref<2x11x512xi32, #tpu.memory_space<hbm>>) dst(%dma_wait3A_32 : memref<2x11x512xi32, #tpu.memory_space<vmem>>)
      %barrier3A = arith.constant 0 : index
      tpu.barrier barrier_id(%barrier3A)
      %dma_start3A_36 = arith.constant 0 : i32
      %dma_start3A_37 = arith.constant 0 : i32
      %dma_start3A_38 = arith.constant 0 : i32
      %dma_start3A_39 = arith.constant 0 : i32
      %dma_start3A_40 = arith.constant 0 : i32
      %dma_start3A_41 = tpu.memref_slice %arg7[%dma_start3A_38, %dma_start3A_39, %dma_start3A_40] : memref<2x512x16xf32, #tpu.memory_space<vmem>> -> memref<1x512x16xf32, #tpu.memory_space<vmem>>
      %dma_start3A_42 = tpu.memref_squeeze %dma_start3A_41 : memref<1x512x16xf32, #tpu.memory_space<vmem>> -> memref<512x16xf32, #tpu.memory_space<vmem>>
      %dma_start3A_43 = arith.constant 0 : i32
      %dma_start3A_44 = tpu.memref_slice %arg6[%dma_start3A_36, %dma_start3A_37, %dma_start3A_43] : memref<2x11x512xi32, #tpu.memory_space<vmem>> -> memref<1x1x512xi32, #tpu.memory_space<vmem>>
      %dma_start3A_45 = tpu.memref_squeeze %dma_start3A_44 : memref<1x1x512xi32, #tpu.memory_space<vmem>> -> memref<512xi32, #tpu.memory_space<vmem>>
      %dma_start3A_46 = arith.constant 0 : i32
      %dma_start3A_47 = arith.constant 0 : i32
      %dma_start3A_48 = tpu.memref_slice %arg2[%dma_start3A_46, %dma_start3A_47] : memref<10000x16xf32, #tpu.memory_space<hbm>> -> memref<10000x16xf32, #tpu.memory_space<hbm>>
      tpu.enqueue_indirect_dma source(%dma_start3A_48 : memref<10000x16xf32, #tpu.memory_space<hbm>>) target(%dma_start3A_42 : memref<512x16xf32, #tpu.memory_space<vmem>>) offsets(%dma_start3A_45 : memref<512xi32, #tpu.memory_space<vmem>>) semaphore(%arg9 : memref<!tpu.dma_semaphore, #tpu.memory_space<semaphore_mem>>)
      %scan3A = arith.constant 0 : i32
      %scan3A_49 = arith.constant 0 : i32
      %scan3A_50 = arith.constant 11 : i32
      %scan3A_51 = arith.addi %scan3A_49, %scan3A_50 : i32
      %scan3A_52 = arith.constant 1 : i32
      scf.for %scan3A_68 = %scan3A_49 to %scan3A_51 step %scan3A_52  : i32 {
        %rem3A = arith.constant 2 : i32
        %rem3A_69 = arith.remsi %scan3A_68, %rem3A : i32
        %sub3A = arith.constant 1 : i32
        %sub3A_70 = arith.subi %sub3A, %rem3A_69 : i32
        %ge3A = arith.constant 1 : i32
        %ge3A_71 = arith.cmpi sge, %scan3A_68, %ge3A : i32
        %convert_element_type3A_72 = arith.extui %ge3A_71 : i1 to i32
        %cond3A_73 = arith.constant 0 : i32
        %cond3A_74 = arith.cmpi ne, %convert_element_type3A_72, %cond3A_73 : i32
        scf.if %cond3A_74 {
          %sub3A_102 = arith.constant 1 : i32
          %sub3A_103 = arith.subi %scan3A_68, %sub3A_102 : i32
          %dma_wait3A_104 = arith.constant 1 : i32
          %dma_wait3A_105 = arith.constant 0 : i32
          %dma_wait3A_106 = arith.constant 0 : i32
          %dma_wait3A_107 = tpu.memref_slice %arg7[%sub3A_70, %dma_wait3A_105, %dma_wait3A_106] : memref<2x512x16xf32, #tpu.memory_space<vmem>> -> memref<1x512x16xf32, #tpu.memory_space<vmem>>
          %dma_wait3A_108 = tpu.memref_squeeze %dma_wait3A_107 : memref<1x512x16xf32, #tpu.memory_space<vmem>> -> memref<512x16xf32, #tpu.memory_space<vmem>>
          %dma_wait3A_109 = arith.constant 0 : i32
          %dma_wait3A_110 = tpu.memref_slice %arg6[%dma_wait3A_104, %sub3A_103, %dma_wait3A_109] : memref<2x11x512xi32, #tpu.memory_space<vmem>> -> memref<1x1x512xi32, #tpu.memory_space<vmem>>
          %dma_wait3A_111 = tpu.memref_squeeze %dma_wait3A_110 : memref<1x1x512xi32, #tpu.memory_space<vmem>> -> memref<512xi32, #tpu.memory_space<vmem>>
          %dma_wait3A_112 = arith.constant 0 : i32
          %dma_wait3A_113 = arith.constant 0 : i32
          %dma_wait3A_114 = tpu.memref_slice %arg8[%dma_wait3A_112, %dma_wait3A_113] : memref<10112x16xf32, #tpu.memory_space<vmem_shared>> -> memref<10112x16xf32, #tpu.memory_space<vmem_shared>>
          tpu.wait_indirect_dma semaphore(%arg10 : memref<!tpu.dma_semaphore, #tpu.memory_space<semaphore_mem>>) src(%dma_wait3A_108 : memref<512x16xf32, #tpu.memory_space<vmem>>) dst(%dma_wait3A_114 : memref<10112x16xf32, #tpu.memory_space<vmem_shared>>)
        } else {
        }
        %add3A = arith.constant 1 : i32
        %add3A_75 = arith.addi %scan3A_68, %add3A : i32
        %lt3A = arith.constant 11 : i32
        %lt3A_76 = arith.cmpi slt, %add3A_75, %lt3A : i32
        %convert_element_type3A_77 = arith.extui %lt3A_76 : i1 to i32
        %cond3A_78 = arith.constant 0 : i32
        %cond3A_79 = arith.cmpi ne, %convert_element_type3A_77, %cond3A_78 : i32
        scf.if %cond3A_79 {
          %add3A_102 = arith.constant 1 : i32
          %add3A_103 = arith.addi %scan3A_68, %add3A_102 : i32
          %dma_start3A_104 = arith.constant 0 : i32
          %dma_start3A_105 = arith.constant 0 : i32
          %dma_start3A_106 = arith.constant 0 : i32
          %dma_start3A_107 = tpu.memref_slice %arg7[%sub3A_70, %dma_start3A_105, %dma_start3A_106] : memref<2x512x16xf32, #tpu.memory_space<vmem>> -> memref<1x512x16xf32, #tpu.memory_space<vmem>>
          %dma_start3A_108 = tpu.memref_squeeze %dma_start3A_107 : memref<1x512x16xf32, #tpu.memory_space<vmem>> -> memref<512x16xf32, #tpu.memory_space<vmem>>
          %dma_start3A_109 = arith.constant 0 : i32
          %dma_start3A_110 = tpu.memref_slice %arg6[%dma_start3A_104, %add3A_103, %dma_start3A_109] : memref<2x11x512xi32, #tpu.memory_space<vmem>> -> memref<1x1x512xi32, #tpu.memory_space<vmem>>
          %dma_start3A_111 = tpu.memref_squeeze %dma_start3A_110 : memref<1x1x512xi32, #tpu.memory_space<vmem>> -> memref<512xi32, #tpu.memory_space<vmem>>
          %dma_start3A_112 = arith.constant 0 : i32
          %dma_start3A_113 = arith.constant 0 : i32
          %dma_start3A_114 = tpu.memref_slice %arg2[%dma_start3A_112, %dma_start3A_113] : memref<10000x16xf32, #tpu.memory_space<hbm>> -> memref<10000x16xf32, #tpu.memory_space<hbm>>
          tpu.enqueue_indirect_dma source(%dma_start3A_114 : memref<10000x16xf32, #tpu.memory_space<hbm>>) target(%dma_start3A_108 : memref<512x16xf32, #tpu.memory_space<vmem>>) offsets(%dma_start3A_111 : memref<512xi32, #tpu.memory_space<vmem>>) semaphore(%arg9 : memref<!tpu.dma_semaphore, #tpu.memory_space<semaphore_mem>>)
        } else {
        }
        %dma_wait3A_80 = arith.constant 0 : i32
        %dma_wait3A_81 = arith.constant 0 : i32
        %dma_wait3A_82 = arith.constant 0 : i32
        %dma_wait3A_83 = tpu.memref_slice %arg7[%rem3A_69, %dma_wait3A_81, %dma_wait3A_82] : memref<2x512x16xf32, #tpu.memory_space<vmem>> -> memref<1x512x16xf32, #tpu.memory_space<vmem>>
        %dma_wait3A_84 = tpu.memref_squeeze %dma_wait3A_83 : memref<1x512x16xf32, #tpu.memory_space<vmem>> -> memref<512x16xf32, #tpu.memory_space<vmem>>
        %dma_wait3A_85 = arith.constant 0 : i32
        %dma_wait3A_86 = tpu.memref_slice %arg6[%dma_wait3A_80, %scan3A_68, %dma_wait3A_85] : memref<2x11x512xi32, #tpu.memory_space<vmem>> -> memref<1x1x512xi32, #tpu.memory_space<vmem>>
        %dma_wait3A_87 = tpu.memref_squeeze %dma_wait3A_86 : memref<1x1x512xi32, #tpu.memory_space<vmem>> -> memref<512xi32, #tpu.memory_space<vmem>>
        %dma_wait3A_88 = arith.constant 0 : i32
        %dma_wait3A_89 = arith.constant 0 : i32
        %dma_wait3A_90 = tpu.memref_slice %arg2[%dma_wait3A_88, %dma_wait3A_89] : memref<10000x16xf32, #tpu.memory_space<hbm>> -> memref<10000x16xf32, #tpu.memory_space<hbm>>
        tpu.wait_indirect_dma semaphore(%arg9 : memref<!tpu.dma_semaphore, #tpu.memory_space<semaphore_mem>>) src(%dma_wait3A_90 : memref<10000x16xf32, #tpu.memory_space<hbm>>) dst(%dma_wait3A_84 : memref<512x16xf32, #tpu.memory_space<vmem>>)
        %dma_start3A_91 = arith.constant 1 : i32
        %dma_start3A_92 = arith.constant 0 : i32
        %dma_start3A_93 = arith.constant 0 : i32
        %dma_start3A_94 = tpu.memref_slice %arg7[%rem3A_69, %dma_start3A_92, %dma_start3A_93] : memref<2x512x16xf32, #tpu.memory_space<vmem>> -> memref<1x512x16xf32, #tpu.memory_space<vmem>>
        %dma_start3A_95 = tpu.memref_squeeze %dma_start3A_94 : memref<1x512x16xf32, #tpu.memory_space<vmem>> -> memref<512x16xf32, #tpu.memory_space<vmem>>
        %dma_start3A_96 = arith.constant 0 : i32
        %dma_start3A_97 = tpu.memref_slice %arg6[%dma_start3A_91, %scan3A_68, %dma_start3A_96] : memref<2x11x512xi32, #tpu.memory_space<vmem>> -> memref<1x1x512xi32, #tpu.memory_space<vmem>>
        %dma_start3A_98 = tpu.memref_squeeze %dma_start3A_97 : memref<1x1x512xi32, #tpu.memory_space<vmem>> -> memref<512xi32, #tpu.memory_space<vmem>>
        %dma_start3A_99 = arith.constant 0 : i32
        %dma_start3A_100 = arith.constant 0 : i32
        %dma_start3A_101 = tpu.memref_slice %arg8[%dma_start3A_99, %dma_start3A_100] : memref<10112x16xf32, #tpu.memory_space<vmem_shared>> -> memref<10112x16xf32, #tpu.memory_space<vmem_shared>>
        tpu.enqueue_indirect_dma source(%dma_start3A_95 : memref<512x16xf32, #tpu.memory_space<vmem>>) target(%dma_start3A_101 : memref<10112x16xf32, #tpu.memory_space<vmem_shared>>) offsets(%dma_start3A_98 : memref<512xi32, #tpu.memory_space<vmem>>) semaphore(%arg10 : memref<!tpu.dma_semaphore, #tpu.memory_space<semaphore_mem>>) {add = true}
      }
      %scan3A_53 = arith.constant 11 : i32
      %dma_wait3A_54 = arith.constant 0 : i32
      %dma_wait3A_55 = arith.constant 1 : i32
      %dma_wait3A_56 = arith.constant 10 : i32
      %dma_wait3A_57 = arith.constant 0 : i32
      %dma_wait3A_58 = arith.constant 0 : i32
      %dma_wait3A_59 = tpu.memref_slice %arg7[%dma_wait3A_54, %dma_wait3A_57, %dma_wait3A_58] : memref<2x512x16xf32, #tpu.memory_space<vmem>> -> memref<1x512x16xf32, #tpu.memory_space<vmem>>
      %dma_wait3A_60 = tpu.memref_squeeze %dma_wait3A_59 : memref<1x512x16xf32, #tpu.memory_space<vmem>> -> memref<512x16xf32, #tpu.memory_space<vmem>>
      %dma_wait3A_61 = arith.constant 0 : i32
      %dma_wait3A_62 = tpu.memref_slice %arg6[%dma_wait3A_55, %dma_wait3A_56, %dma_wait3A_61] : memref<2x11x512xi32, #tpu.memory_space<vmem>> -> memref<1x1x512xi32, #tpu.memory_space<vmem>>
      %dma_wait3A_63 = tpu.memref_squeeze %dma_wait3A_62 : memref<1x1x512xi32, #tpu.memory_space<vmem>> -> memref<512xi32, #tpu.memory_space<vmem>>
      %dma_wait3A_64 = arith.constant 0 : i32
      %dma_wait3A_65 = arith.constant 0 : i32
      %dma_wait3A_66 = tpu.memref_slice %arg8[%dma_wait3A_64, %dma_wait3A_65] : memref<10112x16xf32, #tpu.memory_space<vmem_shared>> -> memref<10112x16xf32, #tpu.memory_space<vmem_shared>>
      tpu.wait_indirect_dma semaphore(%arg10 : memref<!tpu.dma_semaphore, #tpu.memory_space<semaphore_mem>>) src(%dma_wait3A_60 : memref<512x16xf32, #tpu.memory_space<vmem>>) dst(%dma_wait3A_66 : memref<10112x16xf32, #tpu.memory_space<vmem_shared>>)
      %barrier3A_67 = arith.constant 0 : index
      tpu.barrier barrier_id(%barrier3A_67)
      "tpu.region"() ({
        %run_scoped3A = tpu.sem_alloc : memref<!tpu.dma_semaphore, #tpu.memory_space<semaphore_mem>>
        %dma_start3A_68 = arith.constant 0 : i32
        %dma_start3A_69 = tpu.memref_slice %arg5[%arg0, %mul3A_0, %dma_start3A_68] : memref<2x10112x16xf32, #tpu.memory_space<hbm>> -> memref<1x632x16xf32, #tpu.memory_space<hbm>>
        %dma_start3A_70 = tpu.memref_squeeze %dma_start3A_69 : memref<1x632x16xf32, #tpu.memory_space<hbm>> -> memref<632x16xf32, #tpu.memory_space<hbm>>
        %dma_start3A_71 = arith.constant 0 : i32
        %dma_start3A_72 = tpu.memref_slice %arg8[%mul3A_0, %dma_start3A_71] : memref<10112x16xf32, #tpu.memory_space<vmem_shared>> -> memref<632x16xf32, #tpu.memory_space<vmem_shared>>
        tpu.enqueue_dma source(%dma_start3A_72 : memref<632x16xf32, #tpu.memory_space<vmem_shared>>) target(%dma_start3A_70 : memref<632x16xf32, #tpu.memory_space<hbm>>) target_semaphore(%run_scoped3A : memref<!tpu.dma_semaphore, #tpu.memory_space<semaphore_mem>>)
        %dma_wait3A_73 = arith.constant 0 : i32
        %dma_wait3A_74 = tpu.memref_slice %arg5[%arg0, %mul3A_0, %dma_wait3A_73] : memref<2x10112x16xf32, #tpu.memory_space<hbm>> -> memref<1x632x16xf32, #tpu.memory_space<hbm>>
        %dma_wait3A_75 = tpu.memref_squeeze %dma_wait3A_74 : memref<1x632x16xf32, #tpu.memory_space<hbm>> -> memref<632x16xf32, #tpu.memory_space<hbm>>
        %dma_wait3A_76 = arith.constant 0 : i32
        %dma_wait3A_77 = tpu.memref_slice %arg8[%mul3A_0, %dma_wait3A_76] : memref<10112x16xf32, #tpu.memory_space<vmem_shared>> -> memref<632x16xf32, #tpu.memory_space<vmem_shared>>
        tpu.wait_dma2 semaphore(%run_scoped3A : memref<!tpu.dma_semaphore, #tpu.memory_space<semaphore_mem>>) src(%dma_wait3A_77 : memref<632x16xf32, #tpu.memory_space<vmem_shared>>) dst(%dma_wait3A_75 : memref<632x16xf32, #tpu.memory_space<hbm>>)
        tpu.yield
      }) : () -> ()
    } else {
    }
    %eq3A_3 = arith.constant 1 : i32
    %eq3A_4 = arith.cmpi eq, %arg0, %eq3A_3 : i32
    %convert_element_type3A_5 = arith.extui %eq3A_4 : i1 to i32
    %cond3A_6 = arith.constant 0 : i32
    %cond3A_7 = arith.cmpi ne, %convert_element_type3A_5, %cond3A_6 : i32
    scf.if %cond3A_7 {
      %mul3A_8 = arith.constant 9 : i32
      %mul3A_9 = arith.muli %arg1, %mul3A_8 : i32
      %add3A = arith.constant 176 : i32
      %add3A_10 = arith.addi %add3A, %mul3A_9 : i32
      %dma_start3A = arith.constant 0 : i32
      %dma_start3A_11 = arith.constant 0 : i32
      %dma_start3A_12 = arith.constant 0 : i32
      %dma_start3A_13 = tpu.memref_slice %arg6[%dma_start3A, %dma_start3A_11, %dma_start3A_12] : memref<2x11x512xi32, #tpu.memory_space<vmem>> -> memref<2x9x512xi32, #tpu.memory_space<vmem>>
      %dma_start3A_14 = arith.constant 0 : i32
      %dma_start3A_15 = arith.constant 0 : i32
      %dma_start3A_16 = tpu.memref_slice %arg3[%dma_start3A_14, %add3A_10, %dma_start3A_15] : memref<2x320x512xi32, #tpu.memory_space<hbm>> -> memref<2x9x512xi32, #tpu.memory_space<hbm>>
      %dma_start3A_17 = arith.constant 0 : i32
      %dma_start3A_18 = arith.constant 0 : i32
      %dma_start3A_19 = arith.constant 0 : i32
      %dma_start3A_20 = tpu.memref_slice %arg6[%dma_start3A_17, %dma_start3A_18, %dma_start3A_19] : memref<2x11x512xi32, #tpu.memory_space<vmem>> -> memref<2x9x512xi32, #tpu.memory_space<vmem>>
      %dma_start3A_21 = arith.constant 0 : i32
      %dma_start3A_22 = arith.constant 0 : i32
      %dma_start3A_23 = tpu.memref_slice %arg3[%dma_start3A_21, %add3A_10, %dma_start3A_22] : memref<2x320x512xi32, #tpu.memory_space<hbm>> -> memref<2x9x512xi32, #tpu.memory_space<hbm>>
      tpu.enqueue_dma source(%dma_start3A_23 : memref<2x9x512xi32, #tpu.memory_space<hbm>>) target(%dma_start3A_20 : memref<2x9x512xi32, #tpu.memory_space<vmem>>) target_semaphore(%arg11 : memref<!tpu.dma_semaphore, #tpu.memory_space<semaphore_mem>>)
      "tpu.region"() ({
        %run_scoped3A = tpu.sem_alloc : memref<!tpu.dma_semaphore, #tpu.memory_space<semaphore_mem>>
        %dma_start3A_69 = arith.constant 0 : i32
        %dma_start3A_70 = tpu.memref_slice %arg8[%mul3A_0, %dma_start3A_69] : memref<10112x16xf32, #tpu.memory_space<vmem_shared>> -> memref<632x16xf32, #tpu.memory_space<vmem_shared>>
        %dma_start3A_71 = arith.constant 0 : i32
        %dma_start3A_72 = tpu.memref_slice %arg4[%mul3A_0, %dma_start3A_71] : memref<10112x16xf32, #tpu.memory_space<hbm>> -> memref<632x16xf32, #tpu.memory_space<hbm>>
        tpu.enqueue_dma source(%dma_start3A_72 : memref<632x16xf32, #tpu.memory_space<hbm>>) target(%dma_start3A_70 : memref<632x16xf32, #tpu.memory_space<vmem_shared>>) target_semaphore(%run_scoped3A : memref<!tpu.dma_semaphore, #tpu.memory_space<semaphore_mem>>)
        %dma_wait3A_73 = arith.constant 0 : i32
        %dma_wait3A_74 = tpu.memref_slice %arg8[%mul3A_0, %dma_wait3A_73] : memref<10112x16xf32, #tpu.memory_space<vmem_shared>> -> memref<632x16xf32, #tpu.memory_space<vmem_shared>>
        %dma_wait3A_75 = arith.constant 0 : i32
        %dma_wait3A_76 = tpu.memref_slice %arg4[%mul3A_0, %dma_wait3A_75] : memref<10112x16xf32, #tpu.memory_space<hbm>> -> memref<632x16xf32, #tpu.memory_space<hbm>>
        tpu.wait_dma2 semaphore(%run_scoped3A : memref<!tpu.dma_semaphore, #tpu.memory_space<semaphore_mem>>) src(%dma_wait3A_76 : memref<632x16xf32, #tpu.memory_space<hbm>>) dst(%dma_wait3A_74 : memref<632x16xf32, #tpu.memory_space<vmem_shared>>)
        tpu.yield
      }) : () -> ()
      %dma_wait3A = arith.constant 0 : i32
      %dma_wait3A_24 = arith.constant 0 : i32
      %dma_wait3A_25 = arith.constant 0 : i32
      %dma_wait3A_26 = tpu.memref_slice %arg6[%dma_wait3A, %dma_wait3A_24, %dma_wait3A_25] : memref<2x11x512xi32, #tpu.memory_space<vmem>> -> memref<2x9x512xi32, #tpu.memory_space<vmem>>
      %dma_wait3A_27 = arith.constant 0 : i32
      %dma_wait3A_28 = arith.constant 0 : i32
      %dma_wait3A_29 = tpu.memref_slice %arg3[%dma_wait3A_27, %add3A_10, %dma_wait3A_28] : memref<2x320x512xi32, #tpu.memory_space<hbm>> -> memref<2x9x512xi32, #tpu.memory_space<hbm>>
      %dma_wait3A_30 = arith.constant 0 : i32
      %dma_wait3A_31 = arith.constant 0 : i32
      %dma_wait3A_32 = arith.constant 0 : i32
      %dma_wait3A_33 = tpu.memref_slice %arg6[%dma_wait3A_30, %dma_wait3A_31, %dma_wait3A_32] : memref<2x11x512xi32, #tpu.memory_space<vmem>> -> memref<2x9x512xi32, #tpu.memory_space<vmem>>
      %dma_wait3A_34 = arith.constant 0 : i32
      %dma_wait3A_35 = arith.constant 0 : i32
      %dma_wait3A_36 = tpu.memref_slice %arg3[%dma_wait3A_34, %add3A_10, %dma_wait3A_35] : memref<2x320x512xi32, #tpu.memory_space<hbm>> -> memref<2x9x512xi32, #tpu.memory_space<hbm>>
      tpu.wait_dma2 semaphore(%arg11 : memref<!tpu.dma_semaphore, #tpu.memory_space<semaphore_mem>>) src(%dma_wait3A_36 : memref<2x9x512xi32, #tpu.memory_space<hbm>>) dst(%dma_wait3A_33 : memref<2x9x512xi32, #tpu.memory_space<vmem>>)
      %barrier3A = arith.constant 0 : index
      tpu.barrier barrier_id(%barrier3A)
      %dma_start3A_37 = arith.constant 0 : i32
      %dma_start3A_38 = arith.constant 0 : i32
      %dma_start3A_39 = arith.constant 0 : i32
      %dma_start3A_40 = arith.constant 0 : i32
      %dma_start3A_41 = arith.constant 0 : i32
      %dma_start3A_42 = tpu.memref_slice %arg7[%dma_start3A_39, %dma_start3A_40, %dma_start3A_41] : memref<2x512x16xf32, #tpu.memory_space<vmem>> -> memref<1x512x16xf32, #tpu.memory_space<vmem>>
      %dma_start3A_43 = tpu.memref_squeeze %dma_start3A_42 : memref<1x512x16xf32, #tpu.memory_space<vmem>> -> memref<512x16xf32, #tpu.memory_space<vmem>>
      %dma_start3A_44 = arith.constant 0 : i32
      %dma_start3A_45 = tpu.memref_slice %arg6[%dma_start3A_37, %dma_start3A_38, %dma_start3A_44] : memref<2x11x512xi32, #tpu.memory_space<vmem>> -> memref<1x1x512xi32, #tpu.memory_space<vmem>>
      %dma_start3A_46 = tpu.memref_squeeze %dma_start3A_45 : memref<1x1x512xi32, #tpu.memory_space<vmem>> -> memref<512xi32, #tpu.memory_space<vmem>>
      %dma_start3A_47 = arith.constant 0 : i32
      %dma_start3A_48 = arith.constant 0 : i32
      %dma_start3A_49 = tpu.memref_slice %arg2[%dma_start3A_47, %dma_start3A_48] : memref<10000x16xf32, #tpu.memory_space<hbm>> -> memref<10000x16xf32, #tpu.memory_space<hbm>>
      tpu.enqueue_indirect_dma source(%dma_start3A_49 : memref<10000x16xf32, #tpu.memory_space<hbm>>) target(%dma_start3A_43 : memref<512x16xf32, #tpu.memory_space<vmem>>) offsets(%dma_start3A_46 : memref<512xi32, #tpu.memory_space<vmem>>) semaphore(%arg9 : memref<!tpu.dma_semaphore, #tpu.memory_space<semaphore_mem>>)
      %scan3A = arith.constant 0 : i32
      %scan3A_50 = arith.constant 0 : i32
      %scan3A_51 = arith.constant 9 : i32
      %scan3A_52 = arith.addi %scan3A_50, %scan3A_51 : i32
      %scan3A_53 = arith.constant 1 : i32
      scf.for %scan3A_69 = %scan3A_50 to %scan3A_52 step %scan3A_53  : i32 {
        %rem3A = arith.constant 2 : i32
        %rem3A_70 = arith.remsi %scan3A_69, %rem3A : i32
        %sub3A = arith.constant 1 : i32
        %sub3A_71 = arith.subi %sub3A, %rem3A_70 : i32
        %ge3A = arith.constant 1 : i32
        %ge3A_72 = arith.cmpi sge, %scan3A_69, %ge3A : i32
        %convert_element_type3A_73 = arith.extui %ge3A_72 : i1 to i32
        %cond3A_74 = arith.constant 0 : i32
        %cond3A_75 = arith.cmpi ne, %convert_element_type3A_73, %cond3A_74 : i32
        scf.if %cond3A_75 {
          %sub3A_104 = arith.constant 1 : i32
          %sub3A_105 = arith.subi %scan3A_69, %sub3A_104 : i32
          %dma_wait3A_106 = arith.constant 1 : i32
          %dma_wait3A_107 = arith.constant 0 : i32
          %dma_wait3A_108 = arith.constant 0 : i32
          %dma_wait3A_109 = tpu.memref_slice %arg7[%sub3A_71, %dma_wait3A_107, %dma_wait3A_108] : memref<2x512x16xf32, #tpu.memory_space<vmem>> -> memref<1x512x16xf32, #tpu.memory_space<vmem>>
          %dma_wait3A_110 = tpu.memref_squeeze %dma_wait3A_109 : memref<1x512x16xf32, #tpu.memory_space<vmem>> -> memref<512x16xf32, #tpu.memory_space<vmem>>
          %dma_wait3A_111 = arith.constant 0 : i32
          %dma_wait3A_112 = tpu.memref_slice %arg6[%dma_wait3A_106, %sub3A_105, %dma_wait3A_111] : memref<2x11x512xi32, #tpu.memory_space<vmem>> -> memref<1x1x512xi32, #tpu.memory_space<vmem>>
          %dma_wait3A_113 = tpu.memref_squeeze %dma_wait3A_112 : memref<1x1x512xi32, #tpu.memory_space<vmem>> -> memref<512xi32, #tpu.memory_space<vmem>>
          %dma_wait3A_114 = arith.constant 0 : i32
          %dma_wait3A_115 = arith.constant 0 : i32
          %dma_wait3A_116 = tpu.memref_slice %arg8[%dma_wait3A_114, %dma_wait3A_115] : memref<10112x16xf32, #tpu.memory_space<vmem_shared>> -> memref<10112x16xf32, #tpu.memory_space<vmem_shared>>
          tpu.wait_indirect_dma semaphore(%arg10 : memref<!tpu.dma_semaphore, #tpu.memory_space<semaphore_mem>>) src(%dma_wait3A_110 : memref<512x16xf32, #tpu.memory_space<vmem>>) dst(%dma_wait3A_116 : memref<10112x16xf32, #tpu.memory_space<vmem_shared>>)
        } else {
        }
        %add3A_76 = arith.constant 1 : i32
        %add3A_77 = arith.addi %scan3A_69, %add3A_76 : i32
        %lt3A = arith.constant 9 : i32
        %lt3A_78 = arith.cmpi slt, %add3A_77, %lt3A : i32
        %convert_element_type3A_79 = arith.extui %lt3A_78 : i1 to i32
        %cond3A_80 = arith.constant 0 : i32
        %cond3A_81 = arith.cmpi ne, %convert_element_type3A_79, %cond3A_80 : i32
        scf.if %cond3A_81 {
          %add3A_104 = arith.constant 1 : i32
          %add3A_105 = arith.addi %scan3A_69, %add3A_104 : i32
          %dma_start3A_106 = arith.constant 0 : i32
          %dma_start3A_107 = arith.constant 0 : i32
          %dma_start3A_108 = arith.constant 0 : i32
          %dma_start3A_109 = tpu.memref_slice %arg7[%sub3A_71, %dma_start3A_107, %dma_start3A_108] : memref<2x512x16xf32, #tpu.memory_space<vmem>> -> memref<1x512x16xf32, #tpu.memory_space<vmem>>
          %dma_start3A_110 = tpu.memref_squeeze %dma_start3A_109 : memref<1x512x16xf32, #tpu.memory_space<vmem>> -> memref<512x16xf32, #tpu.memory_space<vmem>>
          %dma_start3A_111 = arith.constant 0 : i32
          %dma_start3A_112 = tpu.memref_slice %arg6[%dma_start3A_106, %add3A_105, %dma_start3A_111] : memref<2x11x512xi32, #tpu.memory_space<vmem>> -> memref<1x1x512xi32, #tpu.memory_space<vmem>>
          %dma_start3A_113 = tpu.memref_squeeze %dma_start3A_112 : memref<1x1x512xi32, #tpu.memory_space<vmem>> -> memref<512xi32, #tpu.memory_space<vmem>>
          %dma_start3A_114 = arith.constant 0 : i32
          %dma_start3A_115 = arith.constant 0 : i32
          %dma_start3A_116 = tpu.memref_slice %arg2[%dma_start3A_114, %dma_start3A_115] : memref<10000x16xf32, #tpu.memory_space<hbm>> -> memref<10000x16xf32, #tpu.memory_space<hbm>>
          tpu.enqueue_indirect_dma source(%dma_start3A_116 : memref<10000x16xf32, #tpu.memory_space<hbm>>) target(%dma_start3A_110 : memref<512x16xf32, #tpu.memory_space<vmem>>) offsets(%dma_start3A_113 : memref<512xi32, #tpu.memory_space<vmem>>) semaphore(%arg9 : memref<!tpu.dma_semaphore, #tpu.memory_space<semaphore_mem>>)
        } else {
        }
        %dma_wait3A_82 = arith.constant 0 : i32
        %dma_wait3A_83 = arith.constant 0 : i32
        %dma_wait3A_84 = arith.constant 0 : i32
        %dma_wait3A_85 = tpu.memref_slice %arg7[%rem3A_70, %dma_wait3A_83, %dma_wait3A_84] : memref<2x512x16xf32, #tpu.memory_space<vmem>> -> memref<1x512x16xf32, #tpu.memory_space<vmem>>
        %dma_wait3A_86 = tpu.memref_squeeze %dma_wait3A_85 : memref<1x512x16xf32, #tpu.memory_space<vmem>> -> memref<512x16xf32, #tpu.memory_space<vmem>>
        %dma_wait3A_87 = arith.constant 0 : i32
        %dma_wait3A_88 = tpu.memref_slice %arg6[%dma_wait3A_82, %scan3A_69, %dma_wait3A_87] : memref<2x11x512xi32, #tpu.memory_space<vmem>> -> memref<1x1x512xi32, #tpu.memory_space<vmem>>
        %dma_wait3A_89 = tpu.memref_squeeze %dma_wait3A_88 : memref<1x1x512xi32, #tpu.memory_space<vmem>> -> memref<512xi32, #tpu.memory_space<vmem>>
        %dma_wait3A_90 = arith.constant 0 : i32
        %dma_wait3A_91 = arith.constant 0 : i32
        %dma_wait3A_92 = tpu.memref_slice %arg2[%dma_wait3A_90, %dma_wait3A_91] : memref<10000x16xf32, #tpu.memory_space<hbm>> -> memref<10000x16xf32, #tpu.memory_space<hbm>>
        tpu.wait_indirect_dma semaphore(%arg9 : memref<!tpu.dma_semaphore, #tpu.memory_space<semaphore_mem>>) src(%dma_wait3A_92 : memref<10000x16xf32, #tpu.memory_space<hbm>>) dst(%dma_wait3A_86 : memref<512x16xf32, #tpu.memory_space<vmem>>)
        %dma_start3A_93 = arith.constant 1 : i32
        %dma_start3A_94 = arith.constant 0 : i32
        %dma_start3A_95 = arith.constant 0 : i32
        %dma_start3A_96 = tpu.memref_slice %arg7[%rem3A_70, %dma_start3A_94, %dma_start3A_95] : memref<2x512x16xf32, #tpu.memory_space<vmem>> -> memref<1x512x16xf32, #tpu.memory_space<vmem>>
        %dma_start3A_97 = tpu.memref_squeeze %dma_start3A_96 : memref<1x512x16xf32, #tpu.memory_space<vmem>> -> memref<512x16xf32, #tpu.memory_space<vmem>>
        %dma_start3A_98 = arith.constant 0 : i32
        %dma_start3A_99 = tpu.memref_slice %arg6[%dma_start3A_93, %scan3A_69, %dma_start3A_98] : memref<2x11x512xi32, #tpu.memory_space<vmem>> -> memref<1x1x512xi32, #tpu.memory_space<vmem>>
        %dma_start3A_100 = tpu.memref_squeeze %dma_start3A_99 : memref<1x1x512xi32, #tpu.memory_space<vmem>> -> memref<512xi32, #tpu.memory_space<vmem>>
        %dma_start3A_101 = arith.constant 0 : i32
        %dma_start3A_102 = arith.constant 0 : i32
        %dma_start3A_103 = tpu.memref_slice %arg8[%dma_start3A_101, %dma_start3A_102] : memref<10112x16xf32, #tpu.memory_space<vmem_shared>> -> memref<10112x16xf32, #tpu.memory_space<vmem_shared>>
        tpu.enqueue_indirect_dma source(%dma_start3A_97 : memref<512x16xf32, #tpu.memory_space<vmem>>) target(%dma_start3A_103 : memref<10112x16xf32, #tpu.memory_space<vmem_shared>>) offsets(%dma_start3A_100 : memref<512xi32, #tpu.memory_space<vmem>>) semaphore(%arg10 : memref<!tpu.dma_semaphore, #tpu.memory_space<semaphore_mem>>) {add = true}
      }
      %scan3A_54 = arith.constant 9 : i32
      %dma_wait3A_55 = arith.constant 0 : i32
      %dma_wait3A_56 = arith.constant 1 : i32
      %dma_wait3A_57 = arith.constant 8 : i32
      %dma_wait3A_58 = arith.constant 0 : i32
      %dma_wait3A_59 = arith.constant 0 : i32
      %dma_wait3A_60 = tpu.memref_slice %arg7[%dma_wait3A_55, %dma_wait3A_58, %dma_wait3A_59] : memref<2x512x16xf32, #tpu.memory_space<vmem>> -> memref<1x512x16xf32, #tpu.memory_space<vmem>>
      %dma_wait3A_61 = tpu.memref_squeeze %dma_wait3A_60 : memref<1x512x16xf32, #tpu.memory_space<vmem>> -> memref<512x16xf32, #tpu.memory_space<vmem>>
      %dma_wait3A_62 = arith.constant 0 : i32
      %dma_wait3A_63 = tpu.memref_slice %arg6[%dma_wait3A_56, %dma_wait3A_57, %dma_wait3A_62] : memref<2x11x512xi32, #tpu.memory_space<vmem>> -> memref<1x1x512xi32, #tpu.memory_space<vmem>>
      %dma_wait3A_64 = tpu.memref_squeeze %dma_wait3A_63 : memref<1x1x512xi32, #tpu.memory_space<vmem>> -> memref<512xi32, #tpu.memory_space<vmem>>
      %dma_wait3A_65 = arith.constant 0 : i32
      %dma_wait3A_66 = arith.constant 0 : i32
      %dma_wait3A_67 = tpu.memref_slice %arg8[%dma_wait3A_65, %dma_wait3A_66] : memref<10112x16xf32, #tpu.memory_space<vmem_shared>> -> memref<10112x16xf32, #tpu.memory_space<vmem_shared>>
      tpu.wait_indirect_dma semaphore(%arg10 : memref<!tpu.dma_semaphore, #tpu.memory_space<semaphore_mem>>) src(%dma_wait3A_61 : memref<512x16xf32, #tpu.memory_space<vmem>>) dst(%dma_wait3A_67 : memref<10112x16xf32, #tpu.memory_space<vmem_shared>>)
      %barrier3A_68 = arith.constant 0 : index
      tpu.barrier barrier_id(%barrier3A_68)
      "tpu.region"() ({
        %run_scoped3A = tpu.sem_alloc : memref<!tpu.dma_semaphore, #tpu.memory_space<semaphore_mem>>
        %dma_start3A_69 = arith.constant 0 : i32
        %dma_start3A_70 = tpu.memref_slice %arg5[%arg0, %mul3A_0, %dma_start3A_69] : memref<2x10112x16xf32, #tpu.memory_space<hbm>> -> memref<1x632x16xf32, #tpu.memory_space<hbm>>
        %dma_start3A_71 = tpu.memref_squeeze %dma_start3A_70 : memref<1x632x16xf32, #tpu.memory_space<hbm>> -> memref<632x16xf32, #tpu.memory_space<hbm>>
        %dma_start3A_72 = arith.constant 0 : i32
        %dma_start3A_73 = tpu.memref_slice %arg8[%mul3A_0, %dma_start3A_72] : memref<10112x16xf32, #tpu.memory_space<vmem_shared>> -> memref<632x16xf32, #tpu.memory_space<vmem_shared>>
        tpu.enqueue_dma source(%dma_start3A_73 : memref<632x16xf32, #tpu.memory_space<vmem_shared>>) target(%dma_start3A_71 : memref<632x16xf32, #tpu.memory_space<hbm>>) target_semaphore(%run_scoped3A : memref<!tpu.dma_semaphore, #tpu.memory_space<semaphore_mem>>)
        %dma_wait3A_74 = arith.constant 0 : i32
        %dma_wait3A_75 = tpu.memref_slice %arg5[%arg0, %mul3A_0, %dma_wait3A_74] : memref<2x10112x16xf32, #tpu.memory_space<hbm>> -> memref<1x632x16xf32, #tpu.memory_space<hbm>>
        %dma_wait3A_76 = tpu.memref_squeeze %dma_wait3A_75 : memref<1x632x16xf32, #tpu.memory_space<hbm>> -> memref<632x16xf32, #tpu.memory_space<hbm>>
        %dma_wait3A_77 = arith.constant 0 : i32
        %dma_wait3A_78 = tpu.memref_slice %arg8[%mul3A_0, %dma_wait3A_77] : memref<10112x16xf32, #tpu.memory_space<vmem_shared>> -> memref<632x16xf32, #tpu.memory_space<vmem_shared>>
        tpu.wait_dma2 semaphore(%run_scoped3A : memref<!tpu.dma_semaphore, #tpu.memory_space<semaphore_mem>>) src(%dma_wait3A_78 : memref<632x16xf32, #tpu.memory_space<vmem_shared>>) dst(%dma_wait3A_76 : memref<632x16xf32, #tpu.memory_space<hbm>>)
        tpu.yield
      }) : () -> ()
    } else {
    }
    return
  }
}

#map = affine_map<(d0, d1) -> (0, 0)>
#map1 = affine_map<(d0, d1) -> (0, 0, 0)>
module attributes {stable_mosaic.version = 14 : i64} {
  func.func @sc_scatter(%arg0: i32, %arg1: i32, %arg2: memref<10000x16xf32, #tpu.memory_space<hbm>>, %arg3: memref<2x320x512xi32, #tpu.memory_space<hbm>>, %arg4: memref<10112x16xf32, #tpu.memory_space<hbm>>, %arg5: memref<2x10112x16xf32, #tpu.memory_space<hbm>>, %arg6: memref<2x11x512xi32, #tpu.memory_space<vmem>>, %arg7: memref<2x512x16xf32, #tpu.memory_space<vmem>>, %arg8: memref<10112x16xf32, #tpu.memory_space<vmem_shared>>, %arg9: memref<!tpu.dma_semaphore, #tpu.memory_space<semaphore_mem>>, %arg10: memref<!tpu.dma_semaphore, #tpu.memory_space<semaphore_mem>>, %arg11: memref<!tpu.dma_semaphore, #tpu.memory_space<semaphore_mem>>) attributes {dimension_semantics = [#tpu.dimension_semantics<core_parallel>, #tpu.dimension_semantics<subcore_parallel>], iteration_bounds = array<i64: 2, 16>, scalar_prefetch = 0 : i64, scratch_operands = 6 : i64, tpu.core_type = #tpu.core_type<sc_vector_subcore>, window_params = [{transform_indices = #map}, {transform_indices = #map1}, {transform_indices = #map}, {transform_indices = #map1}]} {
    %mul3A = arith.constant 632 : i32
    %mul3A_0 = arith.muli %arg1, %mul3A : i32
    %eq3A = arith.constant 0 : i32
    %eq3A_1 = arith.cmpi eq, %arg0, %eq3A : i32
    %convert_element_type3A = arith.extui %eq3A_1 : i1 to i32
    %cond3A = arith.constant 0 : i32
    %cond3A_2 = arith.cmpi ne, %convert_element_type3A, %cond3A : i32
    scf.if %cond3A_2 {
      %mul3A_8 = arith.constant 11 : i32
      %mul3A_9 = arith.muli %arg1, %mul3A_8 : i32
      %dma_start3A = arith.constant 0 : i32
      %dma_start3A_10 = arith.constant 0 : i32
      %dma_start3A_11 = arith.constant 0 : i32
      %dma_start3A_12 = tpu.memref_slice %arg6[%dma_start3A, %dma_start3A_10, %dma_start3A_11] : memref<2x11x512xi32, #tpu.memory_space<vmem>> -> memref<2x11x512xi32, #tpu.memory_space<vmem>>
      %dma_start3A_13 = arith.constant 0 : i32
      %dma_start3A_14 = arith.constant 0 : i32
      %dma_start3A_15 = tpu.memref_slice %arg3[%dma_start3A_13, %mul3A_9, %dma_start3A_14] : memref<2x320x512xi32, #tpu.memory_space<hbm>> -> memref<2x11x512xi32, #tpu.memory_space<hbm>>
      %dma_start3A_16 = arith.constant 0 : i32
      %dma_start3A_17 = arith.constant 0 : i32
      %dma_start3A_18 = arith.constant 0 : i32
      %dma_start3A_19 = tpu.memref_slice %arg6[%dma_start3A_16, %dma_start3A_17, %dma_start3A_18] : memref<2x11x512xi32, #tpu.memory_space<vmem>> -> memref<2x11x512xi32, #tpu.memory_space<vmem>>
      %dma_start3A_20 = arith.constant 0 : i32
      %dma_start3A_21 = arith.constant 0 : i32
      %dma_start3A_22 = tpu.memref_slice %arg3[%dma_start3A_20, %mul3A_9, %dma_start3A_21] : memref<2x320x512xi32, #tpu.memory_space<hbm>> -> memref<2x11x512xi32, #tpu.memory_space<hbm>>
      tpu.enqueue_dma source(%dma_start3A_22 : memref<2x11x512xi32, #tpu.memory_space<hbm>>) target(%dma_start3A_19 : memref<2x11x512xi32, #tpu.memory_space<vmem>>) target_semaphore(%arg11 : memref<!tpu.dma_semaphore, #tpu.memory_space<semaphore_mem>>)
      "tpu.region"() ({
        %run_scoped3A = tpu.sem_alloc : memref<!tpu.dma_semaphore, #tpu.memory_space<semaphore_mem>>
        %dma_start3A_68 = arith.constant 0 : i32
        %dma_start3A_69 = tpu.memref_slice %arg8[%mul3A_0, %dma_start3A_68] : memref<10112x16xf32, #tpu.memory_space<vmem_shared>> -> memref<632x16xf32, #tpu.memory_space<vmem_shared>>
        %dma_start3A_70 = arith.constant 0 : i32
        %dma_start3A_71 = tpu.memref_slice %arg4[%mul3A_0, %dma_start3A_70] : memref<10112x16xf32, #tpu.memory_space<hbm>> -> memref<632x16xf32, #tpu.memory_space<hbm>>
        tpu.enqueue_dma source(%dma_start3A_71 : memref<632x16xf32, #tpu.memory_space<hbm>>) target(%dma_start3A_69 : memref<632x16xf32, #tpu.memory_space<vmem_shared>>) target_semaphore(%run_scoped3A : memref<!tpu.dma_semaphore, #tpu.memory_space<semaphore_mem>>)
        %dma_wait3A_72 = arith.constant 0 : i32
        %dma_wait3A_73 = tpu.memref_slice %arg8[%mul3A_0, %dma_wait3A_72] : memref<10112x16xf32, #tpu.memory_space<vmem_shared>> -> memref<632x16xf32, #tpu.memory_space<vmem_shared>>
        %dma_wait3A_74 = arith.constant 0 : i32
        %dma_wait3A_75 = tpu.memref_slice %arg4[%mul3A_0, %dma_wait3A_74] : memref<10112x16xf32, #tpu.memory_space<hbm>> -> memref<632x16xf32, #tpu.memory_space<hbm>>
        tpu.wait_dma2 semaphore(%run_scoped3A : memref<!tpu.dma_semaphore, #tpu.memory_space<semaphore_mem>>) src(%dma_wait3A_75 : memref<632x16xf32, #tpu.memory_space<hbm>>) dst(%dma_wait3A_73 : memref<632x16xf32, #tpu.memory_space<vmem_shared>>)
        tpu.yield
      }) : () -> ()
      %dma_wait3A = arith.constant 0 : i32
      %dma_wait3A_23 = arith.constant 0 : i32
      %dma_wait3A_24 = arith.constant 0 : i32
      %dma_wait3A_25 = tpu.memref_slice %arg6[%dma_wait3A, %dma_wait3A_23, %dma_wait3A_24] : memref<2x11x512xi32, #tpu.memory_space<vmem>> -> memref<2x11x512xi32, #tpu.memory_space<vmem>>
      %dma_wait3A_26 = arith.constant 0 : i32
      %dma_wait3A_27 = arith.constant 0 : i32
      %dma_wait3A_28 = tpu.memref_slice %arg3[%dma_wait3A_26, %mul3A_9, %dma_wait3A_27] : memref<2x320x512xi32, #tpu.memory_space<hbm>> -> memref<2x11x512xi32, #tpu.memory_space<hbm>>
      %dma_wait3A_29 = arith.constant 0 : i32
      %dma_wait3A_30 = arith.constant 0 : i32
      %dma_wait3A_31 = arith.constant 0 : i32
      %dma_wait3A_32 = tpu.memref_slice %arg6[%dma_wait3A_29, %dma_wait3A_30, %dma_wait3A_31] : memref<2x11x512xi32, #tpu.memory_space<vmem>> -> memref<2x11x512xi32, #tpu.memory_space<vmem>>
      %dma_wait3A_33 = arith.constant 0 : i32
      %dma_wait3A_34 = arith.constant 0 : i32
      %dma_wait3A_35 = tpu.memref_slice %arg3[%dma_wait3A_33, %mul3A_9, %dma_wait3A_34] : memref<2x320x512xi32, #tpu.memory_space<hbm>> -> memref<2x11x512xi32, #tpu.memory_space<hbm>>
      tpu.wait_dma2 semaphore(%arg11 : memref<!tpu.dma_semaphore, #tpu.memory_space<semaphore_mem>>) src(%dma_wait3A_35 : memref<2x11x512xi32, #tpu.memory_space<hbm>>) dst(%dma_wait3A_32 : memref<2x11x512xi32, #tpu.memory_space<vmem>>)
      %barrier3A = arith.constant 0 : index
      tpu.barrier barrier_id(%barrier3A)
      %dma_start3A_36 = arith.constant 0 : i32
      %dma_start3A_37 = arith.constant 0 : i32
      %dma_start3A_38 = arith.constant 0 : i32
      %dma_start3A_39 = arith.constant 0 : i32
      %dma_start3A_40 = arith.constant 0 : i32
      %dma_start3A_41 = tpu.memref_slice %arg7[%dma_start3A_38, %dma_start3A_39, %dma_start3A_40] : memref<2x512x16xf32, #tpu.memory_space<vmem>> -> memref<1x512x16xf32, #tpu.memory_space<vmem>>
      %dma_start3A_42 = tpu.memref_squeeze %dma_start3A_41 : memref<1x512x16xf32, #tpu.memory_space<vmem>> -> memref<512x16xf32, #tpu.memory_space<vmem>>
      %dma_start3A_43 = arith.constant 0 : i32
      %dma_start3A_44 = tpu.memref_slice %arg6[%dma_start3A_36, %dma_start3A_37, %dma_start3A_43] : memref<2x11x512xi32, #tpu.memory_space<vmem>> -> memref<1x1x512xi32, #tpu.memory_space<vmem>>
      %dma_start3A_45 = tpu.memref_squeeze %dma_start3A_44 : memref<1x1x512xi32, #tpu.memory_space<vmem>> -> memref<512xi32, #tpu.memory_space<vmem>>
      %dma_start3A_46 = arith.constant 0 : i32
      %dma_start3A_47 = arith.constant 0 : i32
      %dma_start3A_48 = tpu.memref_slice %arg2[%dma_start3A_46, %dma_start3A_47] : memref<10000x16xf32, #tpu.memory_space<hbm>> -> memref<10000x16xf32, #tpu.memory_space<hbm>>
      tpu.enqueue_indirect_dma source(%dma_start3A_48 : memref<10000x16xf32, #tpu.memory_space<hbm>>) target(%dma_start3A_42 : memref<512x16xf32, #tpu.memory_space<vmem>>) offsets(%dma_start3A_45 : memref<512xi32, #tpu.memory_space<vmem>>) semaphore(%arg9 : memref<!tpu.dma_semaphore, #tpu.memory_space<semaphore_mem>>)
      %scan3A = arith.constant 0 : i32
      %scan3A_49 = arith.constant 0 : i32
      %scan3A_50 = arith.constant 11 : i32
      %scan3A_51 = arith.addi %scan3A_49, %scan3A_50 : i32
      %scan3A_52 = arith.constant 1 : i32
      scf.for %scan3A_68 = %scan3A_49 to %scan3A_51 step %scan3A_52  : i32 {
        %rem3A = arith.constant 2 : i32
        %rem3A_69 = arith.remsi %scan3A_68, %rem3A : i32
        %sub3A = arith.constant 1 : i32
        %sub3A_70 = arith.subi %sub3A, %rem3A_69 : i32
        %ge3A = arith.constant 1 : i32
        %ge3A_71 = arith.cmpi sge, %scan3A_68, %ge3A : i32
        %convert_element_type3A_72 = arith.extui %ge3A_71 : i1 to i32
        %cond3A_73 = arith.constant 0 : i32
        %cond3A_74 = arith.cmpi ne, %convert_element_type3A_72, %cond3A_73 : i32
        scf.if %cond3A_74 {
          %sub3A_102 = arith.constant 1 : i32
          %sub3A_103 = arith.subi %scan3A_68, %sub3A_102 : i32
          %dma_wait3A_104 = arith.constant 1 : i32
          %dma_wait3A_105 = arith.constant 0 : i32
          %dma_wait3A_106 = arith.constant 0 : i32
          %dma_wait3A_107 = tpu.memref_slice %arg7[%sub3A_70, %dma_wait3A_105, %dma_wait3A_106] : memref<2x512x16xf32, #tpu.memory_space<vmem>> -> memref<1x512x16xf32, #tpu.memory_space<vmem>>
          %dma_wait3A_108 = tpu.memref_squeeze %dma_wait3A_107 : memref<1x512x16xf32, #tpu.memory_space<vmem>> -> memref<512x16xf32, #tpu.memory_space<vmem>>
          %dma_wait3A_109 = arith.constant 0 : i32
          %dma_wait3A_110 = tpu.memref_slice %arg6[%dma_wait3A_104, %sub3A_103, %dma_wait3A_109] : memref<2x11x512xi32, #tpu.memory_space<vmem>> -> memref<1x1x512xi32, #tpu.memory_space<vmem>>
          %dma_wait3A_111 = tpu.memref_squeeze %dma_wait3A_110 : memref<1x1x512xi32, #tpu.memory_space<vmem>> -> memref<512xi32, #tpu.memory_space<vmem>>
          %dma_wait3A_112 = arith.constant 0 : i32
          %dma_wait3A_113 = arith.constant 0 : i32
          %dma_wait3A_114 = tpu.memref_slice %arg8[%dma_wait3A_112, %dma_wait3A_113] : memref<10112x16xf32, #tpu.memory_space<vmem_shared>> -> memref<10112x16xf32, #tpu.memory_space<vmem_shared>>
          tpu.wait_indirect_dma semaphore(%arg10 : memref<!tpu.dma_semaphore, #tpu.memory_space<semaphore_mem>>) src(%dma_wait3A_108 : memref<512x16xf32, #tpu.memory_space<vmem>>) dst(%dma_wait3A_114 : memref<10112x16xf32, #tpu.memory_space<vmem_shared>>)
        } else {
        }
        %add3A = arith.constant 1 : i32
        %add3A_75 = arith.addi %scan3A_68, %add3A : i32
        %lt3A = arith.constant 11 : i32
        %lt3A_76 = arith.cmpi slt, %add3A_75, %lt3A : i32
        %convert_element_type3A_77 = arith.extui %lt3A_76 : i1 to i32
        %cond3A_78 = arith.constant 0 : i32
        %cond3A_79 = arith.cmpi ne, %convert_element_type3A_77, %cond3A_78 : i32
        scf.if %cond3A_79 {
          %add3A_102 = arith.constant 1 : i32
          %add3A_103 = arith.addi %scan3A_68, %add3A_102 : i32
          %dma_start3A_104 = arith.constant 0 : i32
          %dma_start3A_105 = arith.constant 0 : i32
          %dma_start3A_106 = arith.constant 0 : i32
          %dma_start3A_107 = tpu.memref_slice %arg7[%sub3A_70, %dma_start3A_105, %dma_start3A_106] : memref<2x512x16xf32, #tpu.memory_space<vmem>> -> memref<1x512x16xf32, #tpu.memory_space<vmem>>
          %dma_start3A_108 = tpu.memref_squeeze %dma_start3A_107 : memref<1x512x16xf32, #tpu.memory_space<vmem>> -> memref<512x16xf32, #tpu.memory_space<vmem>>
          %dma_start3A_109 = arith.constant 0 : i32
          %dma_start3A_110 = tpu.memref_slice %arg6[%dma_start3A_104, %add3A_103, %dma_start3A_109] : memref<2x11x512xi32, #tpu.memory_space<vmem>> -> memref<1x1x512xi32, #tpu.memory_space<vmem>>
          %dma_start3A_111 = tpu.memref_squeeze %dma_start3A_110 : memref<1x1x512xi32, #tpu.memory_space<vmem>> -> memref<512xi32, #tpu.memory_space<vmem>>
          %dma_start3A_112 = arith.constant 0 : i32
          %dma_start3A_113 = arith.constant 0 : i32
          %dma_start3A_114 = tpu.memref_slice %arg2[%dma_start3A_112, %dma_start3A_113] : memref<10000x16xf32, #tpu.memory_space<hbm>> -> memref<10000x16xf32, #tpu.memory_space<hbm>>
          tpu.enqueue_indirect_dma source(%dma_start3A_114 : memref<10000x16xf32, #tpu.memory_space<hbm>>) target(%dma_start3A_108 : memref<512x16xf32, #tpu.memory_space<vmem>>) offsets(%dma_start3A_111 : memref<512xi32, #tpu.memory_space<vmem>>) semaphore(%arg9 : memref<!tpu.dma_semaphore, #tpu.memory_space<semaphore_mem>>)
        } else {
        }
        %dma_wait3A_80 = arith.constant 0 : i32
        %dma_wait3A_81 = arith.constant 0 : i32
        %dma_wait3A_82 = arith.constant 0 : i32
        %dma_wait3A_83 = tpu.memref_slice %arg7[%rem3A_69, %dma_wait3A_81, %dma_wait3A_82] : memref<2x512x16xf32, #tpu.memory_space<vmem>> -> memref<1x512x16xf32, #tpu.memory_space<vmem>>
        %dma_wait3A_84 = tpu.memref_squeeze %dma_wait3A_83 : memref<1x512x16xf32, #tpu.memory_space<vmem>> -> memref<512x16xf32, #tpu.memory_space<vmem>>
        %dma_wait3A_85 = arith.constant 0 : i32
        %dma_wait3A_86 = tpu.memref_slice %arg6[%dma_wait3A_80, %scan3A_68, %dma_wait3A_85] : memref<2x11x512xi32, #tpu.memory_space<vmem>> -> memref<1x1x512xi32, #tpu.memory_space<vmem>>
        %dma_wait3A_87 = tpu.memref_squeeze %dma_wait3A_86 : memref<1x1x512xi32, #tpu.memory_space<vmem>> -> memref<512xi32, #tpu.memory_space<vmem>>
        %dma_wait3A_88 = arith.constant 0 : i32
        %dma_wait3A_89 = arith.constant 0 : i32
        %dma_wait3A_90 = tpu.memref_slice %arg2[%dma_wait3A_88, %dma_wait3A_89] : memref<10000x16xf32, #tpu.memory_space<hbm>> -> memref<10000x16xf32, #tpu.memory_space<hbm>>
        tpu.wait_indirect_dma semaphore(%arg9 : memref<!tpu.dma_semaphore, #tpu.memory_space<semaphore_mem>>) src(%dma_wait3A_90 : memref<10000x16xf32, #tpu.memory_space<hbm>>) dst(%dma_wait3A_84 : memref<512x16xf32, #tpu.memory_space<vmem>>)
        %dma_start3A_91 = arith.constant 1 : i32
        %dma_start3A_92 = arith.constant 0 : i32
        %dma_start3A_93 = arith.constant 0 : i32
        %dma_start3A_94 = tpu.memref_slice %arg7[%rem3A_69, %dma_start3A_92, %dma_start3A_93] : memref<2x512x16xf32, #tpu.memory_space<vmem>> -> memref<1x512x16xf32, #tpu.memory_space<vmem>>
        %dma_start3A_95 = tpu.memref_squeeze %dma_start3A_94 : memref<1x512x16xf32, #tpu.memory_space<vmem>> -> memref<512x16xf32, #tpu.memory_space<vmem>>
        %dma_start3A_96 = arith.constant 0 : i32
        %dma_start3A_97 = tpu.memref_slice %arg6[%dma_start3A_91, %scan3A_68, %dma_start3A_96] : memref<2x11x512xi32, #tpu.memory_space<vmem>> -> memref<1x1x512xi32, #tpu.memory_space<vmem>>
        %dma_start3A_98 = tpu.memref_squeeze %dma_start3A_97 : memref<1x1x512xi32, #tpu.memory_space<vmem>> -> memref<512xi32, #tpu.memory_space<vmem>>
        %dma_start3A_99 = arith.constant 0 : i32
        %dma_start3A_100 = arith.constant 0 : i32
        %dma_start3A_101 = tpu.memref_slice %arg8[%dma_start3A_99, %dma_start3A_100] : memref<10112x16xf32, #tpu.memory_space<vmem_shared>> -> memref<10112x16xf32, #tpu.memory_space<vmem_shared>>
        tpu.enqueue_indirect_dma source(%dma_start3A_95 : memref<512x16xf32, #tpu.memory_space<vmem>>) target(%dma_start3A_101 : memref<10112x16xf32, #tpu.memory_space<vmem_shared>>) offsets(%dma_start3A_98 : memref<512xi32, #tpu.memory_space<vmem>>) semaphore(%arg10 : memref<!tpu.dma_semaphore, #tpu.memory_space<semaphore_mem>>) {add = true}
      }
      %scan3A_53 = arith.constant 11 : i32
      %dma_wait3A_54 = arith.constant 0 : i32
      %dma_wait3A_55 = arith.constant 1 : i32
      %dma_wait3A_56 = arith.constant 10 : i32
      %dma_wait3A_57 = arith.constant 0 : i32
      %dma_wait3A_58 = arith.constant 0 : i32
      %dma_wait3A_59 = tpu.memref_slice %arg7[%dma_wait3A_54, %dma_wait3A_57, %dma_wait3A_58] : memref<2x512x16xf32, #tpu.memory_space<vmem>> -> memref<1x512x16xf32, #tpu.memory_space<vmem>>
      %dma_wait3A_60 = tpu.memref_squeeze %dma_wait3A_59 : memref<1x512x16xf32, #tpu.memory_space<vmem>> -> memref<512x16xf32, #tpu.memory_space<vmem>>
      %dma_wait3A_61 = arith.constant 0 : i32
      %dma_wait3A_62 = tpu.memref_slice %arg6[%dma_wait3A_55, %dma_wait3A_56, %dma_wait3A_61] : memref<2x11x512xi32, #tpu.memory_space<vmem>> -> memref<1x1x512xi32, #tpu.memory_space<vmem>>
      %dma_wait3A_63 = tpu.memref_squeeze %dma_wait3A_62 : memref<1x1x512xi32, #tpu.memory_space<vmem>> -> memref<512xi32, #tpu.memory_space<vmem>>
      %dma_wait3A_64 = arith.constant 0 : i32
      %dma_wait3A_65 = arith.constant 0 : i32
      %dma_wait3A_66 = tpu.memref_slice %arg8[%dma_wait3A_64, %dma_wait3A_65] : memref<10112x16xf32, #tpu.memory_space<vmem_shared>> -> memref<10112x16xf32, #tpu.memory_space<vmem_shared>>
      tpu.wait_indirect_dma semaphore(%arg10 : memref<!tpu.dma_semaphore, #tpu.memory_space<semaphore_mem>>) src(%dma_wait3A_60 : memref<512x16xf32, #tpu.memory_space<vmem>>) dst(%dma_wait3A_66 : memref<10112x16xf32, #tpu.memory_space<vmem_shared>>)
      %barrier3A_67 = arith.constant 0 : index
      tpu.barrier barrier_id(%barrier3A_67)
      "tpu.region"() ({
        %run_scoped3A = tpu.sem_alloc : memref<!tpu.dma_semaphore, #tpu.memory_space<semaphore_mem>>
        %dma_start3A_68 = arith.constant 0 : i32
        %dma_start3A_69 = tpu.memref_slice %arg5[%arg0, %mul3A_0, %dma_start3A_68] : memref<2x10112x16xf32, #tpu.memory_space<hbm>> -> memref<1x632x16xf32, #tpu.memory_space<hbm>>
        %dma_start3A_70 = tpu.memref_squeeze %dma_start3A_69 : memref<1x632x16xf32, #tpu.memory_space<hbm>> -> memref<632x16xf32, #tpu.memory_space<hbm>>
        %dma_start3A_71 = arith.constant 0 : i32
        %dma_start3A_72 = tpu.memref_slice %arg8[%mul3A_0, %dma_start3A_71] : memref<10112x16xf32, #tpu.memory_space<vmem_shared>> -> memref<632x16xf32, #tpu.memory_space<vmem_shared>>
        tpu.enqueue_dma source(%dma_start3A_72 : memref<632x16xf32, #tpu.memory_space<vmem_shared>>) target(%dma_start3A_70 : memref<632x16xf32, #tpu.memory_space<hbm>>) target_semaphore(%run_scoped3A : memref<!tpu.dma_semaphore, #tpu.memory_space<semaphore_mem>>)
        %dma_wait3A_73 = arith.constant 0 : i32
        %dma_wait3A_74 = tpu.memref_slice %arg5[%arg0, %mul3A_0, %dma_wait3A_73] : memref<2x10112x16xf32, #tpu.memory_space<hbm>> -> memref<1x632x16xf32, #tpu.memory_space<hbm>>
        %dma_wait3A_75 = tpu.memref_squeeze %dma_wait3A_74 : memref<1x632x16xf32, #tpu.memory_space<hbm>> -> memref<632x16xf32, #tpu.memory_space<hbm>>
        %dma_wait3A_76 = arith.constant 0 : i32
        %dma_wait3A_77 = tpu.memref_slice %arg8[%mul3A_0, %dma_wait3A_76] : memref<10112x16xf32, #tpu.memory_space<vmem_shared>> -> memref<632x16xf32, #tpu.memory_space<vmem_shared>>
        tpu.wait_dma2 semaphore(%run_scoped3A : memref<!tpu.dma_semaphore, #tpu.memory_space<semaphore_mem>>) src(%dma_wait3A_77 : memref<632x16xf32, #tpu.memory_space<vmem_shared>>) dst(%dma_wait3A_75 : memref<632x16xf32, #tpu.memory_space<hbm>>)
        tpu.yield
      }) : () -> ()
    } else {
    }
    %eq3A_3 = arith.constant 1 : i32
    %eq3A_4 = arith.cmpi eq, %arg0, %eq3A_3 : i32
    %convert_element_type3A_5 = arith.extui %eq3A_4 : i1 to i32
    %cond3A_6 = arith.constant 0 : i32
    %cond3A_7 = arith.cmpi ne, %convert_element_type3A_5, %cond3A_6 : i32
    scf.if %cond3A_7 {
      %mul3A_8 = arith.constant 9 : i32
      %mul3A_9 = arith.muli %arg1, %mul3A_8 : i32
      %add3A = arith.constant 176 : i32
      %add3A_10 = arith.addi %add3A, %mul3A_9 : i32
      %dma_start3A = arith.constant 0 : i32
      %dma_start3A_11 = arith.constant 0 : i32
      %dma_start3A_12 = arith.constant 0 : i32
      %dma_start3A_13 = tpu.memref_slice %arg6[%dma_start3A, %dma_start3A_11, %dma_start3A_12] : memref<2x11x512xi32, #tpu.memory_space<vmem>> -> memref<2x9x512xi32, #tpu.memory_space<vmem>>
      %dma_start3A_14 = arith.constant 0 : i32
      %dma_start3A_15 = arith.constant 0 : i32
      %dma_start3A_16 = tpu.memref_slice %arg3[%dma_start3A_14, %add3A_10, %dma_start3A_15] : memref<2x320x512xi32, #tpu.memory_space<hbm>> -> memref<2x9x512xi32, #tpu.memory_space<hbm>>
      %dma_start3A_17 = arith.constant 0 : i32
      %dma_start3A_18 = arith.constant 0 : i32
      %dma_start3A_19 = arith.constant 0 : i32
      %dma_start3A_20 = tpu.memref_slice %arg6[%dma_start3A_17, %dma_start3A_18, %dma_start3A_19] : memref<2x11x512xi32, #tpu.memory_space<vmem>> -> memref<2x9x512xi32, #tpu.memory_space<vmem>>
      %dma_start3A_21 = arith.constant 0 : i32
      %dma_start3A_22 = arith.constant 0 : i32
      %dma_start3A_23 = tpu.memref_slice %arg3[%dma_start3A_21, %add3A_10, %dma_start3A_22] : memref<2x320x512xi32, #tpu.memory_space<hbm>> -> memref<2x9x512xi32, #tpu.memory_space<hbm>>
      tpu.enqueue_dma source(%dma_start3A_23 : memref<2x9x512xi32, #tpu.memory_space<hbm>>) target(%dma_start3A_20 : memref<2x9x512xi32, #tpu.memory_space<vmem>>) target_semaphore(%arg11 : memref<!tpu.dma_semaphore, #tpu.memory_space<semaphore_mem>>)
      "tpu.region"() ({
        %run_scoped3A = tpu.sem_alloc : memref<!tpu.dma_semaphore, #tpu.memory_space<semaphore_mem>>
        %dma_start3A_69 = arith.constant 0 : i32
        %dma_start3A_70 = tpu.memref_slice %arg8[%mul3A_0, %dma_start3A_69] : memref<10112x16xf32, #tpu.memory_space<vmem_shared>> -> memref<632x16xf32, #tpu.memory_space<vmem_shared>>
        %dma_start3A_71 = arith.constant 0 : i32
        %dma_start3A_72 = tpu.memref_slice %arg4[%mul3A_0, %dma_start3A_71] : memref<10112x16xf32, #tpu.memory_space<hbm>> -> memref<632x16xf32, #tpu.memory_space<hbm>>
        tpu.enqueue_dma source(%dma_start3A_72 : memref<632x16xf32, #tpu.memory_space<hbm>>) target(%dma_start3A_70 : memref<632x16xf32, #tpu.memory_space<vmem_shared>>) target_semaphore(%run_scoped3A : memref<!tpu.dma_semaphore, #tpu.memory_space<semaphore_mem>>)
        %dma_wait3A_73 = arith.constant 0 : i32
        %dma_wait3A_74 = tpu.memref_slice %arg8[%mul3A_0, %dma_wait3A_73] : memref<10112x16xf32, #tpu.memory_space<vmem_shared>> -> memref<632x16xf32, #tpu.memory_space<vmem_shared>>
        %dma_wait3A_75 = arith.constant 0 : i32
        %dma_wait3A_76 = tpu.memref_slice %arg4[%mul3A_0, %dma_wait3A_75] : memref<10112x16xf32, #tpu.memory_space<hbm>> -> memref<632x16xf32, #tpu.memory_space<hbm>>
        tpu.wait_dma2 semaphore(%run_scoped3A : memref<!tpu.dma_semaphore, #tpu.memory_space<semaphore_mem>>) src(%dma_wait3A_76 : memref<632x16xf32, #tpu.memory_space<hbm>>) dst(%dma_wait3A_74 : memref<632x16xf32, #tpu.memory_space<vmem_shared>>)
        tpu.yield
      }) : () -> ()
      %dma_wait3A = arith.constant 0 : i32
      %dma_wait3A_24 = arith.constant 0 : i32
      %dma_wait3A_25 = arith.constant 0 : i32
      %dma_wait3A_26 = tpu.memref_slice %arg6[%dma_wait3A, %dma_wait3A_24, %dma_wait3A_25] : memref<2x11x512xi32, #tpu.memory_space<vmem>> -> memref<2x9x512xi32, #tpu.memory_space<vmem>>
      %dma_wait3A_27 = arith.constant 0 : i32
      %dma_wait3A_28 = arith.constant 0 : i32
      %dma_wait3A_29 = tpu.memref_slice %arg3[%dma_wait3A_27, %add3A_10, %dma_wait3A_28] : memref<2x320x512xi32, #tpu.memory_space<hbm>> -> memref<2x9x512xi32, #tpu.memory_space<hbm>>
      %dma_wait3A_30 = arith.constant 0 : i32
      %dma_wait3A_31 = arith.constant 0 : i32
      %dma_wait3A_32 = arith.constant 0 : i32
      %dma_wait3A_33 = tpu.memref_slice %arg6[%dma_wait3A_30, %dma_wait3A_31, %dma_wait3A_32] : memref<2x11x512xi32, #tpu.memory_space<vmem>> -> memref<2x9x512xi32, #tpu.memory_space<vmem>>
      %dma_wait3A_34 = arith.constant 0 : i32
      %dma_wait3A_35 = arith.constant 0 : i32
      %dma_wait3A_36 = tpu.memref_slice %arg3[%dma_wait3A_34, %add3A_10, %dma_wait3A_35] : memref<2x320x512xi32, #tpu.memory_space<hbm>> -> memref<2x9x512xi32, #tpu.memory_space<hbm>>
      tpu.wait_dma2 semaphore(%arg11 : memref<!tpu.dma_semaphore, #tpu.memory_space<semaphore_mem>>) src(%dma_wait3A_36 : memref<2x9x512xi32, #tpu.memory_space<hbm>>) dst(%dma_wait3A_33 : memref<2x9x512xi32, #tpu.memory_space<vmem>>)
      %barrier3A = arith.constant 0 : index
      tpu.barrier barrier_id(%barrier3A)
      %dma_start3A_37 = arith.constant 0 : i32
      %dma_start3A_38 = arith.constant 0 : i32
      %dma_start3A_39 = arith.constant 0 : i32
      %dma_start3A_40 = arith.constant 0 : i32
      %dma_start3A_41 = arith.constant 0 : i32
      %dma_start3A_42 = tpu.memref_slice %arg7[%dma_start3A_39, %dma_start3A_40, %dma_start3A_41] : memref<2x512x16xf32, #tpu.memory_space<vmem>> -> memref<1x512x16xf32, #tpu.memory_space<vmem>>
      %dma_start3A_43 = tpu.memref_squeeze %dma_start3A_42 : memref<1x512x16xf32, #tpu.memory_space<vmem>> -> memref<512x16xf32, #tpu.memory_space<vmem>>
      %dma_start3A_44 = arith.constant 0 : i32
      %dma_start3A_45 = tpu.memref_slice %arg6[%dma_start3A_37, %dma_start3A_38, %dma_start3A_44] : memref<2x11x512xi32, #tpu.memory_space<vmem>> -> memref<1x1x512xi32, #tpu.memory_space<vmem>>
      %dma_start3A_46 = tpu.memref_squeeze %dma_start3A_45 : memref<1x1x512xi32, #tpu.memory_space<vmem>> -> memref<512xi32, #tpu.memory_space<vmem>>
      %dma_start3A_47 = arith.constant 0 : i32
      %dma_start3A_48 = arith.constant 0 : i32
      %dma_start3A_49 = tpu.memref_slice %arg2[%dma_start3A_47, %dma_start3A_48] : memref<10000x16xf32, #tpu.memory_space<hbm>> -> memref<10000x16xf32, #tpu.memory_space<hbm>>
      tpu.enqueue_indirect_dma source(%dma_start3A_49 : memref<10000x16xf32, #tpu.memory_space<hbm>>) target(%dma_start3A_43 : memref<512x16xf32, #tpu.memory_space<vmem>>) offsets(%dma_start3A_46 : memref<512xi32, #tpu.memory_space<vmem>>) semaphore(%arg9 : memref<!tpu.dma_semaphore, #tpu.memory_space<semaphore_mem>>)
      %scan3A = arith.constant 0 : i32
      %scan3A_50 = arith.constant 0 : i32
      %scan3A_51 = arith.constant 9 : i32
      %scan3A_52 = arith.addi %scan3A_50, %scan3A_51 : i32
      %scan3A_53 = arith.constant 1 : i32
      scf.for %scan3A_69 = %scan3A_50 to %scan3A_52 step %scan3A_53  : i32 {
        %rem3A = arith.constant 2 : i32
        %rem3A_70 = arith.remsi %scan3A_69, %rem3A : i32
        %sub3A = arith.constant 1 : i32
        %sub3A_71 = arith.subi %sub3A, %rem3A_70 : i32
        %ge3A = arith.constant 1 : i32
        %ge3A_72 = arith.cmpi sge, %scan3A_69, %ge3A : i32
        %convert_element_type3A_73 = arith.extui %ge3A_72 : i1 to i32
        %cond3A_74 = arith.constant 0 : i32
        %cond3A_75 = arith.cmpi ne, %convert_element_type3A_73, %cond3A_74 : i32
        scf.if %cond3A_75 {
          %sub3A_104 = arith.constant 1 : i32
          %sub3A_105 = arith.subi %scan3A_69, %sub3A_104 : i32
          %dma_wait3A_106 = arith.constant 1 : i32
          %dma_wait3A_107 = arith.constant 0 : i32
          %dma_wait3A_108 = arith.constant 0 : i32
          %dma_wait3A_109 = tpu.memref_slice %arg7[%sub3A_71, %dma_wait3A_107, %dma_wait3A_108] : memref<2x512x16xf32, #tpu.memory_space<vmem>> -> memref<1x512x16xf32, #tpu.memory_space<vmem>>
          %dma_wait3A_110 = tpu.memref_squeeze %dma_wait3A_109 : memref<1x512x16xf32, #tpu.memory_space<vmem>> -> memref<512x16xf32, #tpu.memory_space<vmem>>
          %dma_wait3A_111 = arith.constant 0 : i32
          %dma_wait3A_112 = tpu.memref_slice %arg6[%dma_wait3A_106, %sub3A_105, %dma_wait3A_111] : memref<2x11x512xi32, #tpu.memory_space<vmem>> -> memref<1x1x512xi32, #tpu.memory_space<vmem>>
          %dma_wait3A_113 = tpu.memref_squeeze %dma_wait3A_112 : memref<1x1x512xi32, #tpu.memory_space<vmem>> -> memref<512xi32, #tpu.memory_space<vmem>>
          %dma_wait3A_114 = arith.constant 0 : i32
          %dma_wait3A_115 = arith.constant 0 : i32
          %dma_wait3A_116 = tpu.memref_slice %arg8[%dma_wait3A_114, %dma_wait3A_115] : memref<10112x16xf32, #tpu.memory_space<vmem_shared>> -> memref<10112x16xf32, #tpu.memory_space<vmem_shared>>
          tpu.wait_indirect_dma semaphore(%arg10 : memref<!tpu.dma_semaphore, #tpu.memory_space<semaphore_mem>>) src(%dma_wait3A_110 : memref<512x16xf32, #tpu.memory_space<vmem>>) dst(%dma_wait3A_116 : memref<10112x16xf32, #tpu.memory_space<vmem_shared>>)
        } else {
        }
        %add3A_76 = arith.constant 1 : i32
        %add3A_77 = arith.addi %scan3A_69, %add3A_76 : i32
        %lt3A = arith.constant 9 : i32
        %lt3A_78 = arith.cmpi slt, %add3A_77, %lt3A : i32
        %convert_element_type3A_79 = arith.extui %lt3A_78 : i1 to i32
        %cond3A_80 = arith.constant 0 : i32
        %cond3A_81 = arith.cmpi ne, %convert_element_type3A_79, %cond3A_80 : i32
        scf.if %cond3A_81 {
          %add3A_104 = arith.constant 1 : i32
          %add3A_105 = arith.addi %scan3A_69, %add3A_104 : i32
          %dma_start3A_106 = arith.constant 0 : i32
          %dma_start3A_107 = arith.constant 0 : i32
          %dma_start3A_108 = arith.constant 0 : i32
          %dma_start3A_109 = tpu.memref_slice %arg7[%sub3A_71, %dma_start3A_107, %dma_start3A_108] : memref<2x512x16xf32, #tpu.memory_space<vmem>> -> memref<1x512x16xf32, #tpu.memory_space<vmem>>
          %dma_start3A_110 = tpu.memref_squeeze %dma_start3A_109 : memref<1x512x16xf32, #tpu.memory_space<vmem>> -> memref<512x16xf32, #tpu.memory_space<vmem>>
          %dma_start3A_111 = arith.constant 0 : i32
          %dma_start3A_112 = tpu.memref_slice %arg6[%dma_start3A_106, %add3A_105, %dma_start3A_111] : memref<2x11x512xi32, #tpu.memory_space<vmem>> -> memref<1x1x512xi32, #tpu.memory_space<vmem>>
          %dma_start3A_113 = tpu.memref_squeeze %dma_start3A_112 : memref<1x1x512xi32, #tpu.memory_space<vmem>> -> memref<512xi32, #tpu.memory_space<vmem>>
          %dma_start3A_114 = arith.constant 0 : i32
          %dma_start3A_115 = arith.constant 0 : i32
          %dma_start3A_116 = tpu.memref_slice %arg2[%dma_start3A_114, %dma_start3A_115] : memref<10000x16xf32, #tpu.memory_space<hbm>> -> memref<10000x16xf32, #tpu.memory_space<hbm>>
          tpu.enqueue_indirect_dma source(%dma_start3A_116 : memref<10000x16xf32, #tpu.memory_space<hbm>>) target(%dma_start3A_110 : memref<512x16xf32, #tpu.memory_space<vmem>>) offsets(%dma_start3A_113 : memref<512xi32, #tpu.memory_space<vmem>>) semaphore(%arg9 : memref<!tpu.dma_semaphore, #tpu.memory_space<semaphore_mem>>)
        } else {
        }
        %dma_wait3A_82 = arith.constant 0 : i32
        %dma_wait3A_83 = arith.constant 0 : i32
        %dma_wait3A_84 = arith.constant 0 : i32
        %dma_wait3A_85 = tpu.memref_slice %arg7[%rem3A_70, %dma_wait3A_83, %dma_wait3A_84] : memref<2x512x16xf32, #tpu.memory_space<vmem>> -> memref<1x512x16xf32, #tpu.memory_space<vmem>>
        %dma_wait3A_86 = tpu.memref_squeeze %dma_wait3A_85 : memref<1x512x16xf32, #tpu.memory_space<vmem>> -> memref<512x16xf32, #tpu.memory_space<vmem>>
        %dma_wait3A_87 = arith.constant 0 : i32
        %dma_wait3A_88 = tpu.memref_slice %arg6[%dma_wait3A_82, %scan3A_69, %dma_wait3A_87] : memref<2x11x512xi32, #tpu.memory_space<vmem>> -> memref<1x1x512xi32, #tpu.memory_space<vmem>>
        %dma_wait3A_89 = tpu.memref_squeeze %dma_wait3A_88 : memref<1x1x512xi32, #tpu.memory_space<vmem>> -> memref<512xi32, #tpu.memory_space<vmem>>
        %dma_wait3A_90 = arith.constant 0 : i32
        %dma_wait3A_91 = arith.constant 0 : i32
        %dma_wait3A_92 = tpu.memref_slice %arg2[%dma_wait3A_90, %dma_wait3A_91] : memref<10000x16xf32, #tpu.memory_space<hbm>> -> memref<10000x16xf32, #tpu.memory_space<hbm>>
        tpu.wait_indirect_dma semaphore(%arg9 : memref<!tpu.dma_semaphore, #tpu.memory_space<semaphore_mem>>) src(%dma_wait3A_92 : memref<10000x16xf32, #tpu.memory_space<hbm>>) dst(%dma_wait3A_86 : memref<512x16xf32, #tpu.memory_space<vmem>>)
        %dma_start3A_93 = arith.constant 1 : i32
        %dma_start3A_94 = arith.constant 0 : i32
        %dma_start3A_95 = arith.constant 0 : i32
        %dma_start3A_96 = tpu.memref_slice %arg7[%rem3A_70, %dma_start3A_94, %dma_start3A_95] : memref<2x512x16xf32, #tpu.memory_space<vmem>> -> memref<1x512x16xf32, #tpu.memory_space<vmem>>
        %dma_start3A_97 = tpu.memref_squeeze %dma_start3A_96 : memref<1x512x16xf32, #tpu.memory_space<vmem>> -> memref<512x16xf32, #tpu.memory_space<vmem>>
        %dma_start3A_98 = arith.constant 0 : i32
        %dma_start3A_99 = tpu.memref_slice %arg6[%dma_start3A_93, %scan3A_69, %dma_start3A_98] : memref<2x11x512xi32, #tpu.memory_space<vmem>> -> memref<1x1x512xi32, #tpu.memory_space<vmem>>
        %dma_start3A_100 = tpu.memref_squeeze %dma_start3A_99 : memref<1x1x512xi32, #tpu.memory_space<vmem>> -> memref<512xi32, #tpu.memory_space<vmem>>
        %dma_start3A_101 = arith.constant 0 : i32
        %dma_start3A_102 = arith.constant 0 : i32
        %dma_start3A_103 = tpu.memref_slice %arg8[%dma_start3A_101, %dma_start3A_102] : memref<10112x16xf32, #tpu.memory_space<vmem_shared>> -> memref<10112x16xf32, #tpu.memory_space<vmem_shared>>
        tpu.enqueue_indirect_dma source(%dma_start3A_97 : memref<512x16xf32, #tpu.memory_space<vmem>>) target(%dma_start3A_103 : memref<10112x16xf32, #tpu.memory_space<vmem_shared>>) offsets(%dma_start3A_100 : memref<512xi32, #tpu.memory_space<vmem>>) semaphore(%arg10 : memref<!tpu.dma_semaphore, #tpu.memory_space<semaphore_mem>>) {add = true}
      }
      %scan3A_54 = arith.constant 9 : i32
      %dma_wait3A_55 = arith.constant 0 : i32
      %dma_wait3A_56 = arith.constant 1 : i32
      %dma_wait3A_57 = arith.constant 8 : i32
      %dma_wait3A_58 = arith.constant 0 : i32
      %dma_wait3A_59 = arith.constant 0 : i32
      %dma_wait3A_60 = tpu.memref_slice %arg7[%dma_wait3A_55, %dma_wait3A_58, %dma_wait3A_59] : memref<2x512x16xf32, #tpu.memory_space<vmem>> -> memref<1x512x16xf32, #tpu.memory_space<vmem>>
      %dma_wait3A_61 = tpu.memref_squeeze %dma_wait3A_60 : memref<1x512x16xf32, #tpu.memory_space<vmem>> -> memref<512x16xf32, #tpu.memory_space<vmem>>
      %dma_wait3A_62 = arith.constant 0 : i32
      %dma_wait3A_63 = tpu.memref_slice %arg6[%dma_wait3A_56, %dma_wait3A_57, %dma_wait3A_62] : memref<2x11x512xi32, #tpu.memory_space<vmem>> -> memref<1x1x512xi32, #tpu.memory_space<vmem>>
      %dma_wait3A_64 = tpu.memref_squeeze %dma_wait3A_63 : memref<1x1x512xi32, #tpu.memory_space<vmem>> -> memref<512xi32, #tpu.memory_space<vmem>>
      %dma_wait3A_65 = arith.constant 0 : i32
      %dma_wait3A_66 = arith.constant 0 : i32
      %dma_wait3A_67 = tpu.memref_slice %arg8[%dma_wait3A_65, %dma_wait3A_66] : memref<10112x16xf32, #tpu.memory_space<vmem_shared>> -> memref<10112x16xf32, #tpu.memory_space<vmem_shared>>
      tpu.wait_indirect_dma semaphore(%arg10 : memref<!tpu.dma_semaphore, #tpu.memory_space<semaphore_mem>>) src(%dma_wait3A_61 : memref<512x16xf32, #tpu.memory_space<vmem>>) dst(%dma_wait3A_67 : memref<10112x16xf32, #tpu.memory_space<vmem_shared>>)
      %barrier3A_68 = arith.constant 0 : index
      tpu.barrier barrier_id(%barrier3A_68)
      "tpu.region"() ({
        %run_scoped3A = tpu.sem_alloc : memref<!tpu.dma_semaphore, #tpu.memory_space<semaphore_mem>>
        %dma_start3A_69 = arith.constant 0 : i32
        %dma_start3A_70 = tpu.memref_slice %arg5[%arg0, %mul3A_0, %dma_start3A_69] : memref<2x10112x16xf32, #tpu.memory_space<hbm>> -> memref<1x632x16xf32, #tpu.memory_space<hbm>>
        %dma_start3A_71 = tpu.memref_squeeze %dma_start3A_70 : memref<1x632x16xf32, #tpu.memory_space<hbm>> -> memref<632x16xf32, #tpu.memory_space<hbm>>
        %dma_start3A_72 = arith.constant 0 : i32
        %dma_start3A_73 = tpu.memref_slice %arg8[%mul3A_0, %dma_start3A_72] : memref<10112x16xf32, #tpu.memory_space<vmem_shared>> -> memref<632x16xf32, #tpu.memory_space<vmem_shared>>
        tpu.enqueue_dma source(%dma_start3A_73 : memref<632x16xf32, #tpu.memory_space<vmem_shared>>) target(%dma_start3A_71 : memref<632x16xf32, #tpu.memory_space<hbm>>) target_semaphore(%run_scoped3A : memref<!tpu.dma_semaphore, #tpu.memory_space<semaphore_mem>>)
        %dma_wait3A_74 = arith.constant 0 : i32
        %dma_wait3A_75 = tpu.memref_slice %arg5[%arg0, %mul3A_0, %dma_wait3A_74] : memref<2x10112x16xf32, #tpu.memory_space<hbm>> -> memref<1x632x16xf32, #tpu.memory_space<hbm>>
        %dma_wait3A_76 = tpu.memref_squeeze %dma_wait3A_75 : memref<1x632x16xf32, #tpu.memory_space<hbm>> -> memref<632x16xf32, #tpu.memory_space<hbm>>
        %dma_wait3A_77 = arith.constant 0 : i32
        %dma_wait3A_78 = tpu.memref_slice %arg8[%mul3A_0, %dma_wait3A_77] : memref<10112x16xf32, #tpu.memory_space<vmem_shared>> -> memref<632x16xf32, #tpu.memory_space<vmem_shared>>
        tpu.wait_dma2 semaphore(%run_scoped3A : memref<!tpu.dma_semaphore, #tpu.memory_space<semaphore_mem>>) src(%dma_wait3A_78 : memref<632x16xf32, #tpu.memory_space<vmem_shared>>) dst(%dma_wait3A_76 : memref<632x16xf32, #tpu.memory_space<hbm>>)
        tpu.yield
      }) : () -> ()
    } else {
    }
    return
  }
}

#map = affine_map<(d0, d1) -> (0, 0)>
#map1 = affine_map<(d0, d1) -> (0, 0, 0)>
module attributes {stable_mosaic.version = 14 : i64} {
  func.func @sc_degree(%arg0: i32, %arg1: i32, %arg2: memref<512x16xf32, #tpu.memory_space<hbm>>, %arg3: memref<2x320x512xi32, #tpu.memory_space<hbm>>, %arg4: memref<10112x16xf32, #tpu.memory_space<hbm>>, %arg5: memref<2x10112x16xf32, #tpu.memory_space<hbm>>, %arg6: memref<10x512xi32, #tpu.memory_space<vmem>>, %arg7: memref<512x16xf32, #tpu.memory_space<vmem>>, %arg8: memref<10112x16xf32, #tpu.memory_space<vmem_shared>>, %arg9: memref<!tpu.dma_semaphore, #tpu.memory_space<semaphore_mem>>, %arg10: memref<!tpu.dma_semaphore, #tpu.memory_space<semaphore_mem>>) attributes {dimension_semantics = [#tpu.dimension_semantics<core_parallel>, #tpu.dimension_semantics<subcore_parallel>], iteration_bounds = array<i64: 2, 16>, scalar_prefetch = 0 : i64, scratch_operands = 5 : i64, tpu.core_type = #tpu.core_type<sc_vector_subcore>, window_params = [{transform_indices = #map}, {transform_indices = #map1}, {transform_indices = #map}, {transform_indices = #map1}]} {
    %mul3A = arith.constant 632 : i32
    %mul3A_0 = arith.muli %arg1, %mul3A : i32
    %eq3A = arith.constant 0 : i32
    %eq3A_1 = arith.cmpi eq, %arg0, %eq3A : i32
    %convert_element_type3A = arith.extui %eq3A_1 : i1 to i32
    %cond3A = arith.constant 0 : i32
    %cond3A_2 = arith.cmpi ne, %convert_element_type3A, %cond3A : i32
    scf.if %cond3A_2 {
      %mul3A_8 = arith.constant 10 : i32
      %mul3A_9 = arith.muli %arg1, %mul3A_8 : i32
      %dma_start3A = arith.constant 1 : i32
      %dma_start3A_10 = arith.constant 0 : i32
      %dma_start3A_11 = arith.constant 0 : i32
      %dma_start3A_12 = tpu.memref_slice %arg6[%dma_start3A_10, %dma_start3A_11] : memref<10x512xi32, #tpu.memory_space<vmem>> -> memref<10x512xi32, #tpu.memory_space<vmem>>
      %dma_start3A_13 = arith.constant 0 : i32
      %dma_start3A_14 = tpu.memref_slice %arg3[%dma_start3A, %mul3A_9, %dma_start3A_13] : memref<2x320x512xi32, #tpu.memory_space<hbm>> -> memref<1x10x512xi32, #tpu.memory_space<hbm>>
      %dma_start3A_15 = tpu.memref_squeeze %dma_start3A_14 : memref<1x10x512xi32, #tpu.memory_space<hbm>> -> memref<10x512xi32, #tpu.memory_space<hbm>>
      %dma_start3A_16 = arith.constant 0 : i32
      %dma_start3A_17 = arith.constant 0 : i32
      %dma_start3A_18 = tpu.memref_slice %arg6[%dma_start3A_16, %dma_start3A_17] : memref<10x512xi32, #tpu.memory_space<vmem>> -> memref<10x512xi32, #tpu.memory_space<vmem>>
      %dma_start3A_19 = arith.constant 0 : i32
      %dma_start3A_20 = tpu.memref_slice %arg3[%dma_start3A, %mul3A_9, %dma_start3A_19] : memref<2x320x512xi32, #tpu.memory_space<hbm>> -> memref<1x10x512xi32, #tpu.memory_space<hbm>>
      %dma_start3A_21 = tpu.memref_squeeze %dma_start3A_20 : memref<1x10x512xi32, #tpu.memory_space<hbm>> -> memref<10x512xi32, #tpu.memory_space<hbm>>
      tpu.enqueue_dma source(%dma_start3A_21 : memref<10x512xi32, #tpu.memory_space<hbm>>) target(%dma_start3A_18 : memref<10x512xi32, #tpu.memory_space<vmem>>) target_semaphore(%arg10 : memref<!tpu.dma_semaphore, #tpu.memory_space<semaphore_mem>>)
      tpu.enqueue_dma source(%arg2 : memref<512x16xf32, #tpu.memory_space<hbm>>) target(%arg7 : memref<512x16xf32, #tpu.memory_space<vmem>>) target_semaphore(%arg10 : memref<!tpu.dma_semaphore, #tpu.memory_space<semaphore_mem>>)
      "tpu.region"() ({
        %run_scoped3A = tpu.sem_alloc : memref<!tpu.dma_semaphore, #tpu.memory_space<semaphore_mem>>
        %dma_start3A_46 = arith.constant 0 : i32
        %dma_start3A_47 = tpu.memref_slice %arg8[%mul3A_0, %dma_start3A_46] : memref<10112x16xf32, #tpu.memory_space<vmem_shared>> -> memref<632x16xf32, #tpu.memory_space<vmem_shared>>
        %dma_start3A_48 = arith.constant 0 : i32
        %dma_start3A_49 = tpu.memref_slice %arg4[%mul3A_0, %dma_start3A_48] : memref<10112x16xf32, #tpu.memory_space<hbm>> -> memref<632x16xf32, #tpu.memory_space<hbm>>
        tpu.enqueue_dma source(%dma_start3A_49 : memref<632x16xf32, #tpu.memory_space<hbm>>) target(%dma_start3A_47 : memref<632x16xf32, #tpu.memory_space<vmem_shared>>) target_semaphore(%run_scoped3A : memref<!tpu.dma_semaphore, #tpu.memory_space<semaphore_mem>>)
        %dma_wait3A_50 = arith.constant 0 : i32
        %dma_wait3A_51 = tpu.memref_slice %arg8[%mul3A_0, %dma_wait3A_50] : memref<10112x16xf32, #tpu.memory_space<vmem_shared>> -> memref<632x16xf32, #tpu.memory_space<vmem_shared>>
        %dma_wait3A_52 = arith.constant 0 : i32
        %dma_wait3A_53 = tpu.memref_slice %arg4[%mul3A_0, %dma_wait3A_52] : memref<10112x16xf32, #tpu.memory_space<hbm>> -> memref<632x16xf32, #tpu.memory_space<hbm>>
        tpu.wait_dma2 semaphore(%run_scoped3A : memref<!tpu.dma_semaphore, #tpu.memory_space<semaphore_mem>>) src(%dma_wait3A_53 : memref<632x16xf32, #tpu.memory_space<hbm>>) dst(%dma_wait3A_51 : memref<632x16xf32, #tpu.memory_space<vmem_shared>>)
        tpu.yield
      }) : () -> ()
      %dma_wait3A = arith.constant 1 : i32
      %dma_wait3A_22 = arith.constant 0 : i32
      %dma_wait3A_23 = arith.constant 0 : i32
      %dma_wait3A_24 = tpu.memref_slice %arg6[%dma_wait3A_22, %dma_wait3A_23] : memref<10x512xi32, #tpu.memory_space<vmem>> -> memref<10x512xi32, #tpu.memory_space<vmem>>
      %dma_wait3A_25 = arith.constant 0 : i32
      %dma_wait3A_26 = tpu.memref_slice %arg3[%dma_wait3A, %mul3A_9, %dma_wait3A_25] : memref<2x320x512xi32, #tpu.memory_space<hbm>> -> memref<1x10x512xi32, #tpu.memory_space<hbm>>
      %dma_wait3A_27 = tpu.memref_squeeze %dma_wait3A_26 : memref<1x10x512xi32, #tpu.memory_space<hbm>> -> memref<10x512xi32, #tpu.memory_space<hbm>>
      %dma_wait3A_28 = arith.constant 0 : i32
      %dma_wait3A_29 = arith.constant 0 : i32
      %dma_wait3A_30 = tpu.memref_slice %arg6[%dma_wait3A_28, %dma_wait3A_29] : memref<10x512xi32, #tpu.memory_space<vmem>> -> memref<10x512xi32, #tpu.memory_space<vmem>>
      %dma_wait3A_31 = arith.constant 0 : i32
      %dma_wait3A_32 = tpu.memref_slice %arg3[%dma_wait3A, %mul3A_9, %dma_wait3A_31] : memref<2x320x512xi32, #tpu.memory_space<hbm>> -> memref<1x10x512xi32, #tpu.memory_space<hbm>>
      %dma_wait3A_33 = tpu.memref_squeeze %dma_wait3A_32 : memref<1x10x512xi32, #tpu.memory_space<hbm>> -> memref<10x512xi32, #tpu.memory_space<hbm>>
      tpu.wait_dma2 semaphore(%arg10 : memref<!tpu.dma_semaphore, #tpu.memory_space<semaphore_mem>>) src(%dma_wait3A_33 : memref<10x512xi32, #tpu.memory_space<hbm>>) dst(%dma_wait3A_30 : memref<10x512xi32, #tpu.memory_space<vmem>>)
      tpu.wait_dma2 semaphore(%arg10 : memref<!tpu.dma_semaphore, #tpu.memory_space<semaphore_mem>>) src(%arg2 : memref<512x16xf32, #tpu.memory_space<hbm>>) dst(%arg7 : memref<512x16xf32, #tpu.memory_space<vmem>>)
      %barrier3A = arith.constant 0 : index
      tpu.barrier barrier_id(%barrier3A)
      %scan3A = arith.constant 0 : i32
      %scan3A_34 = arith.constant 0 : i32
      %scan3A_35 = arith.constant 10 : i32
      %scan3A_36 = arith.addi %scan3A_34, %scan3A_35 : i32
      %scan3A_37 = arith.constant 1 : i32
      scf.for %scan3A_46 = %scan3A_34 to %scan3A_36 step %scan3A_37  : i32 {
        %dma_start3A_47 = arith.constant 0 : i32
        %dma_start3A_48 = tpu.memref_slice %arg6[%scan3A_46, %dma_start3A_47] : memref<10x512xi32, #tpu.memory_space<vmem>> -> memref<1x512xi32, #tpu.memory_space<vmem>>
        %dma_start3A_49 = tpu.memref_squeeze %dma_start3A_48 : memref<1x512xi32, #tpu.memory_space<vmem>> -> memref<512xi32, #tpu.memory_space<vmem>>
        %dma_start3A_50 = arith.constant 0 : i32
        %dma_start3A_51 = arith.constant 0 : i32
        %dma_start3A_52 = tpu.memref_slice %arg8[%dma_start3A_50, %dma_start3A_51] : memref<10112x16xf32, #tpu.memory_space<vmem_shared>> -> memref<10112x16xf32, #tpu.memory_space<vmem_shared>>
        tpu.enqueue_indirect_dma source(%arg7 : memref<512x16xf32, #tpu.memory_space<vmem>>) target(%dma_start3A_52 : memref<10112x16xf32, #tpu.memory_space<vmem_shared>>) offsets(%dma_start3A_49 : memref<512xi32, #tpu.memory_space<vmem>>) semaphore(%arg9 : memref<!tpu.dma_semaphore, #tpu.memory_space<semaphore_mem>>) {add = true}
      }
      %scan3A_38 = arith.constant 10 : i32
      %scan3A_39 = arith.constant 0 : i32
      %scan3A_40 = arith.constant 0 : i32
      %scan3A_41 = arith.constant 10 : i32
      %scan3A_42 = arith.addi %scan3A_40, %scan3A_41 : i32
      %scan3A_43 = arith.constant 1 : i32
      scf.for %scan3A_46 = %scan3A_40 to %scan3A_42 step %scan3A_43  : i32 {
        %dma_wait3A_47 = arith.constant 0 : i32
        %dma_wait3A_48 = tpu.memref_slice %arg6[%scan3A_46, %dma_wait3A_47] : memref<10x512xi32, #tpu.memory_space<vmem>> -> memref<1x512xi32, #tpu.memory_space<vmem>>
        %dma_wait3A_49 = tpu.memref_squeeze %dma_wait3A_48 : memref<1x512xi32, #tpu.memory_space<vmem>> -> memref<512xi32, #tpu.memory_space<vmem>>
        %dma_wait3A_50 = arith.constant 0 : i32
        %dma_wait3A_51 = arith.constant 0 : i32
        %dma_wait3A_52 = tpu.memref_slice %arg8[%dma_wait3A_50, %dma_wait3A_51] : memref<10112x16xf32, #tpu.memory_space<vmem_shared>> -> memref<10112x16xf32, #tpu.memory_space<vmem_shared>>
        tpu.wait_indirect_dma semaphore(%arg9 : memref<!tpu.dma_semaphore, #tpu.memory_space<semaphore_mem>>) src(%arg7 : memref<512x16xf32, #tpu.memory_space<vmem>>) dst(%dma_wait3A_52 : memref<10112x16xf32, #tpu.memory_space<vmem_shared>>)
      }
      %scan3A_44 = arith.constant 10 : i32
      %barrier3A_45 = arith.constant 0 : index
      tpu.barrier barrier_id(%barrier3A_45)
      "tpu.region"() ({
        %run_scoped3A = tpu.sem_alloc : memref<!tpu.dma_semaphore, #tpu.memory_space<semaphore_mem>>
        %dma_start3A_46 = arith.constant 0 : i32
        %dma_start3A_47 = tpu.memref_slice %arg5[%arg0, %mul3A_0, %dma_start3A_46] : memref<2x10112x16xf32, #tpu.memory_space<hbm>> -> memref<1x632x16xf32, #tpu.memory_space<hbm>>
        %dma_start3A_48 = tpu.memref_squeeze %dma_start3A_47 : memref<1x632x16xf32, #tpu.memory_space<hbm>> -> memref<632x16xf32, #tpu.memory_space<hbm>>
        %dma_start3A_49 = arith.constant 0 : i32
        %dma_start3A_50 = tpu.memref_slice %arg8[%mul3A_0, %dma_start3A_49] : memref<10112x16xf32, #tpu.memory_space<vmem_shared>> -> memref<632x16xf32, #tpu.memory_space<vmem_shared>>
        tpu.enqueue_dma source(%dma_start3A_50 : memref<632x16xf32, #tpu.memory_space<vmem_shared>>) target(%dma_start3A_48 : memref<632x16xf32, #tpu.memory_space<hbm>>) target_semaphore(%run_scoped3A : memref<!tpu.dma_semaphore, #tpu.memory_space<semaphore_mem>>)
        %dma_wait3A_51 = arith.constant 0 : i32
        %dma_wait3A_52 = tpu.memref_slice %arg5[%arg0, %mul3A_0, %dma_wait3A_51] : memref<2x10112x16xf32, #tpu.memory_space<hbm>> -> memref<1x632x16xf32, #tpu.memory_space<hbm>>
        %dma_wait3A_53 = tpu.memref_squeeze %dma_wait3A_52 : memref<1x632x16xf32, #tpu.memory_space<hbm>> -> memref<632x16xf32, #tpu.memory_space<hbm>>
        %dma_wait3A_54 = arith.constant 0 : i32
        %dma_wait3A_55 = tpu.memref_slice %arg8[%mul3A_0, %dma_wait3A_54] : memref<10112x16xf32, #tpu.memory_space<vmem_shared>> -> memref<632x16xf32, #tpu.memory_space<vmem_shared>>
        tpu.wait_dma2 semaphore(%run_scoped3A : memref<!tpu.dma_semaphore, #tpu.memory_space<semaphore_mem>>) src(%dma_wait3A_55 : memref<632x16xf32, #tpu.memory_space<vmem_shared>>) dst(%dma_wait3A_53 : memref<632x16xf32, #tpu.memory_space<hbm>>)
        tpu.yield
      }) : () -> ()
    } else {
    }
    %eq3A_3 = arith.constant 1 : i32
    %eq3A_4 = arith.cmpi eq, %arg0, %eq3A_3 : i32
    %convert_element_type3A_5 = arith.extui %eq3A_4 : i1 to i32
    %cond3A_6 = arith.constant 0 : i32
    %cond3A_7 = arith.cmpi ne, %convert_element_type3A_5, %cond3A_6 : i32
    scf.if %cond3A_7 {
      %mul3A_8 = arith.constant 10 : i32
      %mul3A_9 = arith.muli %arg1, %mul3A_8 : i32
      %add3A = arith.constant 160 : i32
      %add3A_10 = arith.addi %add3A, %mul3A_9 : i32
      %dma_start3A = arith.constant 1 : i32
      %dma_start3A_11 = arith.constant 0 : i32
      %dma_start3A_12 = arith.constant 0 : i32
      %dma_start3A_13 = tpu.memref_slice %arg6[%dma_start3A_11, %dma_start3A_12] : memref<10x512xi32, #tpu.memory_space<vmem>> -> memref<10x512xi32, #tpu.memory_space<vmem>>
      %dma_start3A_14 = arith.constant 0 : i32
      %dma_start3A_15 = tpu.memref_slice %arg3[%dma_start3A, %add3A_10, %dma_start3A_14] : memref<2x320x512xi32, #tpu.memory_space<hbm>> -> memref<1x10x512xi32, #tpu.memory_space<hbm>>
      %dma_start3A_16 = tpu.memref_squeeze %dma_start3A_15 : memref<1x10x512xi32, #tpu.memory_space<hbm>> -> memref<10x512xi32, #tpu.memory_space<hbm>>
      %dma_start3A_17 = arith.constant 0 : i32
      %dma_start3A_18 = arith.constant 0 : i32
      %dma_start3A_19 = tpu.memref_slice %arg6[%dma_start3A_17, %dma_start3A_18] : memref<10x512xi32, #tpu.memory_space<vmem>> -> memref<10x512xi32, #tpu.memory_space<vmem>>
      %dma_start3A_20 = arith.constant 0 : i32
      %dma_start3A_21 = tpu.memref_slice %arg3[%dma_start3A, %add3A_10, %dma_start3A_20] : memref<2x320x512xi32, #tpu.memory_space<hbm>> -> memref<1x10x512xi32, #tpu.memory_space<hbm>>
      %dma_start3A_22 = tpu.memref_squeeze %dma_start3A_21 : memref<1x10x512xi32, #tpu.memory_space<hbm>> -> memref<10x512xi32, #tpu.memory_space<hbm>>
      tpu.enqueue_dma source(%dma_start3A_22 : memref<10x512xi32, #tpu.memory_space<hbm>>) target(%dma_start3A_19 : memref<10x512xi32, #tpu.memory_space<vmem>>) target_semaphore(%arg10 : memref<!tpu.dma_semaphore, #tpu.memory_space<semaphore_mem>>)
      tpu.enqueue_dma source(%arg2 : memref<512x16xf32, #tpu.memory_space<hbm>>) target(%arg7 : memref<512x16xf32, #tpu.memory_space<vmem>>) target_semaphore(%arg10 : memref<!tpu.dma_semaphore, #tpu.memory_space<semaphore_mem>>)
      "tpu.region"() ({
        %run_scoped3A = tpu.sem_alloc : memref<!tpu.dma_semaphore, #tpu.memory_space<semaphore_mem>>
        %dma_start3A_47 = arith.constant 0 : i32
        %dma_start3A_48 = tpu.memref_slice %arg8[%mul3A_0, %dma_start3A_47] : memref<10112x16xf32, #tpu.memory_space<vmem_shared>> -> memref<632x16xf32, #tpu.memory_space<vmem_shared>>
        %dma_start3A_49 = arith.constant 0 : i32
        %dma_start3A_50 = tpu.memref_slice %arg4[%mul3A_0, %dma_start3A_49] : memref<10112x16xf32, #tpu.memory_space<hbm>> -> memref<632x16xf32, #tpu.memory_space<hbm>>
        tpu.enqueue_dma source(%dma_start3A_50 : memref<632x16xf32, #tpu.memory_space<hbm>>) target(%dma_start3A_48 : memref<632x16xf32, #tpu.memory_space<vmem_shared>>) target_semaphore(%run_scoped3A : memref<!tpu.dma_semaphore, #tpu.memory_space<semaphore_mem>>)
        %dma_wait3A_51 = arith.constant 0 : i32
        %dma_wait3A_52 = tpu.memref_slice %arg8[%mul3A_0, %dma_wait3A_51] : memref<10112x16xf32, #tpu.memory_space<vmem_shared>> -> memref<632x16xf32, #tpu.memory_space<vmem_shared>>
        %dma_wait3A_53 = arith.constant 0 : i32
        %dma_wait3A_54 = tpu.memref_slice %arg4[%mul3A_0, %dma_wait3A_53] : memref<10112x16xf32, #tpu.memory_space<hbm>> -> memref<632x16xf32, #tpu.memory_space<hbm>>
        tpu.wait_dma2 semaphore(%run_scoped3A : memref<!tpu.dma_semaphore, #tpu.memory_space<semaphore_mem>>) src(%dma_wait3A_54 : memref<632x16xf32, #tpu.memory_space<hbm>>) dst(%dma_wait3A_52 : memref<632x16xf32, #tpu.memory_space<vmem_shared>>)
        tpu.yield
      }) : () -> ()
      %dma_wait3A = arith.constant 1 : i32
      %dma_wait3A_23 = arith.constant 0 : i32
      %dma_wait3A_24 = arith.constant 0 : i32
      %dma_wait3A_25 = tpu.memref_slice %arg6[%dma_wait3A_23, %dma_wait3A_24] : memref<10x512xi32, #tpu.memory_space<vmem>> -> memref<10x512xi32, #tpu.memory_space<vmem>>
      %dma_wait3A_26 = arith.constant 0 : i32
      %dma_wait3A_27 = tpu.memref_slice %arg3[%dma_wait3A, %add3A_10, %dma_wait3A_26] : memref<2x320x512xi32, #tpu.memory_space<hbm>> -> memref<1x10x512xi32, #tpu.memory_space<hbm>>
      %dma_wait3A_28 = tpu.memref_squeeze %dma_wait3A_27 : memref<1x10x512xi32, #tpu.memory_space<hbm>> -> memref<10x512xi32, #tpu.memory_space<hbm>>
      %dma_wait3A_29 = arith.constant 0 : i32
      %dma_wait3A_30 = arith.constant 0 : i32
      %dma_wait3A_31 = tpu.memref_slice %arg6[%dma_wait3A_29, %dma_wait3A_30] : memref<10x512xi32, #tpu.memory_space<vmem>> -> memref<10x512xi32, #tpu.memory_space<vmem>>
      %dma_wait3A_32 = arith.constant 0 : i32
      %dma_wait3A_33 = tpu.memref_slice %arg3[%dma_wait3A, %add3A_10, %dma_wait3A_32] : memref<2x320x512xi32, #tpu.memory_space<hbm>> -> memref<1x10x512xi32, #tpu.memory_space<hbm>>
      %dma_wait3A_34 = tpu.memref_squeeze %dma_wait3A_33 : memref<1x10x512xi32, #tpu.memory_space<hbm>> -> memref<10x512xi32, #tpu.memory_space<hbm>>
      tpu.wait_dma2 semaphore(%arg10 : memref<!tpu.dma_semaphore, #tpu.memory_space<semaphore_mem>>) src(%dma_wait3A_34 : memref<10x512xi32, #tpu.memory_space<hbm>>) dst(%dma_wait3A_31 : memref<10x512xi32, #tpu.memory_space<vmem>>)
      tpu.wait_dma2 semaphore(%arg10 : memref<!tpu.dma_semaphore, #tpu.memory_space<semaphore_mem>>) src(%arg2 : memref<512x16xf32, #tpu.memory_space<hbm>>) dst(%arg7 : memref<512x16xf32, #tpu.memory_space<vmem>>)
      %barrier3A = arith.constant 0 : index
      tpu.barrier barrier_id(%barrier3A)
      %scan3A = arith.constant 0 : i32
      %scan3A_35 = arith.constant 0 : i32
      %scan3A_36 = arith.constant 10 : i32
      %scan3A_37 = arith.addi %scan3A_35, %scan3A_36 : i32
      %scan3A_38 = arith.constant 1 : i32
      scf.for %scan3A_47 = %scan3A_35 to %scan3A_37 step %scan3A_38  : i32 {
        %dma_start3A_48 = arith.constant 0 : i32
        %dma_start3A_49 = tpu.memref_slice %arg6[%scan3A_47, %dma_start3A_48] : memref<10x512xi32, #tpu.memory_space<vmem>> -> memref<1x512xi32, #tpu.memory_space<vmem>>
        %dma_start3A_50 = tpu.memref_squeeze %dma_start3A_49 : memref<1x512xi32, #tpu.memory_space<vmem>> -> memref<512xi32, #tpu.memory_space<vmem>>
        %dma_start3A_51 = arith.constant 0 : i32
        %dma_start3A_52 = arith.constant 0 : i32
        %dma_start3A_53 = tpu.memref_slice %arg8[%dma_start3A_51, %dma_start3A_52] : memref<10112x16xf32, #tpu.memory_space<vmem_shared>> -> memref<10112x16xf32, #tpu.memory_space<vmem_shared>>
        tpu.enqueue_indirect_dma source(%arg7 : memref<512x16xf32, #tpu.memory_space<vmem>>) target(%dma_start3A_53 : memref<10112x16xf32, #tpu.memory_space<vmem_shared>>) offsets(%dma_start3A_50 : memref<512xi32, #tpu.memory_space<vmem>>) semaphore(%arg9 : memref<!tpu.dma_semaphore, #tpu.memory_space<semaphore_mem>>) {add = true}
      }
      %scan3A_39 = arith.constant 10 : i32
      %scan3A_40 = arith.constant 0 : i32
      %scan3A_41 = arith.constant 0 : i32
      %scan3A_42 = arith.constant 10 : i32
      %scan3A_43 = arith.addi %scan3A_41, %scan3A_42 : i32
      %scan3A_44 = arith.constant 1 : i32
      scf.for %scan3A_47 = %scan3A_41 to %scan3A_43 step %scan3A_44  : i32 {
        %dma_wait3A_48 = arith.constant 0 : i32
        %dma_wait3A_49 = tpu.memref_slice %arg6[%scan3A_47, %dma_wait3A_48] : memref<10x512xi32, #tpu.memory_space<vmem>> -> memref<1x512xi32, #tpu.memory_space<vmem>>
        %dma_wait3A_50 = tpu.memref_squeeze %dma_wait3A_49 : memref<1x512xi32, #tpu.memory_space<vmem>> -> memref<512xi32, #tpu.memory_space<vmem>>
        %dma_wait3A_51 = arith.constant 0 : i32
        %dma_wait3A_52 = arith.constant 0 : i32
        %dma_wait3A_53 = tpu.memref_slice %arg8[%dma_wait3A_51, %dma_wait3A_52] : memref<10112x16xf32, #tpu.memory_space<vmem_shared>> -> memref<10112x16xf32, #tpu.memory_space<vmem_shared>>
        tpu.wait_indirect_dma semaphore(%arg9 : memref<!tpu.dma_semaphore, #tpu.memory_space<semaphore_mem>>) src(%arg7 : memref<512x16xf32, #tpu.memory_space<vmem>>) dst(%dma_wait3A_53 : memref<10112x16xf32, #tpu.memory_space<vmem_shared>>)
      }
      %scan3A_45 = arith.constant 10 : i32
      %barrier3A_46 = arith.constant 0 : index
      tpu.barrier barrier_id(%barrier3A_46)
      "tpu.region"() ({
        %run_scoped3A = tpu.sem_alloc : memref<!tpu.dma_semaphore, #tpu.memory_space<semaphore_mem>>
        %dma_start3A_47 = arith.constant 0 : i32
        %dma_start3A_48 = tpu.memref_slice %arg5[%arg0, %mul3A_0, %dma_start3A_47] : memref<2x10112x16xf32, #tpu.memory_space<hbm>> -> memref<1x632x16xf32, #tpu.memory_space<hbm>>
        %dma_start3A_49 = tpu.memref_squeeze %dma_start3A_48 : memref<1x632x16xf32, #tpu.memory_space<hbm>> -> memref<632x16xf32, #tpu.memory_space<hbm>>
        %dma_start3A_50 = arith.constant 0 : i32
        %dma_start3A_51 = tpu.memref_slice %arg8[%mul3A_0, %dma_start3A_50] : memref<10112x16xf32, #tpu.memory_space<vmem_shared>> -> memref<632x16xf32, #tpu.memory_space<vmem_shared>>
        tpu.enqueue_dma source(%dma_start3A_51 : memref<632x16xf32, #tpu.memory_space<vmem_shared>>) target(%dma_start3A_49 : memref<632x16xf32, #tpu.memory_space<hbm>>) target_semaphore(%run_scoped3A : memref<!tpu.dma_semaphore, #tpu.memory_space<semaphore_mem>>)
        %dma_wait3A_52 = arith.constant 0 : i32
        %dma_wait3A_53 = tpu.memref_slice %arg5[%arg0, %mul3A_0, %dma_wait3A_52] : memref<2x10112x16xf32, #tpu.memory_space<hbm>> -> memref<1x632x16xf32, #tpu.memory_space<hbm>>
        %dma_wait3A_54 = tpu.memref_squeeze %dma_wait3A_53 : memref<1x632x16xf32, #tpu.memory_space<hbm>> -> memref<632x16xf32, #tpu.memory_space<hbm>>
        %dma_wait3A_55 = arith.constant 0 : i32
        %dma_wait3A_56 = tpu.memref_slice %arg8[%mul3A_0, %dma_wait3A_55] : memref<10112x16xf32, #tpu.memory_space<vmem_shared>> -> memref<632x16xf32, #tpu.memory_space<vmem_shared>>
        tpu.wait_dma2 semaphore(%run_scoped3A : memref<!tpu.dma_semaphore, #tpu.memory_space<semaphore_mem>>) src(%dma_wait3A_56 : memref<632x16xf32, #tpu.memory_space<vmem_shared>>) dst(%dma_wait3A_54 : memref<632x16xf32, #tpu.memory_space<hbm>>)
        tpu.yield
      }) : () -> ()
    } else {
    }
    return
  }
}

#map = affine_map<(d0, d1) -> (0, 0)>
#map1 = affine_map<(d0, d1) -> (0, 0, 0)>
module attributes {stable_mosaic.version = 14 : i64} {
  func.func @sc_scatter(%arg0: i32, %arg1: i32, %arg2: memref<10000x32xf32, #tpu.memory_space<hbm>>, %arg3: memref<2x320x512xi32, #tpu.memory_space<hbm>>, %arg4: memref<10112x32xf32, #tpu.memory_space<hbm>>, %arg5: memref<2x10112x32xf32, #tpu.memory_space<hbm>>, %arg6: memref<2x12x512xi32, #tpu.memory_space<vmem>>, %arg7: memref<2x512x32xf32, #tpu.memory_space<vmem>>, %arg8: memref<10112x32xf32, #tpu.memory_space<vmem_shared>>, %arg9: memref<!tpu.dma_semaphore, #tpu.memory_space<semaphore_mem>>, %arg10: memref<!tpu.dma_semaphore, #tpu.memory_space<semaphore_mem>>, %arg11: memref<!tpu.dma_semaphore, #tpu.memory_space<semaphore_mem>>) attributes {dimension_semantics = [#tpu.dimension_semantics<core_parallel>, #tpu.dimension_semantics<subcore_parallel>], iteration_bounds = array<i64: 2, 16>, scalar_prefetch = 0 : i64, scratch_operands = 6 : i64, tpu.core_type = #tpu.core_type<sc_vector_subcore>, window_params = [{transform_indices = #map}, {transform_indices = #map1}, {transform_indices = #map}, {transform_indices = #map1}]} {
    %mul3A = arith.constant 632 : i32
    %mul3A_0 = arith.muli %arg1, %mul3A : i32
    %eq3A = arith.constant 0 : i32
    %eq3A_1 = arith.cmpi eq, %arg0, %eq3A : i32
    %convert_element_type3A = arith.extui %eq3A_1 : i1 to i32
    %cond3A = arith.constant 0 : i32
    %cond3A_2 = arith.cmpi ne, %convert_element_type3A, %cond3A : i32
    scf.if %cond3A_2 {
      %mul3A_8 = arith.constant 12 : i32
      %mul3A_9 = arith.muli %arg1, %mul3A_8 : i32
      %dma_start3A = arith.constant 0 : i32
      %dma_start3A_10 = arith.constant 0 : i32
      %dma_start3A_11 = arith.constant 0 : i32
      %dma_start3A_12 = tpu.memref_slice %arg6[%dma_start3A, %dma_start3A_10, %dma_start3A_11] : memref<2x12x512xi32, #tpu.memory_space<vmem>> -> memref<2x12x512xi32, #tpu.memory_space<vmem>>
      %dma_start3A_13 = arith.constant 0 : i32
      %dma_start3A_14 = arith.constant 0 : i32
      %dma_start3A_15 = tpu.memref_slice %arg3[%dma_start3A_13, %mul3A_9, %dma_start3A_14] : memref<2x320x512xi32, #tpu.memory_space<hbm>> -> memref<2x12x512xi32, #tpu.memory_space<hbm>>
      %dma_start3A_16 = arith.constant 0 : i32
      %dma_start3A_17 = arith.constant 0 : i32
      %dma_start3A_18 = arith.constant 0 : i32
      %dma_start3A_19 = tpu.memref_slice %arg6[%dma_start3A_16, %dma_start3A_17, %dma_start3A_18] : memref<2x12x512xi32, #tpu.memory_space<vmem>> -> memref<2x12x512xi32, #tpu.memory_space<vmem>>
      %dma_start3A_20 = arith.constant 0 : i32
      %dma_start3A_21 = arith.constant 0 : i32
      %dma_start3A_22 = tpu.memref_slice %arg3[%dma_start3A_20, %mul3A_9, %dma_start3A_21] : memref<2x320x512xi32, #tpu.memory_space<hbm>> -> memref<2x12x512xi32, #tpu.memory_space<hbm>>
      tpu.enqueue_dma source(%dma_start3A_22 : memref<2x12x512xi32, #tpu.memory_space<hbm>>) target(%dma_start3A_19 : memref<2x12x512xi32, #tpu.memory_space<vmem>>) target_semaphore(%arg11 : memref<!tpu.dma_semaphore, #tpu.memory_space<semaphore_mem>>)
      "tpu.region"() ({
        %run_scoped3A = tpu.sem_alloc : memref<!tpu.dma_semaphore, #tpu.memory_space<semaphore_mem>>
        %dma_start3A_68 = arith.constant 0 : i32
        %dma_start3A_69 = tpu.memref_slice %arg8[%mul3A_0, %dma_start3A_68] : memref<10112x32xf32, #tpu.memory_space<vmem_shared>> -> memref<632x32xf32, #tpu.memory_space<vmem_shared>>
        %dma_start3A_70 = arith.constant 0 : i32
        %dma_start3A_71 = tpu.memref_slice %arg4[%mul3A_0, %dma_start3A_70] : memref<10112x32xf32, #tpu.memory_space<hbm>> -> memref<632x32xf32, #tpu.memory_space<hbm>>
        tpu.enqueue_dma source(%dma_start3A_71 : memref<632x32xf32, #tpu.memory_space<hbm>>) target(%dma_start3A_69 : memref<632x32xf32, #tpu.memory_space<vmem_shared>>) target_semaphore(%run_scoped3A : memref<!tpu.dma_semaphore, #tpu.memory_space<semaphore_mem>>)
        %dma_wait3A_72 = arith.constant 0 : i32
        %dma_wait3A_73 = tpu.memref_slice %arg8[%mul3A_0, %dma_wait3A_72] : memref<10112x32xf32, #tpu.memory_space<vmem_shared>> -> memref<632x32xf32, #tpu.memory_space<vmem_shared>>
        %dma_wait3A_74 = arith.constant 0 : i32
        %dma_wait3A_75 = tpu.memref_slice %arg4[%mul3A_0, %dma_wait3A_74] : memref<10112x32xf32, #tpu.memory_space<hbm>> -> memref<632x32xf32, #tpu.memory_space<hbm>>
        tpu.wait_dma2 semaphore(%run_scoped3A : memref<!tpu.dma_semaphore, #tpu.memory_space<semaphore_mem>>) src(%dma_wait3A_75 : memref<632x32xf32, #tpu.memory_space<hbm>>) dst(%dma_wait3A_73 : memref<632x32xf32, #tpu.memory_space<vmem_shared>>)
        tpu.yield
      }) : () -> ()
      %dma_wait3A = arith.constant 0 : i32
      %dma_wait3A_23 = arith.constant 0 : i32
      %dma_wait3A_24 = arith.constant 0 : i32
      %dma_wait3A_25 = tpu.memref_slice %arg6[%dma_wait3A, %dma_wait3A_23, %dma_wait3A_24] : memref<2x12x512xi32, #tpu.memory_space<vmem>> -> memref<2x12x512xi32, #tpu.memory_space<vmem>>
      %dma_wait3A_26 = arith.constant 0 : i32
      %dma_wait3A_27 = arith.constant 0 : i32
      %dma_wait3A_28 = tpu.memref_slice %arg3[%dma_wait3A_26, %mul3A_9, %dma_wait3A_27] : memref<2x320x512xi32, #tpu.memory_space<hbm>> -> memref<2x12x512xi32, #tpu.memory_space<hbm>>
      %dma_wait3A_29 = arith.constant 0 : i32
      %dma_wait3A_30 = arith.constant 0 : i32
      %dma_wait3A_31 = arith.constant 0 : i32
      %dma_wait3A_32 = tpu.memref_slice %arg6[%dma_wait3A_29, %dma_wait3A_30, %dma_wait3A_31] : memref<2x12x512xi32, #tpu.memory_space<vmem>> -> memref<2x12x512xi32, #tpu.memory_space<vmem>>
      %dma_wait3A_33 = arith.constant 0 : i32
      %dma_wait3A_34 = arith.constant 0 : i32
      %dma_wait3A_35 = tpu.memref_slice %arg3[%dma_wait3A_33, %mul3A_9, %dma_wait3A_34] : memref<2x320x512xi32, #tpu.memory_space<hbm>> -> memref<2x12x512xi32, #tpu.memory_space<hbm>>
      tpu.wait_dma2 semaphore(%arg11 : memref<!tpu.dma_semaphore, #tpu.memory_space<semaphore_mem>>) src(%dma_wait3A_35 : memref<2x12x512xi32, #tpu.memory_space<hbm>>) dst(%dma_wait3A_32 : memref<2x12x512xi32, #tpu.memory_space<vmem>>)
      %barrier3A = arith.constant 0 : index
      tpu.barrier barrier_id(%barrier3A)
      %dma_start3A_36 = arith.constant 0 : i32
      %dma_start3A_37 = arith.constant 0 : i32
      %dma_start3A_38 = arith.constant 0 : i32
      %dma_start3A_39 = arith.constant 0 : i32
      %dma_start3A_40 = arith.constant 0 : i32
      %dma_start3A_41 = tpu.memref_slice %arg7[%dma_start3A_38, %dma_start3A_39, %dma_start3A_40] : memref<2x512x32xf32, #tpu.memory_space<vmem>> -> memref<1x512x32xf32, #tpu.memory_space<vmem>>
      %dma_start3A_42 = tpu.memref_squeeze %dma_start3A_41 : memref<1x512x32xf32, #tpu.memory_space<vmem>> -> memref<512x32xf32, #tpu.memory_space<vmem>>
      %dma_start3A_43 = arith.constant 0 : i32
      %dma_start3A_44 = tpu.memref_slice %arg6[%dma_start3A_36, %dma_start3A_37, %dma_start3A_43] : memref<2x12x512xi32, #tpu.memory_space<vmem>> -> memref<1x1x512xi32, #tpu.memory_space<vmem>>
      %dma_start3A_45 = tpu.memref_squeeze %dma_start3A_44 : memref<1x1x512xi32, #tpu.memory_space<vmem>> -> memref<512xi32, #tpu.memory_space<vmem>>
      %dma_start3A_46 = arith.constant 0 : i32
      %dma_start3A_47 = arith.constant 0 : i32
      %dma_start3A_48 = tpu.memref_slice %arg2[%dma_start3A_46, %dma_start3A_47] : memref<10000x32xf32, #tpu.memory_space<hbm>> -> memref<10000x32xf32, #tpu.memory_space<hbm>>
      tpu.enqueue_indirect_dma source(%dma_start3A_48 : memref<10000x32xf32, #tpu.memory_space<hbm>>) target(%dma_start3A_42 : memref<512x32xf32, #tpu.memory_space<vmem>>) offsets(%dma_start3A_45 : memref<512xi32, #tpu.memory_space<vmem>>) semaphore(%arg9 : memref<!tpu.dma_semaphore, #tpu.memory_space<semaphore_mem>>)
      %scan3A = arith.constant 0 : i32
      %scan3A_49 = arith.constant 0 : i32
      %scan3A_50 = arith.constant 12 : i32
      %scan3A_51 = arith.addi %scan3A_49, %scan3A_50 : i32
      %scan3A_52 = arith.constant 1 : i32
      scf.for %scan3A_68 = %scan3A_49 to %scan3A_51 step %scan3A_52  : i32 {
        %rem3A = arith.constant 2 : i32
        %rem3A_69 = arith.remsi %scan3A_68, %rem3A : i32
        %sub3A = arith.constant 1 : i32
        %sub3A_70 = arith.subi %sub3A, %rem3A_69 : i32
        %ge3A = arith.constant 1 : i32
        %ge3A_71 = arith.cmpi sge, %scan3A_68, %ge3A : i32
        %convert_element_type3A_72 = arith.extui %ge3A_71 : i1 to i32
        %cond3A_73 = arith.constant 0 : i32
        %cond3A_74 = arith.cmpi ne, %convert_element_type3A_72, %cond3A_73 : i32
        scf.if %cond3A_74 {
          %sub3A_102 = arith.constant 1 : i32
          %sub3A_103 = arith.subi %scan3A_68, %sub3A_102 : i32
          %dma_wait3A_104 = arith.constant 1 : i32
          %dma_wait3A_105 = arith.constant 0 : i32
          %dma_wait3A_106 = arith.constant 0 : i32
          %dma_wait3A_107 = tpu.memref_slice %arg7[%sub3A_70, %dma_wait3A_105, %dma_wait3A_106] : memref<2x512x32xf32, #tpu.memory_space<vmem>> -> memref<1x512x32xf32, #tpu.memory_space<vmem>>
          %dma_wait3A_108 = tpu.memref_squeeze %dma_wait3A_107 : memref<1x512x32xf32, #tpu.memory_space<vmem>> -> memref<512x32xf32, #tpu.memory_space<vmem>>
          %dma_wait3A_109 = arith.constant 0 : i32
          %dma_wait3A_110 = tpu.memref_slice %arg6[%dma_wait3A_104, %sub3A_103, %dma_wait3A_109] : memref<2x12x512xi32, #tpu.memory_space<vmem>> -> memref<1x1x512xi32, #tpu.memory_space<vmem>>
          %dma_wait3A_111 = tpu.memref_squeeze %dma_wait3A_110 : memref<1x1x512xi32, #tpu.memory_space<vmem>> -> memref<512xi32, #tpu.memory_space<vmem>>
          %dma_wait3A_112 = arith.constant 0 : i32
          %dma_wait3A_113 = arith.constant 0 : i32
          %dma_wait3A_114 = tpu.memref_slice %arg8[%dma_wait3A_112, %dma_wait3A_113] : memref<10112x32xf32, #tpu.memory_space<vmem_shared>> -> memref<10112x32xf32, #tpu.memory_space<vmem_shared>>
          tpu.wait_indirect_dma semaphore(%arg10 : memref<!tpu.dma_semaphore, #tpu.memory_space<semaphore_mem>>) src(%dma_wait3A_108 : memref<512x32xf32, #tpu.memory_space<vmem>>) dst(%dma_wait3A_114 : memref<10112x32xf32, #tpu.memory_space<vmem_shared>>)
        } else {
        }
        %add3A = arith.constant 1 : i32
        %add3A_75 = arith.addi %scan3A_68, %add3A : i32
        %lt3A = arith.constant 12 : i32
        %lt3A_76 = arith.cmpi slt, %add3A_75, %lt3A : i32
        %convert_element_type3A_77 = arith.extui %lt3A_76 : i1 to i32
        %cond3A_78 = arith.constant 0 : i32
        %cond3A_79 = arith.cmpi ne, %convert_element_type3A_77, %cond3A_78 : i32
        scf.if %cond3A_79 {
          %add3A_102 = arith.constant 1 : i32
          %add3A_103 = arith.addi %scan3A_68, %add3A_102 : i32
          %dma_start3A_104 = arith.constant 0 : i32
          %dma_start3A_105 = arith.constant 0 : i32
          %dma_start3A_106 = arith.constant 0 : i32
          %dma_start3A_107 = tpu.memref_slice %arg7[%sub3A_70, %dma_start3A_105, %dma_start3A_106] : memref<2x512x32xf32, #tpu.memory_space<vmem>> -> memref<1x512x32xf32, #tpu.memory_space<vmem>>
          %dma_start3A_108 = tpu.memref_squeeze %dma_start3A_107 : memref<1x512x32xf32, #tpu.memory_space<vmem>> -> memref<512x32xf32, #tpu.memory_space<vmem>>
          %dma_start3A_109 = arith.constant 0 : i32
          %dma_start3A_110 = tpu.memref_slice %arg6[%dma_start3A_104, %add3A_103, %dma_start3A_109] : memref<2x12x512xi32, #tpu.memory_space<vmem>> -> memref<1x1x512xi32, #tpu.memory_space<vmem>>
          %dma_start3A_111 = tpu.memref_squeeze %dma_start3A_110 : memref<1x1x512xi32, #tpu.memory_space<vmem>> -> memref<512xi32, #tpu.memory_space<vmem>>
          %dma_start3A_112 = arith.constant 0 : i32
          %dma_start3A_113 = arith.constant 0 : i32
          %dma_start3A_114 = tpu.memref_slice %arg2[%dma_start3A_112, %dma_start3A_113] : memref<10000x32xf32, #tpu.memory_space<hbm>> -> memref<10000x32xf32, #tpu.memory_space<hbm>>
          tpu.enqueue_indirect_dma source(%dma_start3A_114 : memref<10000x32xf32, #tpu.memory_space<hbm>>) target(%dma_start3A_108 : memref<512x32xf32, #tpu.memory_space<vmem>>) offsets(%dma_start3A_111 : memref<512xi32, #tpu.memory_space<vmem>>) semaphore(%arg9 : memref<!tpu.dma_semaphore, #tpu.memory_space<semaphore_mem>>)
        } else {
        }
        %dma_wait3A_80 = arith.constant 0 : i32
        %dma_wait3A_81 = arith.constant 0 : i32
        %dma_wait3A_82 = arith.constant 0 : i32
        %dma_wait3A_83 = tpu.memref_slice %arg7[%rem3A_69, %dma_wait3A_81, %dma_wait3A_82] : memref<2x512x32xf32, #tpu.memory_space<vmem>> -> memref<1x512x32xf32, #tpu.memory_space<vmem>>
        %dma_wait3A_84 = tpu.memref_squeeze %dma_wait3A_83 : memref<1x512x32xf32, #tpu.memory_space<vmem>> -> memref<512x32xf32, #tpu.memory_space<vmem>>
        %dma_wait3A_85 = arith.constant 0 : i32
        %dma_wait3A_86 = tpu.memref_slice %arg6[%dma_wait3A_80, %scan3A_68, %dma_wait3A_85] : memref<2x12x512xi32, #tpu.memory_space<vmem>> -> memref<1x1x512xi32, #tpu.memory_space<vmem>>
        %dma_wait3A_87 = tpu.memref_squeeze %dma_wait3A_86 : memref<1x1x512xi32, #tpu.memory_space<vmem>> -> memref<512xi32, #tpu.memory_space<vmem>>
        %dma_wait3A_88 = arith.constant 0 : i32
        %dma_wait3A_89 = arith.constant 0 : i32
        %dma_wait3A_90 = tpu.memref_slice %arg2[%dma_wait3A_88, %dma_wait3A_89] : memref<10000x32xf32, #tpu.memory_space<hbm>> -> memref<10000x32xf32, #tpu.memory_space<hbm>>
        tpu.wait_indirect_dma semaphore(%arg9 : memref<!tpu.dma_semaphore, #tpu.memory_space<semaphore_mem>>) src(%dma_wait3A_90 : memref<10000x32xf32, #tpu.memory_space<hbm>>) dst(%dma_wait3A_84 : memref<512x32xf32, #tpu.memory_space<vmem>>)
        %dma_start3A_91 = arith.constant 1 : i32
        %dma_start3A_92 = arith.constant 0 : i32
        %dma_start3A_93 = arith.constant 0 : i32
        %dma_start3A_94 = tpu.memref_slice %arg7[%rem3A_69, %dma_start3A_92, %dma_start3A_93] : memref<2x512x32xf32, #tpu.memory_space<vmem>> -> memref<1x512x32xf32, #tpu.memory_space<vmem>>
        %dma_start3A_95 = tpu.memref_squeeze %dma_start3A_94 : memref<1x512x32xf32, #tpu.memory_space<vmem>> -> memref<512x32xf32, #tpu.memory_space<vmem>>
        %dma_start3A_96 = arith.constant 0 : i32
        %dma_start3A_97 = tpu.memref_slice %arg6[%dma_start3A_91, %scan3A_68, %dma_start3A_96] : memref<2x12x512xi32, #tpu.memory_space<vmem>> -> memref<1x1x512xi32, #tpu.memory_space<vmem>>
        %dma_start3A_98 = tpu.memref_squeeze %dma_start3A_97 : memref<1x1x512xi32, #tpu.memory_space<vmem>> -> memref<512xi32, #tpu.memory_space<vmem>>
        %dma_start3A_99 = arith.constant 0 : i32
        %dma_start3A_100 = arith.constant 0 : i32
        %dma_start3A_101 = tpu.memref_slice %arg8[%dma_start3A_99, %dma_start3A_100] : memref<10112x32xf32, #tpu.memory_space<vmem_shared>> -> memref<10112x32xf32, #tpu.memory_space<vmem_shared>>
        tpu.enqueue_indirect_dma source(%dma_start3A_95 : memref<512x32xf32, #tpu.memory_space<vmem>>) target(%dma_start3A_101 : memref<10112x32xf32, #tpu.memory_space<vmem_shared>>) offsets(%dma_start3A_98 : memref<512xi32, #tpu.memory_space<vmem>>) semaphore(%arg10 : memref<!tpu.dma_semaphore, #tpu.memory_space<semaphore_mem>>) {add = true}
      }
      %scan3A_53 = arith.constant 12 : i32
      %dma_wait3A_54 = arith.constant 1 : i32
      %dma_wait3A_55 = arith.constant 1 : i32
      %dma_wait3A_56 = arith.constant 11 : i32
      %dma_wait3A_57 = arith.constant 0 : i32
      %dma_wait3A_58 = arith.constant 0 : i32
      %dma_wait3A_59 = tpu.memref_slice %arg7[%dma_wait3A_54, %dma_wait3A_57, %dma_wait3A_58] : memref<2x512x32xf32, #tpu.memory_space<vmem>> -> memref<1x512x32xf32, #tpu.memory_space<vmem>>
      %dma_wait3A_60 = tpu.memref_squeeze %dma_wait3A_59 : memref<1x512x32xf32, #tpu.memory_space<vmem>> -> memref<512x32xf32, #tpu.memory_space<vmem>>
      %dma_wait3A_61 = arith.constant 0 : i32
      %dma_wait3A_62 = tpu.memref_slice %arg6[%dma_wait3A_55, %dma_wait3A_56, %dma_wait3A_61] : memref<2x12x512xi32, #tpu.memory_space<vmem>> -> memref<1x1x512xi32, #tpu.memory_space<vmem>>
      %dma_wait3A_63 = tpu.memref_squeeze %dma_wait3A_62 : memref<1x1x512xi32, #tpu.memory_space<vmem>> -> memref<512xi32, #tpu.memory_space<vmem>>
      %dma_wait3A_64 = arith.constant 0 : i32
      %dma_wait3A_65 = arith.constant 0 : i32
      %dma_wait3A_66 = tpu.memref_slice %arg8[%dma_wait3A_64, %dma_wait3A_65] : memref<10112x32xf32, #tpu.memory_space<vmem_shared>> -> memref<10112x32xf32, #tpu.memory_space<vmem_shared>>
      tpu.wait_indirect_dma semaphore(%arg10 : memref<!tpu.dma_semaphore, #tpu.memory_space<semaphore_mem>>) src(%dma_wait3A_60 : memref<512x32xf32, #tpu.memory_space<vmem>>) dst(%dma_wait3A_66 : memref<10112x32xf32, #tpu.memory_space<vmem_shared>>)
      %barrier3A_67 = arith.constant 0 : index
      tpu.barrier barrier_id(%barrier3A_67)
      "tpu.region"() ({
        %run_scoped3A = tpu.sem_alloc : memref<!tpu.dma_semaphore, #tpu.memory_space<semaphore_mem>>
        %dma_start3A_68 = arith.constant 0 : i32
        %dma_start3A_69 = tpu.memref_slice %arg5[%arg0, %mul3A_0, %dma_start3A_68] : memref<2x10112x32xf32, #tpu.memory_space<hbm>> -> memref<1x632x32xf32, #tpu.memory_space<hbm>>
        %dma_start3A_70 = tpu.memref_squeeze %dma_start3A_69 : memref<1x632x32xf32, #tpu.memory_space<hbm>> -> memref<632x32xf32, #tpu.memory_space<hbm>>
        %dma_start3A_71 = arith.constant 0 : i32
        %dma_start3A_72 = tpu.memref_slice %arg8[%mul3A_0, %dma_start3A_71] : memref<10112x32xf32, #tpu.memory_space<vmem_shared>> -> memref<632x32xf32, #tpu.memory_space<vmem_shared>>
        tpu.enqueue_dma source(%dma_start3A_72 : memref<632x32xf32, #tpu.memory_space<vmem_shared>>) target(%dma_start3A_70 : memref<632x32xf32, #tpu.memory_space<hbm>>) target_semaphore(%run_scoped3A : memref<!tpu.dma_semaphore, #tpu.memory_space<semaphore_mem>>)
        %dma_wait3A_73 = arith.constant 0 : i32
        %dma_wait3A_74 = tpu.memref_slice %arg5[%arg0, %mul3A_0, %dma_wait3A_73] : memref<2x10112x32xf32, #tpu.memory_space<hbm>> -> memref<1x632x32xf32, #tpu.memory_space<hbm>>
        %dma_wait3A_75 = tpu.memref_squeeze %dma_wait3A_74 : memref<1x632x32xf32, #tpu.memory_space<hbm>> -> memref<632x32xf32, #tpu.memory_space<hbm>>
        %dma_wait3A_76 = arith.constant 0 : i32
        %dma_wait3A_77 = tpu.memref_slice %arg8[%mul3A_0, %dma_wait3A_76] : memref<10112x32xf32, #tpu.memory_space<vmem_shared>> -> memref<632x32xf32, #tpu.memory_space<vmem_shared>>
        tpu.wait_dma2 semaphore(%run_scoped3A : memref<!tpu.dma_semaphore, #tpu.memory_space<semaphore_mem>>) src(%dma_wait3A_77 : memref<632x32xf32, #tpu.memory_space<vmem_shared>>) dst(%dma_wait3A_75 : memref<632x32xf32, #tpu.memory_space<hbm>>)
        tpu.yield
      }) : () -> ()
    } else {
    }
    %eq3A_3 = arith.constant 1 : i32
    %eq3A_4 = arith.cmpi eq, %arg0, %eq3A_3 : i32
    %convert_element_type3A_5 = arith.extui %eq3A_4 : i1 to i32
    %cond3A_6 = arith.constant 0 : i32
    %cond3A_7 = arith.cmpi ne, %convert_element_type3A_5, %cond3A_6 : i32
    scf.if %cond3A_7 {
      %mul3A_8 = arith.constant 8 : i32
      %mul3A_9 = arith.muli %arg1, %mul3A_8 : i32
      %add3A = arith.constant 192 : i32
      %add3A_10 = arith.addi %add3A, %mul3A_9 : i32
      %dma_start3A = arith.constant 0 : i32
      %dma_start3A_11 = arith.constant 0 : i32
      %dma_start3A_12 = arith.constant 0 : i32
      %dma_start3A_13 = tpu.memref_slice %arg6[%dma_start3A, %dma_start3A_11, %dma_start3A_12] : memref<2x12x512xi32, #tpu.memory_space<vmem>> -> memref<2x8x512xi32, #tpu.memory_space<vmem>>
      %dma_start3A_14 = arith.constant 0 : i32
      %dma_start3A_15 = arith.constant 0 : i32
      %dma_start3A_16 = tpu.memref_slice %arg3[%dma_start3A_14, %add3A_10, %dma_start3A_15] : memref<2x320x512xi32, #tpu.memory_space<hbm>> -> memref<2x8x512xi32, #tpu.memory_space<hbm>>
      %dma_start3A_17 = arith.constant 0 : i32
      %dma_start3A_18 = arith.constant 0 : i32
      %dma_start3A_19 = arith.constant 0 : i32
      %dma_start3A_20 = tpu.memref_slice %arg6[%dma_start3A_17, %dma_start3A_18, %dma_start3A_19] : memref<2x12x512xi32, #tpu.memory_space<vmem>> -> memref<2x8x512xi32, #tpu.memory_space<vmem>>
      %dma_start3A_21 = arith.constant 0 : i32
      %dma_start3A_22 = arith.constant 0 : i32
      %dma_start3A_23 = tpu.memref_slice %arg3[%dma_start3A_21, %add3A_10, %dma_start3A_22] : memref<2x320x512xi32, #tpu.memory_space<hbm>> -> memref<2x8x512xi32, #tpu.memory_space<hbm>>
      tpu.enqueue_dma source(%dma_start3A_23 : memref<2x8x512xi32, #tpu.memory_space<hbm>>) target(%dma_start3A_20 : memref<2x8x512xi32, #tpu.memory_space<vmem>>) target_semaphore(%arg11 : memref<!tpu.dma_semaphore, #tpu.memory_space<semaphore_mem>>)
      "tpu.region"() ({
        %run_scoped3A = tpu.sem_alloc : memref<!tpu.dma_semaphore, #tpu.memory_space<semaphore_mem>>
        %dma_start3A_69 = arith.constant 0 : i32
        %dma_start3A_70 = tpu.memref_slice %arg8[%mul3A_0, %dma_start3A_69] : memref<10112x32xf32, #tpu.memory_space<vmem_shared>> -> memref<632x32xf32, #tpu.memory_space<vmem_shared>>
        %dma_start3A_71 = arith.constant 0 : i32
        %dma_start3A_72 = tpu.memref_slice %arg4[%mul3A_0, %dma_start3A_71] : memref<10112x32xf32, #tpu.memory_space<hbm>> -> memref<632x32xf32, #tpu.memory_space<hbm>>
        tpu.enqueue_dma source(%dma_start3A_72 : memref<632x32xf32, #tpu.memory_space<hbm>>) target(%dma_start3A_70 : memref<632x32xf32, #tpu.memory_space<vmem_shared>>) target_semaphore(%run_scoped3A : memref<!tpu.dma_semaphore, #tpu.memory_space<semaphore_mem>>)
        %dma_wait3A_73 = arith.constant 0 : i32
        %dma_wait3A_74 = tpu.memref_slice %arg8[%mul3A_0, %dma_wait3A_73] : memref<10112x32xf32, #tpu.memory_space<vmem_shared>> -> memref<632x32xf32, #tpu.memory_space<vmem_shared>>
        %dma_wait3A_75 = arith.constant 0 : i32
        %dma_wait3A_76 = tpu.memref_slice %arg4[%mul3A_0, %dma_wait3A_75] : memref<10112x32xf32, #tpu.memory_space<hbm>> -> memref<632x32xf32, #tpu.memory_space<hbm>>
        tpu.wait_dma2 semaphore(%run_scoped3A : memref<!tpu.dma_semaphore, #tpu.memory_space<semaphore_mem>>) src(%dma_wait3A_76 : memref<632x32xf32, #tpu.memory_space<hbm>>) dst(%dma_wait3A_74 : memref<632x32xf32, #tpu.memory_space<vmem_shared>>)
        tpu.yield
      }) : () -> ()
      %dma_wait3A = arith.constant 0 : i32
      %dma_wait3A_24 = arith.constant 0 : i32
      %dma_wait3A_25 = arith.constant 0 : i32
      %dma_wait3A_26 = tpu.memref_slice %arg6[%dma_wait3A, %dma_wait3A_24, %dma_wait3A_25] : memref<2x12x512xi32, #tpu.memory_space<vmem>> -> memref<2x8x512xi32, #tpu.memory_space<vmem>>
      %dma_wait3A_27 = arith.constant 0 : i32
      %dma_wait3A_28 = arith.constant 0 : i32
      %dma_wait3A_29 = tpu.memref_slice %arg3[%dma_wait3A_27, %add3A_10, %dma_wait3A_28] : memref<2x320x512xi32, #tpu.memory_space<hbm>> -> memref<2x8x512xi32, #tpu.memory_space<hbm>>
      %dma_wait3A_30 = arith.constant 0 : i32
      %dma_wait3A_31 = arith.constant 0 : i32
      %dma_wait3A_32 = arith.constant 0 : i32
      %dma_wait3A_33 = tpu.memref_slice %arg6[%dma_wait3A_30, %dma_wait3A_31, %dma_wait3A_32] : memref<2x12x512xi32, #tpu.memory_space<vmem>> -> memref<2x8x512xi32, #tpu.memory_space<vmem>>
      %dma_wait3A_34 = arith.constant 0 : i32
      %dma_wait3A_35 = arith.constant 0 : i32
      %dma_wait3A_36 = tpu.memref_slice %arg3[%dma_wait3A_34, %add3A_10, %dma_wait3A_35] : memref<2x320x512xi32, #tpu.memory_space<hbm>> -> memref<2x8x512xi32, #tpu.memory_space<hbm>>
      tpu.wait_dma2 semaphore(%arg11 : memref<!tpu.dma_semaphore, #tpu.memory_space<semaphore_mem>>) src(%dma_wait3A_36 : memref<2x8x512xi32, #tpu.memory_space<hbm>>) dst(%dma_wait3A_33 : memref<2x8x512xi32, #tpu.memory_space<vmem>>)
      %barrier3A = arith.constant 0 : index
      tpu.barrier barrier_id(%barrier3A)
      %dma_start3A_37 = arith.constant 0 : i32
      %dma_start3A_38 = arith.constant 0 : i32
      %dma_start3A_39 = arith.constant 0 : i32
      %dma_start3A_40 = arith.constant 0 : i32
      %dma_start3A_41 = arith.constant 0 : i32
      %dma_start3A_42 = tpu.memref_slice %arg7[%dma_start3A_39, %dma_start3A_40, %dma_start3A_41] : memref<2x512x32xf32, #tpu.memory_space<vmem>> -> memref<1x512x32xf32, #tpu.memory_space<vmem>>
      %dma_start3A_43 = tpu.memref_squeeze %dma_start3A_42 : memref<1x512x32xf32, #tpu.memory_space<vmem>> -> memref<512x32xf32, #tpu.memory_space<vmem>>
      %dma_start3A_44 = arith.constant 0 : i32
      %dma_start3A_45 = tpu.memref_slice %arg6[%dma_start3A_37, %dma_start3A_38, %dma_start3A_44] : memref<2x12x512xi32, #tpu.memory_space<vmem>> -> memref<1x1x512xi32, #tpu.memory_space<vmem>>
      %dma_start3A_46 = tpu.memref_squeeze %dma_start3A_45 : memref<1x1x512xi32, #tpu.memory_space<vmem>> -> memref<512xi32, #tpu.memory_space<vmem>>
      %dma_start3A_47 = arith.constant 0 : i32
      %dma_start3A_48 = arith.constant 0 : i32
      %dma_start3A_49 = tpu.memref_slice %arg2[%dma_start3A_47, %dma_start3A_48] : memref<10000x32xf32, #tpu.memory_space<hbm>> -> memref<10000x32xf32, #tpu.memory_space<hbm>>
      tpu.enqueue_indirect_dma source(%dma_start3A_49 : memref<10000x32xf32, #tpu.memory_space<hbm>>) target(%dma_start3A_43 : memref<512x32xf32, #tpu.memory_space<vmem>>) offsets(%dma_start3A_46 : memref<512xi32, #tpu.memory_space<vmem>>) semaphore(%arg9 : memref<!tpu.dma_semaphore, #tpu.memory_space<semaphore_mem>>)
      %scan3A = arith.constant 0 : i32
      %scan3A_50 = arith.constant 0 : i32
      %scan3A_51 = arith.constant 8 : i32
      %scan3A_52 = arith.addi %scan3A_50, %scan3A_51 : i32
      %scan3A_53 = arith.constant 1 : i32
      scf.for %scan3A_69 = %scan3A_50 to %scan3A_52 step %scan3A_53  : i32 {
        %rem3A = arith.constant 2 : i32
        %rem3A_70 = arith.remsi %scan3A_69, %rem3A : i32
        %sub3A = arith.constant 1 : i32
        %sub3A_71 = arith.subi %sub3A, %rem3A_70 : i32
        %ge3A = arith.constant 1 : i32
        %ge3A_72 = arith.cmpi sge, %scan3A_69, %ge3A : i32
        %convert_element_type3A_73 = arith.extui %ge3A_72 : i1 to i32
        %cond3A_74 = arith.constant 0 : i32
        %cond3A_75 = arith.cmpi ne, %convert_element_type3A_73, %cond3A_74 : i32
        scf.if %cond3A_75 {
          %sub3A_104 = arith.constant 1 : i32
          %sub3A_105 = arith.subi %scan3A_69, %sub3A_104 : i32
          %dma_wait3A_106 = arith.constant 1 : i32
          %dma_wait3A_107 = arith.constant 0 : i32
          %dma_wait3A_108 = arith.constant 0 : i32
          %dma_wait3A_109 = tpu.memref_slice %arg7[%sub3A_71, %dma_wait3A_107, %dma_wait3A_108] : memref<2x512x32xf32, #tpu.memory_space<vmem>> -> memref<1x512x32xf32, #tpu.memory_space<vmem>>
          %dma_wait3A_110 = tpu.memref_squeeze %dma_wait3A_109 : memref<1x512x32xf32, #tpu.memory_space<vmem>> -> memref<512x32xf32, #tpu.memory_space<vmem>>
          %dma_wait3A_111 = arith.constant 0 : i32
          %dma_wait3A_112 = tpu.memref_slice %arg6[%dma_wait3A_106, %sub3A_105, %dma_wait3A_111] : memref<2x12x512xi32, #tpu.memory_space<vmem>> -> memref<1x1x512xi32, #tpu.memory_space<vmem>>
          %dma_wait3A_113 = tpu.memref_squeeze %dma_wait3A_112 : memref<1x1x512xi32, #tpu.memory_space<vmem>> -> memref<512xi32, #tpu.memory_space<vmem>>
          %dma_wait3A_114 = arith.constant 0 : i32
          %dma_wait3A_115 = arith.constant 0 : i32
          %dma_wait3A_116 = tpu.memref_slice %arg8[%dma_wait3A_114, %dma_wait3A_115] : memref<10112x32xf32, #tpu.memory_space<vmem_shared>> -> memref<10112x32xf32, #tpu.memory_space<vmem_shared>>
          tpu.wait_indirect_dma semaphore(%arg10 : memref<!tpu.dma_semaphore, #tpu.memory_space<semaphore_mem>>) src(%dma_wait3A_110 : memref<512x32xf32, #tpu.memory_space<vmem>>) dst(%dma_wait3A_116 : memref<10112x32xf32, #tpu.memory_space<vmem_shared>>)
        } else {
        }
        %add3A_76 = arith.constant 1 : i32
        %add3A_77 = arith.addi %scan3A_69, %add3A_76 : i32
        %lt3A = arith.constant 8 : i32
        %lt3A_78 = arith.cmpi slt, %add3A_77, %lt3A : i32
        %convert_element_type3A_79 = arith.extui %lt3A_78 : i1 to i32
        %cond3A_80 = arith.constant 0 : i32
        %cond3A_81 = arith.cmpi ne, %convert_element_type3A_79, %cond3A_80 : i32
        scf.if %cond3A_81 {
          %add3A_104 = arith.constant 1 : i32
          %add3A_105 = arith.addi %scan3A_69, %add3A_104 : i32
          %dma_start3A_106 = arith.constant 0 : i32
          %dma_start3A_107 = arith.constant 0 : i32
          %dma_start3A_108 = arith.constant 0 : i32
          %dma_start3A_109 = tpu.memref_slice %arg7[%sub3A_71, %dma_start3A_107, %dma_start3A_108] : memref<2x512x32xf32, #tpu.memory_space<vmem>> -> memref<1x512x32xf32, #tpu.memory_space<vmem>>
          %dma_start3A_110 = tpu.memref_squeeze %dma_start3A_109 : memref<1x512x32xf32, #tpu.memory_space<vmem>> -> memref<512x32xf32, #tpu.memory_space<vmem>>
          %dma_start3A_111 = arith.constant 0 : i32
          %dma_start3A_112 = tpu.memref_slice %arg6[%dma_start3A_106, %add3A_105, %dma_start3A_111] : memref<2x12x512xi32, #tpu.memory_space<vmem>> -> memref<1x1x512xi32, #tpu.memory_space<vmem>>
          %dma_start3A_113 = tpu.memref_squeeze %dma_start3A_112 : memref<1x1x512xi32, #tpu.memory_space<vmem>> -> memref<512xi32, #tpu.memory_space<vmem>>
          %dma_start3A_114 = arith.constant 0 : i32
          %dma_start3A_115 = arith.constant 0 : i32
          %dma_start3A_116 = tpu.memref_slice %arg2[%dma_start3A_114, %dma_start3A_115] : memref<10000x32xf32, #tpu.memory_space<hbm>> -> memref<10000x32xf32, #tpu.memory_space<hbm>>
          tpu.enqueue_indirect_dma source(%dma_start3A_116 : memref<10000x32xf32, #tpu.memory_space<hbm>>) target(%dma_start3A_110 : memref<512x32xf32, #tpu.memory_space<vmem>>) offsets(%dma_start3A_113 : memref<512xi32, #tpu.memory_space<vmem>>) semaphore(%arg9 : memref<!tpu.dma_semaphore, #tpu.memory_space<semaphore_mem>>)
        } else {
        }
        %dma_wait3A_82 = arith.constant 0 : i32
        %dma_wait3A_83 = arith.constant 0 : i32
        %dma_wait3A_84 = arith.constant 0 : i32
        %dma_wait3A_85 = tpu.memref_slice %arg7[%rem3A_70, %dma_wait3A_83, %dma_wait3A_84] : memref<2x512x32xf32, #tpu.memory_space<vmem>> -> memref<1x512x32xf32, #tpu.memory_space<vmem>>
        %dma_wait3A_86 = tpu.memref_squeeze %dma_wait3A_85 : memref<1x512x32xf32, #tpu.memory_space<vmem>> -> memref<512x32xf32, #tpu.memory_space<vmem>>
        %dma_wait3A_87 = arith.constant 0 : i32
        %dma_wait3A_88 = tpu.memref_slice %arg6[%dma_wait3A_82, %scan3A_69, %dma_wait3A_87] : memref<2x12x512xi32, #tpu.memory_space<vmem>> -> memref<1x1x512xi32, #tpu.memory_space<vmem>>
        %dma_wait3A_89 = tpu.memref_squeeze %dma_wait3A_88 : memref<1x1x512xi32, #tpu.memory_space<vmem>> -> memref<512xi32, #tpu.memory_space<vmem>>
        %dma_wait3A_90 = arith.constant 0 : i32
        %dma_wait3A_91 = arith.constant 0 : i32
        %dma_wait3A_92 = tpu.memref_slice %arg2[%dma_wait3A_90, %dma_wait3A_91] : memref<10000x32xf32, #tpu.memory_space<hbm>> -> memref<10000x32xf32, #tpu.memory_space<hbm>>
        tpu.wait_indirect_dma semaphore(%arg9 : memref<!tpu.dma_semaphore, #tpu.memory_space<semaphore_mem>>) src(%dma_wait3A_92 : memref<10000x32xf32, #tpu.memory_space<hbm>>) dst(%dma_wait3A_86 : memref<512x32xf32, #tpu.memory_space<vmem>>)
        %dma_start3A_93 = arith.constant 1 : i32
        %dma_start3A_94 = arith.constant 0 : i32
        %dma_start3A_95 = arith.constant 0 : i32
        %dma_start3A_96 = tpu.memref_slice %arg7[%rem3A_70, %dma_start3A_94, %dma_start3A_95] : memref<2x512x32xf32, #tpu.memory_space<vmem>> -> memref<1x512x32xf32, #tpu.memory_space<vmem>>
        %dma_start3A_97 = tpu.memref_squeeze %dma_start3A_96 : memref<1x512x32xf32, #tpu.memory_space<vmem>> -> memref<512x32xf32, #tpu.memory_space<vmem>>
        %dma_start3A_98 = arith.constant 0 : i32
        %dma_start3A_99 = tpu.memref_slice %arg6[%dma_start3A_93, %scan3A_69, %dma_start3A_98] : memref<2x12x512xi32, #tpu.memory_space<vmem>> -> memref<1x1x512xi32, #tpu.memory_space<vmem>>
        %dma_start3A_100 = tpu.memref_squeeze %dma_start3A_99 : memref<1x1x512xi32, #tpu.memory_space<vmem>> -> memref<512xi32, #tpu.memory_space<vmem>>
        %dma_start3A_101 = arith.constant 0 : i32
        %dma_start3A_102 = arith.constant 0 : i32
        %dma_start3A_103 = tpu.memref_slice %arg8[%dma_start3A_101, %dma_start3A_102] : memref<10112x32xf32, #tpu.memory_space<vmem_shared>> -> memref<10112x32xf32, #tpu.memory_space<vmem_shared>>
        tpu.enqueue_indirect_dma source(%dma_start3A_97 : memref<512x32xf32, #tpu.memory_space<vmem>>) target(%dma_start3A_103 : memref<10112x32xf32, #tpu.memory_space<vmem_shared>>) offsets(%dma_start3A_100 : memref<512xi32, #tpu.memory_space<vmem>>) semaphore(%arg10 : memref<!tpu.dma_semaphore, #tpu.memory_space<semaphore_mem>>) {add = true}
      }
      %scan3A_54 = arith.constant 8 : i32
      %dma_wait3A_55 = arith.constant 1 : i32
      %dma_wait3A_56 = arith.constant 1 : i32
      %dma_wait3A_57 = arith.constant 7 : i32
      %dma_wait3A_58 = arith.constant 0 : i32
      %dma_wait3A_59 = arith.constant 0 : i32
      %dma_wait3A_60 = tpu.memref_slice %arg7[%dma_wait3A_55, %dma_wait3A_58, %dma_wait3A_59] : memref<2x512x32xf32, #tpu.memory_space<vmem>> -> memref<1x512x32xf32, #tpu.memory_space<vmem>>
      %dma_wait3A_61 = tpu.memref_squeeze %dma_wait3A_60 : memref<1x512x32xf32, #tpu.memory_space<vmem>> -> memref<512x32xf32, #tpu.memory_space<vmem>>
      %dma_wait3A_62 = arith.constant 0 : i32
      %dma_wait3A_63 = tpu.memref_slice %arg6[%dma_wait3A_56, %dma_wait3A_57, %dma_wait3A_62] : memref<2x12x512xi32, #tpu.memory_space<vmem>> -> memref<1x1x512xi32, #tpu.memory_space<vmem>>
      %dma_wait3A_64 = tpu.memref_squeeze %dma_wait3A_63 : memref<1x1x512xi32, #tpu.memory_space<vmem>> -> memref<512xi32, #tpu.memory_space<vmem>>
      %dma_wait3A_65 = arith.constant 0 : i32
      %dma_wait3A_66 = arith.constant 0 : i32
      %dma_wait3A_67 = tpu.memref_slice %arg8[%dma_wait3A_65, %dma_wait3A_66] : memref<10112x32xf32, #tpu.memory_space<vmem_shared>> -> memref<10112x32xf32, #tpu.memory_space<vmem_shared>>
      tpu.wait_indirect_dma semaphore(%arg10 : memref<!tpu.dma_semaphore, #tpu.memory_space<semaphore_mem>>) src(%dma_wait3A_61 : memref<512x32xf32, #tpu.memory_space<vmem>>) dst(%dma_wait3A_67 : memref<10112x32xf32, #tpu.memory_space<vmem_shared>>)
      %barrier3A_68 = arith.constant 0 : index
      tpu.barrier barrier_id(%barrier3A_68)
      "tpu.region"() ({
        %run_scoped3A = tpu.sem_alloc : memref<!tpu.dma_semaphore, #tpu.memory_space<semaphore_mem>>
        %dma_start3A_69 = arith.constant 0 : i32
        %dma_start3A_70 = tpu.memref_slice %arg5[%arg0, %mul3A_0, %dma_start3A_69] : memref<2x10112x32xf32, #tpu.memory_space<hbm>> -> memref<1x632x32xf32, #tpu.memory_space<hbm>>
        %dma_start3A_71 = tpu.memref_squeeze %dma_start3A_70 : memref<1x632x32xf32, #tpu.memory_space<hbm>> -> memref<632x32xf32, #tpu.memory_space<hbm>>
        %dma_start3A_72 = arith.constant 0 : i32
        %dma_start3A_73 = tpu.memref_slice %arg8[%mul3A_0, %dma_start3A_72] : memref<10112x32xf32, #tpu.memory_space<vmem_shared>> -> memref<632x32xf32, #tpu.memory_space<vmem_shared>>
        tpu.enqueue_dma source(%dma_start3A_73 : memref<632x32xf32, #tpu.memory_space<vmem_shared>>) target(%dma_start3A_71 : memref<632x32xf32, #tpu.memory_space<hbm>>) target_semaphore(%run_scoped3A : memref<!tpu.dma_semaphore, #tpu.memory_space<semaphore_mem>>)
        %dma_wait3A_74 = arith.constant 0 : i32
        %dma_wait3A_75 = tpu.memref_slice %arg5[%arg0, %mul3A_0, %dma_wait3A_74] : memref<2x10112x32xf32, #tpu.memory_space<hbm>> -> memref<1x632x32xf32, #tpu.memory_space<hbm>>
        %dma_wait3A_76 = tpu.memref_squeeze %dma_wait3A_75 : memref<1x632x32xf32, #tpu.memory_space<hbm>> -> memref<632x32xf32, #tpu.memory_space<hbm>>
        %dma_wait3A_77 = arith.constant 0 : i32
        %dma_wait3A_78 = tpu.memref_slice %arg8[%mul3A_0, %dma_wait3A_77] : memref<10112x32xf32, #tpu.memory_space<vmem_shared>> -> memref<632x32xf32, #tpu.memory_space<vmem_shared>>
        tpu.wait_dma2 semaphore(%run_scoped3A : memref<!tpu.dma_semaphore, #tpu.memory_space<semaphore_mem>>) src(%dma_wait3A_78 : memref<632x32xf32, #tpu.memory_space<vmem_shared>>) dst(%dma_wait3A_76 : memref<632x32xf32, #tpu.memory_space<hbm>>)
        tpu.yield
      }) : () -> ()
    } else {
    }
    return
  }
}

module attributes {stable_mosaic.version = 14 : i64} {
  func.func @_proj_body(%arg0: i32, %arg1: memref<2000x128xf32, #tpu.memory_space<vmem>>, %arg2: memref<128x32xf32, #tpu.memory_space<vmem>>, %arg3: memref<2000x32xf32, #tpu.memory_space<vmem>>) attributes {dimension_semantics = [#tpu.dimension_semantics<arbitrary>], iteration_bounds = array<i64: 5>, scalar_prefetch = 0 : i64, scratch_operands = 0 : i64, tpu.core_type = #tpu.core_type<tc>, window_params = [{transform_indices = @transform_0, window_bounds = array<i64: 2000, 128>}, {pipeline_mode = #tpu.pipeline_mode<synchronous>, transform_indices = @transform_1, window_bounds = array<i64: 128, 32>}, {transform_indices = @transform_2, window_bounds = array<i64: 2000, 32>}]} {
    %get3A = arith.constant 0 : index
    %get3A_0 = arith.constant 0 : index
    %get3A_1 = vector.load %arg1[%get3A, %get3A_0] : memref<2000x128xf32, #tpu.memory_space<vmem>>, vector<2000x128xf32>
    %get3A_2 = arith.constant 0 : index
    %get3A_3 = arith.constant 0 : index
    %get3A_4 = vector.load %arg2[%get3A_2, %get3A_3] : memref<128x32xf32, #tpu.memory_space<vmem>>, vector<128x32xf32>
    %dot_general3A = arith.constant dense<0.000000e+00> : vector<2000x32xf32>
    %dot_general3A_5 = tpu.matmul %get3A_1, %get3A_4, %dot_general3A {dimension_numbers = #tpu.dot_dimension_numbers<[1], [0], [0], [1], [0, 0, 1, 1], [], []>, transpose_lhs_hint = false} : vector<2000x128xf32>, vector<128x32xf32>, vector<2000x32xf32> -> vector<2000x32xf32>
    %swap3A = arith.constant 0 : index
    %swap3A_6 = arith.constant 0 : index
    %swap3A_7 = vector.load %arg3[%swap3A, %swap3A_6] : memref<2000x32xf32, #tpu.memory_space<vmem>>, vector<2000x32xf32>
    tpu.vector_store %arg3[%swap3A, %swap3A_6], %dot_general3A_5 {strides = array<i32>} : memref<2000x32xf32, #tpu.memory_space<vmem>>, vector<2000x32xf32>,
    return
  }
  func.func @transform_0(%arg0: i32) -> (i32, i32) {
    %c0_i32 = arith.constant 0 : i32
    %c0_i32_0 = arith.constant 0 : i32
    return %arg0, %c0_i32 : i32, i32
  }
  func.func @transform_1(%arg0: i32) -> (i32, i32) {
    %c0_i32 = arith.constant 0 : i32
    %c0_i32_0 = arith.constant 0 : i32
    %c0_i32_1 = arith.constant 0 : i32
    return %c0_i32, %c0_i32_0 : i32, i32
  }
  func.func @transform_2(%arg0: i32) -> (i32, i32) {
    %c0_i32 = arith.constant 0 : i32
    %c0_i32_0 = arith.constant 0 : i32
    return %arg0, %c0_i32 : i32, i32
  }
}

module attributes {stable_mosaic.version = 14 : i64} {
  func.func @_prep_body(%arg0: i32, %arg1: memref<2x2000x16xf32, #tpu.memory_space<vmem>>, %arg2: memref<2000x32xf32, #tpu.memory_space<vmem>>, %arg3: memref<2000x1xf32, #tpu.memory_space<vmem>>, %arg4: memref<2000x32xf32, #tpu.memory_space<vmem>>) attributes {dimension_semantics = [#tpu.dimension_semantics<arbitrary>], iteration_bounds = array<i64: 5>, scalar_prefetch = 0 : i64, scratch_operands = 0 : i64, tpu.core_type = #tpu.core_type<tc>, window_params = [{transform_indices = @transform_0, window_bounds = array<i64: 2, 2000, 16>}, {transform_indices = @transform_1, window_bounds = array<i64: 2000, 32>}, {transform_indices = @transform_2, window_bounds = array<i64: 2000, 1>}, {transform_indices = @transform_3, window_bounds = array<i64: 2000, 32>}]} {
    %get3A = arith.constant 0 : index
    %get3A_0 = arith.constant 0 : index
    %get3A_1 = arith.constant 0 : index
    %get3A_2 = vector.load %arg1[%get3A, %get3A_0, %get3A_1] : memref<2x2000x16xf32, #tpu.memory_space<vmem>>, vector<1x2000x1xf32>
    %get3A_3 = vector.shape_cast %get3A_2 : vector<1x2000x1xf32> to vector<2000x1xf32>
    %get3A_4 = arith.constant 1 : index
    %get3A_5 = arith.constant 0 : index
    %get3A_6 = arith.constant 0 : index
    %get3A_7 = vector.load %arg1[%get3A_4, %get3A_5, %get3A_6] : memref<2x2000x16xf32, #tpu.memory_space<vmem>>, vector<1x2000x1xf32>
    %get3A_8 = vector.shape_cast %get3A_7 : vector<1x2000x1xf32> to vector<2000x1xf32>
    %add3A = arith.addf %get3A_3, %get3A_8 : vector<2000x1xf32>
    %add3A_9 = arith.constant 1.000000e+00 : f32
    %add3A_10 = vector.broadcast %add3A_9 : f32 to vector<2000x1xf32>
    %add3A_11 = arith.addf %add3A, %add3A_10 : vector<2000x1xf32>
    %rsqrt3A = math.rsqrt %add3A_11 : vector<2000x1xf32>
    %swap3A = arith.constant 0 : index
    %swap3A_12 = arith.constant 0 : index
    %swap3A_13 = vector.load %arg3[%swap3A, %swap3A_12] : memref<2000x1xf32, #tpu.memory_space<vmem>>, vector<2000x1xf32>
    tpu.vector_store %arg3[%swap3A, %swap3A_12], %rsqrt3A {strides = array<i32>} : memref<2000x1xf32, #tpu.memory_space<vmem>>, vector<2000x1xf32>,
    %get3A_14 = arith.constant 0 : index
    %get3A_15 = arith.constant 0 : index
    %get3A_16 = vector.load %arg2[%get3A_14, %get3A_15] : memref<2000x32xf32, #tpu.memory_space<vmem>>, vector<2000x32xf32>
    %mul3A = vector.broadcast %rsqrt3A : vector<2000x1xf32> to vector<2000x32xf32>
    %mul3A_17 = arith.mulf %get3A_16, %mul3A : vector<2000x32xf32>
    %swap3A_18 = arith.constant 0 : index
    %swap3A_19 = arith.constant 0 : index
    %swap3A_20 = vector.load %arg4[%swap3A_18, %swap3A_19] : memref<2000x32xf32, #tpu.memory_space<vmem>>, vector<2000x32xf32>
    tpu.vector_store %arg4[%swap3A_18, %swap3A_19], %mul3A_17 {strides = array<i32>} : memref<2000x32xf32, #tpu.memory_space<vmem>>, vector<2000x32xf32>,
    return
  }
  func.func @transform_0(%arg0: i32) -> (i32, i32, i32) {
    %c0_i32 = arith.constant 0 : i32
    %c0_i32_0 = arith.constant 0 : i32
    %c0_i32_1 = arith.constant 0 : i32
    return %c0_i32, %arg0, %c0_i32_0 : i32, i32, i32
  }
  func.func @transform_1(%arg0: i32) -> (i32, i32) {
    %c0_i32 = arith.constant 0 : i32
    %c0_i32_0 = arith.constant 0 : i32
    return %arg0, %c0_i32 : i32, i32
  }
  func.func @transform_2(%arg0: i32) -> (i32, i32) {
    %c0_i32 = arith.constant 0 : i32
    %c0_i32_0 = arith.constant 0 : i32
    return %arg0, %c0_i32 : i32, i32
  }
  func.func @transform_3(%arg0: i32) -> (i32, i32) {
    %c0_i32 = arith.constant 0 : i32
    %c0_i32_0 = arith.constant 0 : i32
    return %arg0, %c0_i32 : i32, i32
  }
}

module attributes {stable_mosaic.version = 14 : i64} {
  func.func @_mid_body(%arg0: i32, %arg1: memref<2x2000x32xf32, #tpu.memory_space<vmem>>, %arg2: memref<2000x32xf32, #tpu.memory_space<vmem>>, %arg3: memref<2000x1xf32, #tpu.memory_space<vmem>>, %arg4: memref<1x32xf32, #tpu.memory_space<vmem>>, %arg5: memref<32x16xf32, #tpu.memory_space<vmem>>, %arg6: memref<2000x16xf32, #tpu.memory_space<vmem>>) attributes {dimension_semantics = [#tpu.dimension_semantics<arbitrary>], iteration_bounds = array<i64: 5>, scalar_prefetch = 0 : i64, scratch_operands = 0 : i64, tpu.core_type = #tpu.core_type<tc>, window_params = [{transform_indices = @transform_0, window_bounds = array<i64: 2, 2000, 32>}, {transform_indices = @transform_1, window_bounds = array<i64: 2000, 32>}, {transform_indices = @transform_2, window_bounds = array<i64: 2000, 1>}, {pipeline_mode = #tpu.pipeline_mode<synchronous>, transform_indices = @transform_3, window_bounds = array<i64: 1, 32>}, {pipeline_mode = #tpu.pipeline_mode<synchronous>, transform_indices = @transform_4, window_bounds = array<i64: 32, 16>}, {transform_indices = @transform_5, window_bounds = array<i64: 2000, 16>}]} {
    %get3A = arith.constant 0 : index
    %get3A_0 = arith.constant 0 : index
    %get3A_1 = vector.load %arg3[%get3A, %get3A_0] : memref<2000x1xf32, #tpu.memory_space<vmem>>, vector<2000x1xf32>
    %get3A_2 = arith.constant 0 : index
    %get3A_3 = arith.constant 0 : index
    %get3A_4 = arith.constant 0 : index
    %get3A_5 = vector.load %arg1[%get3A_2, %get3A_3, %get3A_4] : memref<2x2000x32xf32, #tpu.memory_space<vmem>>, vector<1x2000x32xf32>
    %get3A_6 = vector.shape_cast %get3A_5 : vector<1x2000x32xf32> to vector<2000x32xf32>
    %get3A_7 = arith.constant 1 : index
    %get3A_8 = arith.constant 0 : index
    %get3A_9 = arith.constant 0 : index
    %get3A_10 = vector.load %arg1[%get3A_7, %get3A_8, %get3A_9] : memref<2x2000x32xf32, #tpu.memory_space<vmem>>, vector<1x2000x32xf32>
    %get3A_11 = vector.shape_cast %get3A_10 : vector<1x2000x32xf32> to vector<2000x32xf32>
    %add3A = arith.addf %get3A_6, %get3A_11 : vector<2000x32xf32>
    %get3A_12 = arith.constant 0 : index
    %get3A_13 = arith.constant 0 : index
    %get3A_14 = vector.load %arg2[%get3A_12, %get3A_13] : memref<2000x32xf32, #tpu.memory_space<vmem>>, vector<2000x32xf32>
    %add3A_15 = arith.addf %add3A, %get3A_14 : vector<2000x32xf32>
    %mul3A = vector.broadcast %get3A_1 : vector<2000x1xf32> to vector<2000x32xf32>
    %mul3A_16 = arith.mulf %mul3A, %add3A_15 : vector<2000x32xf32>
    %get3A_17 = arith.constant 0 : index
    %get3A_18 = arith.constant 0 : index
    %get3A_19 = vector.load %arg4[%get3A_17, %get3A_18] : memref<1x32xf32, #tpu.memory_space<vmem>>, vector<1x32xf32>
    %add3A_20 = vector.broadcast %get3A_19 : vector<1x32xf32> to vector<2000x32xf32>
    %add3A_21 = arith.addf %mul3A_16, %add3A_20 : vector<2000x32xf32>
    %max3A = arith.constant 0.000000e+00 : f32
    %max3A_22 = vector.broadcast %max3A : f32 to vector<2000x32xf32>
    %max3A_23 = arith.maximumf %add3A_21, %max3A_22 : vector<2000x32xf32>
    %mul3A_24 = vector.broadcast %get3A_1 : vector<2000x1xf32> to vector<2000x32xf32>
    %mul3A_25 = arith.mulf %mul3A_24, %max3A_23 : vector<2000x32xf32>
    %get3A_26 = arith.constant 0 : index
    %get3A_27 = arith.constant 0 : index
    %get3A_28 = vector.load %arg5[%get3A_26, %get3A_27] : memref<32x16xf32, #tpu.memory_space<vmem>>, vector<32x16xf32>
    %dot_general3A = arith.constant dense<0.000000e+00> : vector<2000x16xf32>
    %dot_general3A_29 = tpu.matmul %mul3A_25, %get3A_28, %dot_general3A {dimension_numbers = #tpu.dot_dimension_numbers<[1], [0], [0], [1], [0, 0, 1, 1], [], []>, transpose_lhs_hint = false} : vector<2000x32xf32>, vector<32x16xf32>, vector<2000x16xf32> -> vector<2000x16xf32>
    %swap3A = arith.constant 0 : index
    %swap3A_30 = arith.constant 0 : index
    %swap3A_31 = vector.load %arg6[%swap3A, %swap3A_30] : memref<2000x16xf32, #tpu.memory_space<vmem>>, vector<2000x16xf32>
    tpu.vector_store %arg6[%swap3A, %swap3A_30], %dot_general3A_29 {strides = array<i32>} : memref<2000x16xf32, #tpu.memory_space<vmem>>, vector<2000x16xf32>,
    return
  }
  func.func @transform_0(%arg0: i32) -> (i32, i32, i32) {
    %c0_i32 = arith.constant 0 : i32
    %c0_i32_0 = arith.constant 0 : i32
    %c0_i32_1 = arith.constant 0 : i32
    return %c0_i32, %arg0, %c0_i32_0 : i32, i32, i32
  }
  func.func @transform_1(%arg0: i32) -> (i32, i32) {
    %c0_i32 = arith.constant 0 : i32
    %c0_i32_0 = arith.constant 0 : i32
    return %arg0, %c0_i32 : i32, i32
  }
  func.func @transform_2(%arg0: i32) -> (i32, i32) {
    %c0_i32 = arith.constant 0 : i32
    %c0_i32_0 = arith.constant 0 : i32
    return %arg0, %c0_i32 : i32, i32
  }
  func.func @transform_3(%arg0: i32) -> (i32, i32) {
    %c0_i32 = arith.constant 0 : i32
    %c0_i32_0 = arith.constant 0 : i32
    %c0_i32_1 = arith.constant 0 : i32
    return %c0_i32, %c0_i32_0 : i32, i32
  }
  func.func @transform_4(%arg0: i32) -> (i32, i32) {
    %c0_i32 = arith.constant 0 : i32
    %c0_i32_0 = arith.constant 0 : i32
    %c0_i32_1 = arith.constant 0 : i32
    return %c0_i32, %c0_i32_0 : i32, i32
  }
  func.func @transform_5(%arg0: i32) -> (i32, i32) {
    %c0_i32 = arith.constant 0 : i32
    %c0_i32_0 = arith.constant 0 : i32
    return %arg0, %c0_i32 : i32, i32
  }
}

module attributes {stable_mosaic.version = 14 : i64} {
  func.func @_last_body(%arg0: i32, %arg1: memref<2x2000x16xf32, #tpu.memory_space<vmem>>, %arg2: memref<2000x16xf32, #tpu.memory_space<vmem>>, %arg3: memref<2000x1xf32, #tpu.memory_space<vmem>>, %arg4: memref<1x16xf32, #tpu.memory_space<vmem>>, %arg5: memref<2000x16xf32, #tpu.memory_space<vmem>>) attributes {dimension_semantics = [#tpu.dimension_semantics<arbitrary>], iteration_bounds = array<i64: 5>, scalar_prefetch = 0 : i64, scratch_operands = 0 : i64, tpu.core_type = #tpu.core_type<tc>, window_params = [{transform_indices = @transform_0, window_bounds = array<i64: 2, 2000, 16>}, {transform_indices = @transform_1, window_bounds = array<i64: 2000, 16>}, {transform_indices = @transform_2, window_bounds = array<i64: 2000, 1>}, {pipeline_mode = #tpu.pipeline_mode<synchronous>, transform_indices = @transform_3, window_bounds = array<i64: 1, 16>}, {transform_indices = @transform_4, window_bounds = array<i64: 2000, 16>}]} {
    %get3A = arith.constant 0 : index
    %get3A_0 = arith.constant 0 : index
    %get3A_1 = vector.load %arg3[%get3A, %get3A_0] : memref<2000x1xf32, #tpu.memory_space<vmem>>, vector<2000x1xf32>
    %get3A_2 = arith.constant 0 : index
    %get3A_3 = arith.constant 0 : index
    %get3A_4 = arith.constant 0 : index
    %get3A_5 = vector.load %arg1[%get3A_2, %get3A_3, %get3A_4] : memref<2x2000x16xf32, #tpu.memory_space<vmem>>, vector<1x2000x16xf32>
    %get3A_6 = vector.shape_cast %get3A_5 : vector<1x2000x16xf32> to vector<2000x16xf32>
    %get3A_7 = arith.constant 1 : index
    %get3A_8 = arith.constant 0 : index
    %get3A_9 = arith.constant 0 : index
    %get3A_10 = vector.load %arg1[%get3A_7, %get3A_8, %get3A_9] : memref<2x2000x16xf32, #tpu.memory_space<vmem>>, vector<1x2000x16xf32>
    %get3A_11 = vector.shape_cast %get3A_10 : vector<1x2000x16xf32> to vector<2000x16xf32>
    %add3A = arith.addf %get3A_6, %get3A_11 : vector<2000x16xf32>
    %get3A_12 = arith.constant 0 : index
    %get3A_13 = arith.constant 0 : index
    %get3A_14 = vector.load %arg2[%get3A_12, %get3A_13] : memref<2000x16xf32, #tpu.memory_space<vmem>>, vector<2000x16xf32>
    %add3A_15 = arith.addf %add3A, %get3A_14 : vector<2000x16xf32>
    %mul3A = vector.broadcast %get3A_1 : vector<2000x1xf32> to vector<2000x16xf32>
    %mul3A_16 = arith.mulf %mul3A, %add3A_15 : vector<2000x16xf32>
    %get3A_17 = arith.constant 0 : index
    %get3A_18 = arith.constant 0 : index
    %get3A_19 = vector.load %arg4[%get3A_17, %get3A_18] : memref<1x16xf32, #tpu.memory_space<vmem>>, vector<1x16xf32>
    %add3A_20 = vector.broadcast %get3A_19 : vector<1x16xf32> to vector<2000x16xf32>
    %add3A_21 = arith.addf %mul3A_16, %add3A_20 : vector<2000x16xf32>
    %max3A = arith.constant 0.000000e+00 : f32
    %max3A_22 = vector.broadcast %max3A : f32 to vector<2000x16xf32>
    %max3A_23 = arith.maximumf %add3A_21, %max3A_22 : vector<2000x16xf32>
    %mul3A_24 = vector.broadcast %get3A_1 : vector<2000x1xf32> to vector<2000x16xf32>
    %mul3A_25 = arith.mulf %mul3A_24, %max3A_23 : vector<2000x16xf32>
    %swap3A = arith.constant 0 : index
    %swap3A_26 = arith.constant 0 : index
    %swap3A_27 = vector.load %arg5[%swap3A, %swap3A_26] : memref<2000x16xf32, #tpu.memory_space<vmem>>, vector<2000x16xf32>
    tpu.vector_store %arg5[%swap3A, %swap3A_26], %mul3A_25 {strides = array<i32>} : memref<2000x16xf32, #tpu.memory_space<vmem>>, vector<2000x16xf32>,
    return
  }
  func.func @transform_0(%arg0: i32) -> (i32, i32, i32) {
    %c0_i32 = arith.constant 0 : i32
    %c0_i32_0 = arith.constant 0 : i32
    %c0_i32_1 = arith.constant 0 : i32
    return %c0_i32, %arg0, %c0_i32_0 : i32, i32, i32
  }
  func.func @transform_1(%arg0: i32) -> (i32, i32) {
    %c0_i32 = arith.constant 0 : i32
    %c0_i32_0 = arith.constant 0 : i32
    return %arg0, %c0_i32 : i32, i32
  }
  func.func @transform_2(%arg0: i32) -> (i32, i32) {
    %c0_i32 = arith.constant 0 : i32
    %c0_i32_0 = arith.constant 0 : i32
    return %arg0, %c0_i32 : i32, i32
  }
  func.func @transform_3(%arg0: i32) -> (i32, i32) {
    %c0_i32 = arith.constant 0 : i32
    %c0_i32_0 = arith.constant 0 : i32
    %c0_i32_1 = arith.constant 0 : i32
    return %c0_i32, %c0_i32_0 : i32, i32
  }
  func.func @transform_4(%arg0: i32) -> (i32, i32) {
    %c0_i32 = arith.constant 0 : i32
    %c0_i32_0 = arith.constant 0 : i32
    return %arg0, %c0_i32 : i32, i32
  }
}

module attributes {stable_mosaic.version = 14 : i64} {
  func.func @_final_body(%arg0: i32, %arg1: i32, %arg2: memref<2x1000x16xf32, #tpu.memory_space<vmem>>, %arg3: memref<1000x16xf32, #tpu.memory_space<vmem>>, %arg4: memref<1000x1xf32, #tpu.memory_space<vmem>>, %arg5: memref<16x2048xf32, #tpu.memory_space<vmem>>, %arg6: memref<1x2048xf32, #tpu.memory_space<vmem>>, %arg7: memref<1000x2048xf32, #tpu.memory_space<vmem>>) attributes {dimension_semantics = [#tpu.dimension_semantics<arbitrary>, #tpu.dimension_semantics<arbitrary>], iteration_bounds = array<i64: 10, 5>, scalar_prefetch = 0 : i64, scratch_operands = 0 : i64, tpu.core_type = #tpu.core_type<tc>, window_params = [{transform_indices = @transform_0, window_bounds = array<i64: 2, 1000, 16>}, {transform_indices = @transform_1, window_bounds = array<i64: 1000, 16>}, {transform_indices = @transform_2, window_bounds = array<i64: 1000, 1>}, {transform_indices = @transform_3, window_bounds = array<i64: 16, 2048>}, {transform_indices = @transform_4, window_bounds = array<i64: 1, 2048>}, {transform_indices = @transform_5, window_bounds = array<i64: 1000, 2048>}]} {
    %get3A = arith.constant 0 : index
    %get3A_0 = arith.constant 0 : index
    %get3A_1 = vector.load %arg4[%get3A, %get3A_0] : memref<1000x1xf32, #tpu.memory_space<vmem>>, vector<1000x1xf32>
    %get3A_2 = arith.constant 0 : index
    %get3A_3 = arith.constant 0 : index
    %get3A_4 = arith.constant 0 : index
    %get3A_5 = vector.load %arg2[%get3A_2, %get3A_3, %get3A_4] : memref<2x1000x16xf32, #tpu.memory_space<vmem>>, vector<1x1000x16xf32>
    %get3A_6 = vector.shape_cast %get3A_5 : vector<1x1000x16xf32> to vector<1000x16xf32>
    %get3A_7 = arith.constant 1 : index
    %get3A_8 = arith.constant 0 : index
    %get3A_9 = arith.constant 0 : index
    %get3A_10 = vector.load %arg2[%get3A_7, %get3A_8, %get3A_9] : memref<2x1000x16xf32, #tpu.memory_space<vmem>>, vector<1x1000x16xf32>
    %get3A_11 = vector.shape_cast %get3A_10 : vector<1x1000x16xf32> to vector<1000x16xf32>
    %add3A = arith.addf %get3A_6, %get3A_11 : vector<1000x16xf32>
    %get3A_12 = arith.constant 0 : index
    %get3A_13 = arith.constant 0 : index
    %get3A_14 = vector.load %arg3[%get3A_12, %get3A_13] : memref<1000x16xf32, #tpu.memory_space<vmem>>, vector<1000x16xf32>
    %add3A_15 = arith.addf %add3A, %get3A_14 : vector<1000x16xf32>
    %mul3A = vector.broadcast %get3A_1 : vector<1000x1xf32> to vector<1000x16xf32>
    %mul3A_16 = arith.mulf %mul3A, %add3A_15 : vector<1000x16xf32>
    %get3A_17 = arith.constant 0 : index
    %get3A_18 = arith.constant 0 : index
    %get3A_19 = vector.load %arg5[%get3A_17, %get3A_18] : memref<16x2048xf32, #tpu.memory_space<vmem>>, vector<16x2048xf32>
    %dot_general3A = arith.constant dense<0.000000e+00> : vector<1000x2048xf32>
    %dot_general3A_20 = tpu.matmul %mul3A_16, %get3A_19, %dot_general3A {dimension_numbers = #tpu.dot_dimension_numbers<[1], [0], [0], [1], [0, 0, 1, 1], [], []>, transpose_lhs_hint = false} : vector<1000x16xf32>, vector<16x2048xf32>, vector<1000x2048xf32> -> vector<1000x2048xf32>
    %get3A_21 = arith.constant 0 : index
    %get3A_22 = arith.constant 0 : index
    %get3A_23 = vector.load %arg6[%get3A_21, %get3A_22] : memref<1x2048xf32, #tpu.memory_space<vmem>>, vector<1x2048xf32>
    %add3A_24 = vector.broadcast %get3A_23 : vector<1x2048xf32> to vector<1000x2048xf32>
    %add3A_25 = arith.addf %dot_general3A_20, %add3A_24 : vector<1000x2048xf32>
    %swap3A = arith.constant 0 : index
    %swap3A_26 = arith.constant 0 : index
    %swap3A_27 = vector.load %arg7[%swap3A, %swap3A_26] : memref<1000x2048xf32, #tpu.memory_space<vmem>>, vector<1000x2048xf32>
    tpu.vector_store %arg7[%swap3A, %swap3A_26], %add3A_25 {strides = array<i32>} : memref<1000x2048xf32, #tpu.memory_space<vmem>>, vector<1000x2048xf32>,
    return
  }
  func.func @transform_0(%arg0: i32, %arg1: i32) -> (i32, i32, i32) {
    %c0_i32 = arith.constant 0 : i32
    %c0_i32_0 = arith.constant 0 : i32
    %c0_i32_1 = arith.constant 0 : i32
    return %c0_i32, %arg0, %c0_i32_0 : i32, i32, i32
  }
  func.func @transform_1(%arg0: i32, %arg1: i32) -> (i32, i32) {
    %c0_i32 = arith.constant 0 : i32
    %c0_i32_0 = arith.constant 0 : i32
    return %arg0, %c0_i32 : i32, i32
  }
  func.func @transform_2(%arg0: i32, %arg1: i32) -> (i32, i32) {
    %c0_i32 = arith.constant 0 : i32
    %c0_i32_0 = arith.constant 0 : i32
    return %arg0, %c0_i32 : i32, i32
  }
  func.func @transform_3(%arg0: i32, %arg1: i32) -> (i32, i32) {
    %c0_i32 = arith.constant 0 : i32
    %c0_i32_0 = arith.constant 0 : i32
    return %c0_i32, %arg1 : i32, i32
  }
  func.func @transform_4(%arg0: i32, %arg1: i32) -> (i32, i32) {
    %c0_i32 = arith.constant 0 : i32
    %c0_i32_0 = arith.constant 0 : i32
    return %c0_i32, %arg1 : i32, i32
  }
  func.func @transform_5(%arg0: i32, %arg1: i32) -> (i32, i32) {
    %c0_i32 = arith.constant 0 : i32
    return %arg0, %arg1 : i32, i32
  }
}

</mosaic_0001>

<sc_bundles>
// kernel: kernel.11.cloned.1.call-start
scs
__scs_entry_jumppad:
0x0: {  	(pc) =	sbr.rel $0x88, $3  }
0x1: {  	(tag) =	ssettag $0x0;
	lr =	simm.s32 $0x1  }
0x2: {  	[smem:$0x3F99] =	sst lr;
	_ =	strace $0xD0000000  }
0x3: {  	_ = 	snop  }
0x4: {  	_ = 	snop  }
0x5: {  	_ = 	snop  }
0x6: {  	_ = 	snop  }
0x7: {  	_ = 	snop  }
__scs_overlays_trampoline_lowered:
0x8: {  	[smem:$0x3FA8] =	sst s0  }
0x9: {  	[smem:$0x3FA9] =	sst s1  }
0xa: {  	[smem:$0x3FAA] =	sst s2  }
0xb: {  	[smem:$0x3FAB] =	sst s3  }
0xc: {  	[smem:$0x3FAC] =	sst s4  }
0xd: {  	[smem:$0x3FAD] =	sst s5  }
0xe: {  	[smem:$0x3FAE] =	sst s6  }
0xf: {  	[smem:$0x3FAF] =	sst s7  }
0x10: {  	[smem:$0x3FB0] =	sst s8  }
0x11: {  	[smem:$0x3FB1] =	sst s9;
	s0 =	simm.s32 @!p0 $0x0  }
0x12: {  	s1 =	sld [smem:$0x3F97];
	s0 =	simm.s32 @p0 $0x1  }
0x13: {  	[smem:$0x3FB2] =	sst s0;
	s0 =	simm.s32 @!p1 $0x0  }
0x14: {  	s2 =	sld [smem:$0x3F96];
	s0 =	simm.s32 @p1 $0x1  }
0x15: {  	[smem:$0x3FB3] =	sst s0;
	s0 =	simm.s32 @!p2 $0x0  }
0x16: {  	s3 =	sld [smem:$0x3FDB];
	s0 =	simm.s32 @p2 $0x1  }
0x17: {  	s4 =	simm.s32 $0x1BF5;
	[smem:$0x3FB5] =	sst s0  }
0x18: {  	s0 =	sld [smem:$0x3F98];
	_ =	swait.ge [sflag:s4], $0x0  }
0x19: {  	s7 =	sld [smem:$0x3F99]  }
0x1a: {  	s8 =	sadd.s32 $0xFFFFE003, lr  }
0x1b: {  	s9 =	sadd.s32 $0xFFFFFEF7, lr;
	s5 =	simm.s32 $0xFFFFFFFF;
	p2 =	slt.u32 s8, $0xFFFFF086  }
0x1c: {  	p1 =	slt.u32 s9, $0xF7A;
	s5 =	simm.s32 @!p2 $0x0  }
0x1d: {  	s5 =	simm.s32 @p1 $0x1;
	p0 =	seq.s32 s7, s2  }
0x1e: {  	s7 =	smul.u32 @!p0 $0xF7A, s2;
	p2 =	seq.s32 @!p0 s5, $0x0  }
0x1f: {  	s9 =	smul.u32 $0xF7A, s1;
	s8 =	simm.s32 @!p0 $0x1BF5;
	p2 =	por !p2, p0  }
0x20: {  	[sflag:s8] =	ssyncset.s32 @!p0 $0xFFFFF086;
	s6 =	sadd.s32 @!p0 s3, s7;
	s7 =	simm.s32 @!p0 $0x108  }
0x21: {  	s3 =	sadd.s32 s3, s9;
	s6 =	sadd.s32 @!p0 $0x88, s6;
	s7 =	simm.s32 @p2 $0x1082  }
0x22: {  	[simem:s7], [sflag:s8] =	dma.local @!p0 [hbm:s6], $0xF7A  }
0x23: {  	s9 =	sor.u32 $0xD0000000, s2;
	s6 =	simm.s32 $0x108;
	_ =	swait.ge @!p0 [sflag:s8], $0x0  }
0x24: {  	s3 =	sadd.s32 $0x88, s3;
	s6 =	simm.s32 @!p1 $0x1082;
	[sflag:s4] =	ssyncset.s32 $0xFFFFF086  }
0x25: {  	[simem:s6], [sflag:s4] =	dma.local [hbm:s3], $0xF7A  }
0x26: {  	[smem:$0x3F99] =	sst s1;
	(tag) =	ssettag s2;
	_ =	strace s9  }
0x27: {  	s1 =	sld [smem:$0x3FA9]  }
0x28: {  	s2 =	sld [smem:$0x3FAA]  }
0x29: {  	s4 =	sld [smem:$0x3FAC]  }
0x2a: {  	p0 =	seq.s32 s5, $0x0;
	s5 =	sld [smem:$0x3FAD]  }
0x2b: {  	s6 =	sld [smem:$0x3FAE]  }
0x2c: {  	s7 =	sld [smem:$0x3FAF]  }
0x2d: {  	s3 =	simm.s32 $0x108;
	s8 =	sld [smem:$0x3FB0]  }
0x2e: {  	s3 =	simm.s32 @!p0 $0x1082;
	s9 =	sld [smem:$0x3FB1]  }
0x2f: {  	lr =	sadd.s32 s0, s3;
	s0 =	sld [smem:$0x3FA8]  }
0x30: {  	s3 =	sld [smem:$0x3FAB]  }
0x31: {  	[smem:$0x3FB4] =	sst s10  }
0x32: {  	s10 =	sld [smem:$0x3FB2];
	_ =	sdelay $0x3  }
0x33: {  	p0 =	seq.s32 s10, $0x1;
	s10 =	sld [smem:$0x3FB4];
	_ =	sdelay $0x3  }
0x34: {  	[smem:$0x3FB4] =	sst s10  }
0x35: {  	s10 =	sld [smem:$0x3FB3];
	_ =	sdelay $0x3  }
0x36: {  	p1 =	seq.s32 s10, $0x1;
	s10 =	sld [smem:$0x3FB4];
	_ =	sdelay $0x3  }
0x37: {  	[smem:$0x3FB4] =	sst s10  }
0x38: {  	s10 =	sld [smem:$0x3FB5]  }
0x39: {  	_ = 	snop;
	(pc) =	sbr.ind lr, $3  }
0x3a: {  	_ = 	snop  }
0x3b: {  	_ = 	snop  }
0x3c: {  	p2 =	seq.s32 s10, $0x1;
	s10 =	sld [smem:$0x3FB4]  }
0x3d: {  	_ =	shalt  }
0x3e: {  	_ =	shalt  }
0x3f: {  	_ =	shalt  }
0x40: {  	_ =	shalt  }
0x41: {  	_ =	shalt  }
0x42: {  	_ =	shalt  }
0x43: {  	_ =	shalt  }
0x44: {  	_ =	shalt  }
0x45: {  	_ =	shalt  }
0x46: {  	_ =	shalt  }
0x47: {  	_ =	shalt  }
0x48: {  	_ =	shalt  }
0x49: {  	_ =	shalt  }
0x4a: {  	_ =	shalt  }
0x4b: {  	_ =	shalt  }
0x4c: {  	_ =	shalt  }
0x4d: {  	_ =	shalt  }
0x4e: {  	_ =	shalt  }
0x4f: {  	_ =	shalt  }
0x50: {  	_ =	shalt  }
0x51: {  	_ =	shalt  }
0x52: {  	_ =	shalt  }
0x53: {  	_ =	shalt  }
0x54: {  	_ =	shalt  }
0x55: {  	_ =	shalt  }
0x56: {  	_ =	shalt  }
0x57: {  	_ =	shalt  }
0x58: {  	_ =	shalt  }
0x59: {  	_ =	shalt  }
0x5a: {  	_ =	shalt  }
0x5b: {  	_ =	shalt  }
0x5c: {  	_ =	shalt  }
0x5d: {  	_ =	shalt  }
0x5e: {  	_ =	shalt  }
0x5f: {  	_ =	shalt  }
0x60: {  	_ =	shalt  }
0x61: {  	_ =	shalt  }
0x62: {  	_ =	shalt  }
0x63: {  	_ =	shalt  }
0x64: {  	_ =	shalt  }
0x65: {  	_ =	shalt  }
0x66: {  	_ =	shalt  }
0x67: {  	_ =	shalt  }
0x68: {  	_ =	shalt  }
0x69: {  	_ =	shalt  }
0x6a: {  	_ =	shalt  }
0x6b: {  	_ =	shalt  }
0x6c: {  	_ =	shalt  }
0x6d: {  	_ =	shalt  }
0x6e: {  	_ =	shalt  }
0x6f: {  	_ =	shalt  }
0x70: {  	_ =	shalt  }
0x71: {  	_ =	shalt  }
0x72: {  	_ =	shalt  }
0x73: {  	_ =	shalt  }
0x74: {  	_ =	shalt  }
0x75: {  	_ =	shalt  }
0x76: {  	_ =	shalt  }
0x77: {  	_ =	shalt  }
0x78: {  	_ =	shalt  }
0x79: {  	_ =	shalt  }
0x7a: {  	_ =	shalt  }
0x7b: {  	_ =	shalt  }
0x7c: {  	_ =	shalt  }
0x7d: {  	_ =	shalt  }
0x7e: {  	_ =	shalt  }
0x7f: {  	_ =	shalt  }
0x80: {  	_ =	shalt  }
0x81: {  	_ =	shalt  }
0x82: {  	_ =	shalt  }
0x83: {  	_ =	shalt  }
0x84: {  	_ =	shalt  }
0x85: {  	_ =	shalt  }
0x86: {  	_ =	shalt  }
0x87: {  	_ =	shalt  }
.Lfunc_end0:
.L_simem_size_0:
called_computation_lowered:
.L_overlay_start_0:
0x88: {  	s2 =	sld [smem:$0x3FD9]  }
0x89: {  	s3 =	sld [smem:$0x3FFE];
	_ =	sdelay $0x1  }
0x8a: {  	s1 =	srdreg.scid  }
0x8b: {  	s0 =	sand.u32 $0x1, s1  }
0x8c: {  	s17 =	sshll.u32 s0, $0xA;
	s2 =	sadd.s32 s3, s2  }
0x8d: {  	s2 =	sadd.s32 s2, s17  }
0x8e: {  	[smem:$0x3FC0] =	sst s2  }
0x8f: {  	_ = 	snop  }
0x90: {  	s2 =	sld [smem:$0x3FD0];
	(tm) =	ssettm $0x1  }
0x91: {  	s18 =	sld [smem:$0x3FFB];
	_ =	sdelay $0x3  }
0x92: {  	_ =	strace s18  }
0x93: {  	s3 =	sld [smem:$0x3FFC];
	_ =	sdelay $0x3  }
0x94: {  	_ =	strace s3  }
0x95: {  	s3 =	sld [smem:$0x3FFD];
	_ =	sdelay $0x3  }
0x96: {  	_ =	strace s3  }
0x97: {  	_ =	strace $0x8FFFFFFF  }
0x98: {  	s19 =	sld [smem:$0x3FDB];
	_ =	sdelay $0x1  }
0x99: {  	s4 =	simm.s32 $_scs_section_size  }
0x9a: {  	s5 =	simm.s32 $_size__tile_overlayer_lowered;
	s6 =	simm.s32 $_tile_overlayer_lowered  }
0x9b: {  	s22 =	simm.s32 $0x1BFF;
	s21 =	sshll.u32 s6, $0x1;
	s3 =	sadd.s32 s4, s19  }
0x9c: {  	s7 =	simm.s32 $0x0;
	s20 =	sshll.u32 s5, $0x1;
	s5 =	sadd.s32 s21, s3  }
0x9d: {  	[timem:s7], [sflag:s22] =	dma.local [hbm:s5], s20  }
0x9e: {  	_ =	swait.ge [sflag:s22], s20  }
0x9f: {  	s4 =	ssub.s32 $0x0, s20;
	[sflag:s22] =	ssyncset.done $0x0  }
0xa0: {  	[sflag:s22] =	ssyncadd.s32 s4;
	_ =	sdelay $0x1  }
0xa1: {  	s23 =	simm.s32 $0x1B8B  }
0xa2: {  	_ =	swait.ge [sflag:s23], $0x1  }
0xa3: {  	[sflag:s23] =	ssyncset.done $0x0  }
0xa4: {  	s25 =	simm.s32 $0x1B8E;
	s24 =	sld [smem:$0x3FFE];
	[sflag:s23] =	ssyncadd.s32 $0xFFFFFFFF  }
0xa5: {  	s26 =	simm.s32 $execute0_lowered;
	[smem:$0x3FD2] =	sst s25  }
0xa6: {  	s5 =	sshll.u32 s26, $0x1;
	_ =	strace $0x80000046;
	[dreg:$0x1] =	wrdreg $0xFFFFFFFF  }
0xa7: {  	s28 =	simm.s32 $_size_execute0_lowered;
	s3 =	sadd.s32 s3, s5;
	[dreg:$0x0] =	wrdreg $0x0  }
0xa8: {  	s5 =	sshll.u32 s28, $0x1;
	[dreg:$0x2] =	wrdreg s3  }
0xa9: {  	[dreg:$0x3] =	wrdreg s5  }
0xaa: {  	[dreg:$0x4] =	wrdreg $0xC0  }
0xab: {  	_ =	task [dreg:s7], $0x5FFFF  }
0xac: {  	[dreg:$0x1] =	wrdreg $0xFFFFFFFF  }
0xad: {  	[dreg:$0x0] =	wrdreg $0x60  }
0xae: {  	[dreg:$0x2] =	wrdreg s2  }
0xaf: {  	[dreg:$0x3] =	wrdreg s24  }
0xb0: {  	[dreg:$0x4] =	wrdreg $0x34000  }
0xb1: {  	[dreg:$0x5] =	wrdreg $0x9  }
0xb2: {  	_ =	task.clear_ibuf [dreg:s7], $0x6FFFF;
	_ =	strace $0x90000046  }
0xb3: {  	s29 =	simm.s32 $0x9;
	_ =	strace $0x80000048  }
0xb4: {  	_ =	swait.ge [sflag:s29], $0x1  }
0xb5: {  	[sflag:s29] =	ssyncadd.s32 $0xFFFFFFFF  }
0xb6: {  	_ =	strace $0x90000048  }
0xb7: {  	_ =	sfence  }
0xb8: {  	s30 =	sld [smem:$0x0];
	_ =	sdelay $0x2  }
0xb9: {  	s31 =	sshll.u32 s1, $0xD;
	s1 =	sshrl.u32 s1, $0x2  }
0xba: {  	s3 =	sand.u32 $0x4000, s31;
	s1 =	sadd.s32 s1, s30  }
0xbb: {  	s0 =	sor.u32 s3, s0;
	s1 =	sshll.u32 s1, $0x11  }
0xbc: {  	s0 =	sor.u32 s1, s0  }
0xbd: {  	s0 =	sadd.s32 $0x8F2B, s0  }
0xbe: {  	[sflag:s0] =	ssyncadd.remote.s32 $0x1  }
0xbf: {  	_ =	sfence.sel $0xFFFF  }
0xc0: {  	[dreg:$0x0] =	wrdreg $0xFFFFFFFF;
	(pc) =	sbr.abs _section_cstart, $3  }
0xc1: {  	[dreg:$0x1] =	wrdreg $0xFFFFFFFF  }
0xc2: {  	_ =	task.clear_ibuf [dreg:s7], $0x2FFFF;
	_ =	strace $0x9FFFFFFF  }
0xc3: {  	(tm) =	ssettm $0x7FFFFFFF  }
tec
execute0_lowered:
.L_overlay_start_1:
0x0: {  	(tag) =	ssettag $0x1  }
0x1: {  	s1 =	rddreg [dreg:$0x0]  }
0x2: {  	s22 =	rddreg [dreg:$0x1]  }
0x3: {  	s2 =	srdreg.scid;
	s3 =	rddreg [dreg:$0x2]  }
0x4: {  	s0 =	stileid.u32;
	s6 =	simm.s32 $0x3C000;
	s23 =	sand.u32 $0x1, s2  }
0x5: {  	s4 =	simm.s32 $0x0;
	s5 =	smul.u32 $0x1400, s0;
	p0 =	seq.s32 s23, $0x1  }
0x6: {  	s2 =	rddreg [dreg:$0x3];
	s29 =	smul.u32 $0x2780, s0;
	s6 =	simm.s32 @!p0 $0x28000  }
0x7: {  	[smem:$0x7FF] =	sst s4;
	s8 =	sshll.u32 s0, $0x6;
	s5 =	sadd.s32 s6, s5  }
0x8: {  	_ =	strace $0x80000047;
	s24 =	sshrl.u32 s29, $0x3;
	s5 =	sshrl.u32 s5, $0x3  }
0x9: {  	s9 =	sadd.s32 s29, s3;
	s30 =	sadd.s32 s24, s22;
	s7 =	sadd.s32 s5, s22  }
0xa: {  	s10 =	sshrl.u32 s9, $0x3;
	s9 =	simm.s32 $0x3;
	s6 =	sadd.s32 $0x2600, s7  }
0xb: {  	[tilespmem:s4], [sflag:$0x2] =	stream.linear.gather [hbm4b:s6+s4], $0x1400, $0x38;
	[tilespmem:$0x5B80] =	vst v63  }
0xc: {  	s5 =	sadd.s32 $0xC600, s30;
	s7 =	sor.u32 $0x1C03, s8;
	s8 =	simm.s32 $0x1400  }
0xd: {  	[tilespmem:s8], [sflag:$0x2] =	stream.linear.gather [hbm4b:s1+s4], $0x2000, $0x38;
	[tilespmem:$0x5B80] =	vst v63  }
0xe: {  	[spmem:s10], [sflag:s7] =	dma.local [hbm:s5], $0x4F0  }
0xf: {  	_ =	swait.ge [sflag:s9], $0x4F0  }
0x10: {  	[sflag:s9] =	ssyncset.done $0x0  }
0x11: {  	s11 =	simm.s32 $0x2;
	[sflag:s9] =	ssyncadd.s32 $0xFFFFFB10  }
0x12: {  	_ =	swait.ge [sflag:s11], $0x1400  }
0x13: {  	[sflag:s11] =	ssyncset.done $0x0  }
0x14: {  	[sflag:s11] =	ssyncadd.s32 $0xFFFFEC00  }
0x15: {  	_ =	swait.ge [sflag:s11], $0x2000  }
0x16: {  	[sflag:s11] =	ssyncset.done $0x0  }
0x17: {  	[sflag:s11] =	ssyncadd.s32 $0xFFFFE000  }
0x18: {  	s12 =	simm.s32 $0x200;
	[bflag:$0x0] =	sbarrier.arrive $0xFFFF  }
0x19: {  	[spmem:s3] =	stream.indirect.scatter.add.f32 [tilespmem:s8], [sflag:$0x1], $0x10, s4, s12, $0xb8;
	[tilespmem:$0x5B80] =	vst v63  }
0x1a: {  	_ = 	snop  }
0x1b: {  	[spmem:s3] =	stream.indirect.scatter.add.f32 [tilespmem:s8], [sflag:$0x1], $0x10, s12, s12, $0xb8;
	[tilespmem:$0x5B80] =	vst v63  }
0x1c: {  	s13 =	simm.s32 $0x400  }
0x1d: {  	[spmem:s3] =	stream.indirect.scatter.add.f32 [tilespmem:s8], [sflag:$0x1], $0x10, s13, s12, $0xb8;
	[tilespmem:$0x5B80] =	vst v63  }
0x1e: {  	s14 =	simm.s32 $0x600  }
0x1f: {  	[spmem:s3] =	stream.indirect.scatter.add.f32 [tilespmem:s8], [sflag:$0x1], $0x10, s14, s12, $0xb8;
	[tilespmem:$0x5B80] =	vst v63  }
0x20: {  	s15 =	simm.s32 $0x800  }
0x21: {  	[spmem:s3] =	stream.indirect.scatter.add.f32 [tilespmem:s8], [sflag:$0x1], $0x10, s15, s12, $0xb8;
	[tilespmem:$0x5B80] =	vst v63  }
0x22: {  	s16 =	simm.s32 $0xA00  }
0x23: {  	[spmem:s3] =	stream.indirect.scatter.add.f32 [tilespmem:s8], [sflag:$0x1], $0x10, s16, s12, $0xb8;
	[tilespmem:$0x5B80] =	vst v63  }
0x24: {  	s17 =	simm.s32 $0xC00  }
0x25: {  	[spmem:s3] =	stream.indirect.scatter.add.f32 [tilespmem:s8], [sflag:$0x1], $0x10, s17, s12, $0xb8;
	[tilespmem:$0x5B80] =	vst v63  }
0x26: {  	s18 =	simm.s32 $0xE00  }
0x27: {  	[spmem:s3] =	stream.indirect.scatter.add.f32 [tilespmem:s8], [sflag:$0x1], $0x10, s18, s12, $0xb8;
	[tilespmem:$0x5B80] =	vst v63  }
0x28: {  	s19 =	simm.s32 $0x1000  }
0x29: {  	[spmem:s3] =	stream.indirect.scatter.add.f32 [tilespmem:s8], [sflag:$0x1], $0x10, s19, s12, $0xb8;
	[tilespmem:$0x5B80] =	vst v63  }
0x2a: {  	s20 =	simm.s32 $0x1200;
	s21 =	simm.s32 $0x1  }
0x2b: {  	[spmem:s3] =	stream.indirect.scatter.add.f32 [tilespmem:s8], [sflag:$0x1], $0x10, s20, s12, $0xb8;
	[tilespmem:$0x5B80] =	vst v63  }
0x2c: {  	_ =	swait.ge [sflag:s21], $0x2000  }
0x2d: {  	[sflag:s21] =	ssyncset.done $0x0  }
0x2e: {  	[sflag:s21] =	ssyncadd.s32 $0xFFFFE000  }
0x2f: {  	_ =	swait.ge [sflag:s21], $0x2000  }
0x30: {  	[sflag:s21] =	ssyncset.done $0x0  }
0x31: {  	[sflag:s21] =	ssyncadd.s32 $0xFFFFE000  }
0x32: {  	_ =	swait.ge [sflag:s21], $0x2000  }
0x33: {  	[sflag:s21] =	ssyncset.done $0x0  }
0x34: {  	[sflag:s21] =	ssyncadd.s32 $0xFFFFE000  }
0x35: {  	_ =	swait.ge [sflag:s21], $0x2000  }
0x36: {  	[sflag:s21] =	ssyncset.done $0x0  }
0x37: {  	[sflag:s21] =	ssyncadd.s32 $0xFFFFE000  }
0x38: {  	_ =	swait.ge [sflag:s21], $0x2000  }
0x39: {  	[sflag:s21] =	ssyncset.done $0x0  }
0x3a: {  	[sflag:s21] =	ssyncadd.s32 $0xFFFFE000  }
0x3b: {  	_ =	swait.ge [sflag:s21], $0x2000  }
0x3c: {  	[sflag:s21] =	ssyncset.done $0x0  }
0x3d: {  	[sflag:s21] =	ssyncadd.s32 $0xFFFFE000  }
0x3e: {  	_ =	swait.ge [sflag:s21], $0x2000  }
0x3f: {  	[sflag:s21] =	ssyncset.done $0x0  }
0x40: {  	[sflag:s21] =	ssyncadd.s32 $0xFFFFE000  }
0x41: {  	_ =	swait.ge [sflag:s21], $0x2000  }
0x42: {  	[sflag:s21] =	ssyncset.done $0x0  }
0x43: {  	[sflag:s21] =	ssyncadd.s32 $0xFFFFE000  }
0x44: {  	s23 =	ssub.s32 $0x2, s23;
	_ =	swait.ge [sflag:s21], $0x2000  }
0x45: {  	s31 =	sshrl.u32 s23, $0x1;
	[sflag:s21] =	ssyncset.done $0x0  }
0x46: {  	s23 =	ssub.s32 s23, s31;
	[sflag:s21] =	ssyncadd.s32 $0xFFFFE000  }
0x47: {  	s25 =	sadd.s32 $0x4F00, s24;
	s23 =	smax.u32 s23, $0x1;
	_ =	swait.ge [sflag:s21], $0x2000  }
0x48: {  	s24 =	smov.u32 @p0 s25;
	p0 =	sne.s32 s23, $0x1;
	[sflag:s21] =	ssyncset.done $0x0  }
.Ltmp0:
0x49: {  	s22 =	sadd.s32 s24, s22;
	[sflag:s21] =	ssyncadd.s32 $0xFFFFE000;
	(pc) =	sbr.rel @!p0 .LBB2_2-.Ltmp0, $4  }
0x4a: {  	s22 =	sadd.s32 $0x11600, s22;
	[bflag:$0x0] =	sbarrier.arrive $0xFFFF  }
0x4b: {  	[hbm:s22], [sflag:s7] =	dma.local [spmem:s10], $0x4F0  }
0x4c: {  	_ =	swait.ge [sflag:s9], $0x4F0  }
0x4d: {  	s23 =	sadd.s32 $0xFFFFFFFF, s23;
	[sflag:s9] =	ssyncset.done $0x0  }
.LBB2_1:
0x4e: {  	p0 =	sne.s32 s23, $0x1;
	s23 =	sadd.s32 $0xFFFFFFFF, s23;
	[sflag:s9] =	ssyncadd.s32 $0xFFFFFB10  }
0x4f: {  	[tilespmem:s4], [sflag:$0x2] =	stream.linear.gather [hbm4b:s6+s4], $0x1400, $0x38;
	[tilespmem:$0x5B80] =	vst v63  }
0x50: {  	_ = 	snop  }
0x51: {  	[tilespmem:s8], [sflag:$0x2] =	stream.linear.gather [hbm4b:s1+s4], $0x2000, $0x38;
	[tilespmem:$0x5B80] =	vst v63  }
0x52: {  	[spmem:s10], [sflag:s7] =	dma.local [hbm:s5], $0x4F0  }
0x53: {  	_ =	swait.ge [sflag:s9], $0x4F0  }
0x54: {  	[sflag:s9] =	ssyncset.done $0x0  }
0x55: {  	[sflag:s9] =	ssyncadd.s32 $0xFFFFFB10  }
0x56: {  	_ =	swait.ge [sflag:s11], $0x1400  }
0x57: {  	[sflag:s11] =	ssyncset.done $0x0  }
0x58: {  	[sflag:s11] =	ssyncadd.s32 $0xFFFFEC00  }
0x59: {  	_ =	swait.ge [sflag:s11], $0x2000  }
0x5a: {  	[sflag:s11] =	ssyncset.done $0x0  }
0x5b: {  	[sflag:s11] =	ssyncadd.s32 $0xFFFFE000  }
0x5c: {  	[bflag:$0x0] =	sbarrier.arrive $0xFFFF  }
0x5d: {  	[spmem:s3] =	stream.indirect.scatter.add.f32 [tilespmem:s8], [sflag:$0x1], $0x10, s4, s12, $0xb8;
	[tilespmem:$0x5B80] =	vst v63  }
0x5e: {  	_ = 	snop  }
0x5f: {  	[spmem:s3] =	stream.indirect.scatter.add.f32 [tilespmem:s8], [sflag:$0x1], $0x10, s12, s12, $0xb8;
	[tilespmem:$0x5B80] =	vst v63  }
0x60: {  	_ = 	snop  }
0x61: {  	[spmem:s3] =	stream.indirect.scatter.add.f32 [tilespmem:s8], [sflag:$0x1], $0x10, s13, s12, $0xb8;
	[tilespmem:$0x5B80] =	vst v63  }
0x62: {  	_ = 	snop  }
0x63: {  	[spmem:s3] =	stream.indirect.scatter.add.f32 [tilespmem:s8], [sflag:$0x1], $0x10, s14, s12, $0xb8;
	[tilespmem:$0x5B80] =	vst v63  }
0x64: {  	_ = 	snop  }
0x65: {  	[spmem:s3] =	stream.indirect.scatter.add.f32 [tilespmem:s8], [sflag:$0x1], $0x10, s15, s12, $0xb8;
	[tilespmem:$0x5B80] =	vst v63  }
0x66: {  	_ = 	snop  }
0x67: {  	[spmem:s3] =	stream.indirect.scatter.add.f32 [tilespmem:s8], [sflag:$0x1], $0x10, s16, s12, $0xb8;
	[tilespmem:$0x5B80] =	vst v63  }
0x68: {  	_ = 	snop  }
0x69: {  	[spmem:s3] =	stream.indirect.scatter.add.f32 [tilespmem:s8], [sflag:$0x1], $0x10, s17, s12, $0xb8;
	[tilespmem:$0x5B80] =	vst v63  }
0x6a: {  	_ = 	snop  }
0x6b: {  	[spmem:s3] =	stream.indirect.scatter.add.f32 [tilespmem:s8], [sflag:$0x1], $0x10, s18, s12, $0xb8;
	[tilespmem:$0x5B80] =	vst v63  }
0x6c: {  	_ = 	snop  }
0x6d: {  	[spmem:s3] =	stream.indirect.scatter.add.f32 [tilespmem:s8], [sflag:$0x1], $0x10, s19, s12, $0xb8;
	[tilespmem:$0x5B80] =	vst v63  }
0x6e: {  	_ = 	snop  }
0x6f: {  	[spmem:s3] =	stream.indirect.scatter.add.f32 [tilespmem:s8], [sflag:$0x1], $0x10, s20, s12, $0xb8;
	[tilespmem:$0x5B80] =	vst v63  }
0x70: {  	_ =	swait.ge [sflag:s21], $0x2000  }
0x71: {  	[sflag:s21] =	ssyncset.done $0x0  }
0x72: {  	[sflag:s21] =	ssyncadd.s32 $0xFFFFE000  }
0x73: {  	_ =	swait.ge [sflag:s21], $0x2000  }
0x74: {  	[sflag:s21] =	ssyncset.done $0x0  }
0x75: {  	[sflag:s21] =	ssyncadd.s32 $0xFFFFE000  }
0x76: {  	_ =	swait.ge [sflag:s21], $0x2000  }
0x77: {  	[sflag:s21] =	ssyncset.done $0x0  }
0x78: {  	[sflag:s21] =	ssyncadd.s32 $0xFFFFE000  }
0x79: {  	_ =	swait.ge [sflag:s21], $0x2000  }
0x7a: {  	[sflag:s21] =	ssyncset.done $0x0  }
0x7b: {  	[sflag:s21] =	ssyncadd.s32 $0xFFFFE000  }
0x7c: {  	_ =	swait.ge [sflag:s21], $0x2000  }
0x7d: {  	[sflag:s21] =	ssyncset.done $0x0  }
0x7e: {  	[sflag:s21] =	ssyncadd.s32 $0xFFFFE000  }
0x7f: {  	_ =	swait.ge [sflag:s21], $0x2000  }
0x80: {  	[sflag:s21] =	ssyncset.done $0x0  }
0x81: {  	[sflag:s21] =	ssyncadd.s32 $0xFFFFE000  }
0x82: {  	_ =	swait.ge [sflag:s21], $0x2000  }
0x83: {  	[sflag:s21] =	ssyncset.done $0x0  }
0x84: {  	[sflag:s21] =	ssyncadd.s32 $0xFFFFE000  }
0x85: {  	_ =	swait.ge [sflag:s21], $0x2000  }
0x86: {  	[sflag:s21] =	ssyncset.done $0x0  }
0x87: {  	[sflag:s21] =	ssyncadd.s32 $0xFFFFE000  }
0x88: {  	_ =	swait.ge [sflag:s21], $0x2000  }
0x89: {  	[sflag:s21] =	ssyncset.done $0x0  }
0x8a: {  	[sflag:s21] =	ssyncadd.s32 $0xFFFFE000  }
0x8b: {  	_ =	swait.ge [sflag:s21], $0x2000  }
0x8c: {  	[sflag:s21] =	ssyncset.done $0x0  }
.Ltmp1:
0x8d: {  	[sflag:s21] =	ssyncadd.s32 $0xFFFFE000;
	(pc) =	sbr.rel @p0 .LBB2_1-.Ltmp1, $4  }
0x8e: {  	[bflag:$0x0] =	sbarrier.arrive $0xFFFF  }
0x8f: {  	[hbm:s22], [sflag:s7] =	dma.local [spmem:s10], $0x4F0  }
0x90: {  	_ =	swait.ge [sflag:s9], $0x4F0  }
0x91: {  	[sflag:s9] =	ssyncset.done $0x0  }
.LBB2_2:
0x92: {  	[sflag:s9] =	ssyncadd.s32 $0xFFFFFB10  }
0x93: {  	_ =	sfence.sel $0x180000  }
0x94: {  	[bflag:$0x0] =	sbarrier.arrive $0xFFFF  }
0x95: {  	p0 =	sne.s32 s0, $0x0;
	_ =	strace $0x90000047  }
0x96: {  	s0 =	sadd.s32 @!p0 $0x100000, s2;
	[bflag:$0x2] =	sbarrier.arrive $0xFFFF  }
0x97: {  	[sflag:s0] =	ssyncadd.tile.s32 @!p0 $0x1;
	_ =	shalt  }
.Lfunc_end2:
_tile_overlayer_lowered:
.L_overlay_start_2:
0x98: {  	(tag) =	ssettag $0x2  }
0x99: {  	s0 =	rddreg [dreg:$0x0];
	s2 =	stileid.u32  }
0x9a: {  	s1 =	rddreg [dreg:$0x1];
	p0 =	sne.s32 s2, $0x0  }
0x9b: {  	s3 =	rddreg [dreg:$0x2];
	[bflag:$0x3] =	sbarrier.arrive $0xFFFF;
	s2 =	simm.s32 @!p0 $0x1C03  }
0x9c: {  	[timem:s3], [sflag:s2] =	dma.local @!p0 [hbm:s0], s1  }
0x9d: {  	s0 =	simm.s32 @!p0 $0x3  }
0x9e: {  	_ =	swait.ge @!p0 [sflag:s0], s1  }
0x9f: {  	s1 =	ssub.s32 @!p0 $0x0, s1;
	[sflag:s0] =	ssyncset.done @!p0 $0x0  }
0xa0: {  	[sflag:s0] =	ssyncadd.s32 @!p0 s1  }
0xa1: {  	[bflag:$0x3] =	sbarrier.arrive $0xFFFF  }
0xa2: {  	_ =	shalt  }

// kernel: kernel.14.cloned.1.call-start
scs
__scs_entry_jumppad:
0x0: {  	(pc) =	sbr.rel $0x88, $3  }
0x1: {  	(tag) =	ssettag $0x0;
	lr =	simm.s32 $0x1  }
0x2: {  	[smem:$0x3F99] =	sst lr;
	_ =	strace $0xD0000000  }
0x3: {  	_ = 	snop  }
0x4: {  	_ = 	snop  }
0x5: {  	_ = 	snop  }
0x6: {  	_ = 	snop  }
0x7: {  	_ = 	snop  }
__scs_overlays_trampoline_lowered:
0x8: {  	[smem:$0x3FA8] =	sst s0  }
0x9: {  	[smem:$0x3FA9] =	sst s1  }
0xa: {  	[smem:$0x3FAA] =	sst s2  }
0xb: {  	[smem:$0x3FAB] =	sst s3  }
0xc: {  	[smem:$0x3FAC] =	sst s4  }
0xd: {  	[smem:$0x3FAD] =	sst s5  }
0xe: {  	[smem:$0x3FAE] =	sst s6  }
0xf: {  	[smem:$0x3FAF] =	sst s7  }
0x10: {  	[smem:$0x3FB0] =	sst s8  }
0x11: {  	[smem:$0x3FB1] =	sst s9;
	s0 =	simm.s32 @!p0 $0x0  }
0x12: {  	s1 =	sld [smem:$0x3F97];
	s0 =	simm.s32 @p0 $0x1  }
0x13: {  	[smem:$0x3FB2] =	sst s0;
	s0 =	simm.s32 @!p1 $0x0  }
0x14: {  	s2 =	sld [smem:$0x3F96];
	s0 =	simm.s32 @p1 $0x1  }
0x15: {  	[smem:$0x3FB3] =	sst s0;
	s0 =	simm.s32 @!p2 $0x0  }
0x16: {  	s3 =	sld [smem:$0x3FDB];
	s0 =	simm.s32 @p2 $0x1  }
0x17: {  	s4 =	simm.s32 $0x1BF5;
	[smem:$0x3FB5] =	sst s0  }
0x18: {  	s0 =	sld [smem:$0x3F98];
	_ =	swait.ge [sflag:s4], $0x0  }
0x19: {  	s7 =	sld [smem:$0x3F99]  }
0x1a: {  	s8 =	sadd.s32 $0xFFFFE003, lr  }
0x1b: {  	s9 =	sadd.s32 $0xFFFFFEF7, lr;
	s5 =	simm.s32 $0xFFFFFFFF;
	p2 =	slt.u32 s8, $0xFFFFF086  }
0x1c: {  	p1 =	slt.u32 s9, $0xF7A;
	s5 =	simm.s32 @!p2 $0x0  }
0x1d: {  	s5 =	simm.s32 @p1 $0x1;
	p0 =	seq.s32 s7, s2  }
0x1e: {  	s7 =	smul.u32 @!p0 $0xF7A, s2;
	p2 =	seq.s32 @!p0 s5, $0x0  }
0x1f: {  	s9 =	smul.u32 $0xF7A, s1;
	s8 =	simm.s32 @!p0 $0x1BF5;
	p2 =	por !p2, p0  }
0x20: {  	[sflag:s8] =	ssyncset.s32 @!p0 $0xFFFFF086;
	s6 =	sadd.s32 @!p0 s3, s7;
	s7 =	simm.s32 @!p0 $0x108  }
0x21: {  	s3 =	sadd.s32 s3, s9;
	s6 =	sadd.s32 @!p0 $0x88, s6;
	s7 =	simm.s32 @p2 $0x1082  }
0x22: {  	[simem:s7], [sflag:s8] =	dma.local @!p0 [hbm:s6], $0xF7A  }
0x23: {  	s9 =	sor.u32 $0xD0000000, s2;
	s6 =	simm.s32 $0x108;
	_ =	swait.ge @!p0 [sflag:s8], $0x0  }
0x24: {  	s3 =	sadd.s32 $0x88, s3;
	s6 =	simm.s32 @!p1 $0x1082;
	[sflag:s4] =	ssyncset.s32 $0xFFFFF086  }
0x25: {  	[simem:s6], [sflag:s4] =	dma.local [hbm:s3], $0xF7A  }
0x26: {  	[smem:$0x3F99] =	sst s1;
	(tag) =	ssettag s2;
	_ =	strace s9  }
0x27: {  	s1 =	sld [smem:$0x3FA9]  }
0x28: {  	s2 =	sld [smem:$0x3FAA]  }
0x29: {  	s4 =	sld [smem:$0x3FAC]  }
0x2a: {  	p0 =	seq.s32 s5, $0x0;
	s5 =	sld [smem:$0x3FAD]  }
0x2b: {  	s6 =	sld [smem:$0x3FAE]  }
0x2c: {  	s7 =	sld [smem:$0x3FAF]  }
0x2d: {  	s3 =	simm.s32 $0x108;
	s8 =	sld [smem:$0x3FB0]  }
0x2e: {  	s3 =	simm.s32 @!p0 $0x1082;
	s9 =	sld [smem:$0x3FB1]  }
0x2f: {  	lr =	sadd.s32 s0, s3;
	s0 =	sld [smem:$0x3FA8]  }
0x30: {  	s3 =	sld [smem:$0x3FAB]  }
0x31: {  	[smem:$0x3FB4] =	sst s10  }
0x32: {  	s10 =	sld [smem:$0x3FB2];
	_ =	sdelay $0x3  }
0x33: {  	p0 =	seq.s32 s10, $0x1;
	s10 =	sld [smem:$0x3FB4];
	_ =	sdelay $0x3  }
0x34: {  	[smem:$0x3FB4] =	sst s10  }
0x35: {  	s10 =	sld [smem:$0x3FB3];
	_ =	sdelay $0x3  }
0x36: {  	p1 =	seq.s32 s10, $0x1;
	s10 =	sld [smem:$0x3FB4];
	_ =	sdelay $0x3  }
0x37: {  	[smem:$0x3FB4] =	sst s10  }
0x38: {  	s10 =	sld [smem:$0x3FB5]  }
0x39: {  	_ = 	snop;
	(pc) =	sbr.ind lr, $3  }
0x3a: {  	_ = 	snop  }
0x3b: {  	_ = 	snop  }
0x3c: {  	p2 =	seq.s32 s10, $0x1;
	s10 =	sld [smem:$0x3FB4]  }
0x3d: {  	_ =	shalt  }
0x3e: {  	_ =	shalt  }
0x3f: {  	_ =	shalt  }
0x40: {  	_ =	shalt  }
0x41: {  	_ =	shalt  }
0x42: {  	_ =	shalt  }
0x43: {  	_ =	shalt  }
0x44: {  	_ =	shalt  }
0x45: {  	_ =	shalt  }
0x46: {  	_ =	shalt  }
0x47: {  	_ =	shalt  }
0x48: {  	_ =	shalt  }
0x49: {  	_ =	shalt  }
0x4a: {  	_ =	shalt  }
0x4b: {  	_ =	shalt  }
0x4c: {  	_ =	shalt  }
0x4d: {  	_ =	shalt  }
0x4e: {  	_ =	shalt  }
0x4f: {  	_ =	shalt  }
0x50: {  	_ =	shalt  }
0x51: {  	_ =	shalt  }
0x52: {  	_ =	shalt  }
0x53: {  	_ =	shalt  }
0x54: {  	_ =	shalt  }
0x55: {  	_ =	shalt  }
0x56: {  	_ =	shalt  }
0x57: {  	_ =	shalt  }
0x58: {  	_ =	shalt  }
0x59: {  	_ =	shalt  }
0x5a: {  	_ =	shalt  }
0x5b: {  	_ =	shalt  }
0x5c: {  	_ =	shalt  }
0x5d: {  	_ =	shalt  }
0x5e: {  	_ =	shalt  }
0x5f: {  	_ =	shalt  }
0x60: {  	_ =	shalt  }
0x61: {  	_ =	shalt  }
0x62: {  	_ =	shalt  }
0x63: {  	_ =	shalt  }
0x64: {  	_ =	shalt  }
0x65: {  	_ =	shalt  }
0x66: {  	_ =	shalt  }
0x67: {  	_ =	shalt  }
0x68: {  	_ =	shalt  }
0x69: {  	_ =	shalt  }
0x6a: {  	_ =	shalt  }
0x6b: {  	_ =	shalt  }
0x6c: {  	_ =	shalt  }
0x6d: {  	_ =	shalt  }
0x6e: {  	_ =	shalt  }
0x6f: {  	_ =	shalt  }
0x70: {  	_ =	shalt  }
0x71: {  	_ =	shalt  }
0x72: {  	_ =	shalt  }
0x73: {  	_ =	shalt  }
0x74: {  	_ =	shalt  }
0x75: {  	_ =	shalt  }
0x76: {  	_ =	shalt  }
0x77: {  	_ =	shalt  }
0x78: {  	_ =	shalt  }
0x79: {  	_ =	shalt  }
0x7a: {  	_ =	shalt  }
0x7b: {  	_ =	shalt  }
0x7c: {  	_ =	shalt  }
0x7d: {  	_ =	shalt  }
0x7e: {  	_ =	shalt  }
0x7f: {  	_ =	shalt  }
0x80: {  	_ =	shalt  }
0x81: {  	_ =	shalt  }
0x82: {  	_ =	shalt  }
0x83: {  	_ =	shalt  }
0x84: {  	_ =	shalt  }
0x85: {  	_ =	shalt  }
0x86: {  	_ =	shalt  }
0x87: {  	_ =	shalt  }
.Lfunc_end0:
.L_simem_size_0:
called_computation.1_lowered:
.L_overlay_start_0:
0x88: {  	s2 =	sld [smem:$0x3FD9]  }
0x89: {  	s3 =	sld [smem:$0x3FFE];
	_ =	sdelay $0x1  }
0x8a: {  	s1 =	srdreg.scid  }
0x8b: {  	s0 =	sand.u32 $0x1, s1  }
0x8c: {  	s17 =	sshll.u32 s0, $0xA;
	s2 =	sadd.s32 s3, s2  }
0x8d: {  	s2 =	sadd.s32 s2, s17  }
0x8e: {  	[smem:$0x3FC0] =	sst s2  }
0x8f: {  	_ = 	snop  }
0x90: {  	s2 =	sld [smem:$0x3FD0];
	(tm) =	ssettm $0x1  }
0x91: {  	s18 =	sld [smem:$0x3FFB];
	_ =	sdelay $0x3  }
0x92: {  	_ =	strace s18  }
0x93: {  	s3 =	sld [smem:$0x3FFC];
	_ =	sdelay $0x3  }
0x94: {  	_ =	strace s3  }
0x95: {  	s3 =	sld [smem:$0x3FFD];
	_ =	sdelay $0x3  }
0x96: {  	_ =	strace s3  }
0x97: {  	_ =	strace $0x8FFFFFFF  }
0x98: {  	s19 =	sld [smem:$0x3FDB];
	_ =	sdelay $0x1  }
0x99: {  	s4 =	simm.s32 $_scs_section_size  }
0x9a: {  	s5 =	simm.s32 $_size__tile_overlayer_lowered;
	s6 =	simm.s32 $_tile_overlayer_lowered  }
0x9b: {  	s22 =	simm.s32 $0x1BFF;
	s21 =	sshll.u32 s6, $0x1;
	s3 =	sadd.s32 s4, s19  }
0x9c: {  	s7 =	simm.s32 $0x0;
	s20 =	sshll.u32 s5, $0x1;
	s5 =	sadd.s32 s21, s3  }
0x9d: {  	[timem:s7], [sflag:s22] =	dma.local [hbm:s5], s20  }
0x9e: {  	_ =	swait.ge [sflag:s22], s20  }
0x9f: {  	s4 =	ssub.s32 $0x0, s20;
	[sflag:s22] =	ssyncset.done $0x0  }
0xa0: {  	[sflag:s22] =	ssyncadd.s32 s4;
	_ =	sdelay $0x1  }
0xa1: {  	s23 =	simm.s32 $0x1B8B  }
0xa2: {  	_ =	swait.ge [sflag:s23], $0x1  }
0xa3: {  	[sflag:s23] =	ssyncset.done $0x0  }
0xa4: {  	s25 =	simm.s32 $0x1B8E;
	s24 =	sld [smem:$0x3FFE];
	[sflag:s23] =	ssyncadd.s32 $0xFFFFFFFF  }
0xa5: {  	s26 =	simm.s32 $execute0_lowered;
	[smem:$0x3FD2] =	sst s25  }
0xa6: {  	s5 =	sshll.u32 s26, $0x1;
	_ =	strace $0x80000049;
	[dreg:$0x1] =	wrdreg $0xFFFFFFFF  }
0xa7: {  	s28 =	simm.s32 $_size_execute0_lowered;
	s3 =	sadd.s32 s3, s5;
	[dreg:$0x0] =	wrdreg $0x0  }
0xa8: {  	s5 =	sshll.u32 s28, $0x1;
	[dreg:$0x2] =	wrdreg s3  }
0xa9: {  	[dreg:$0x3] =	wrdreg s5  }
0xaa: {  	[dreg:$0x4] =	wrdreg $0xC0  }
0xab: {  	_ =	task [dreg:s7], $0x5FFFF  }
0xac: {  	[dreg:$0x1] =	wrdreg $0xFFFFFFFF  }
0xad: {  	[dreg:$0x0] =	wrdreg $0x60  }
0xae: {  	[dreg:$0x2] =	wrdreg s24  }
0xaf: {  	[dreg:$0x3] =	wrdreg s2  }
0xb0: {  	[dreg:$0x4] =	wrdreg $0xB0000  }
0xb1: {  	[dreg:$0x5] =	wrdreg $0x9  }
0xb2: {  	_ =	task.clear_ibuf [dreg:s7], $0x6FFFF;
	_ =	strace $0x90000049  }
0xb3: {  	s29 =	simm.s32 $0x9;
	_ =	strace $0x8000004B  }
0xb4: {  	_ =	swait.ge [sflag:s29], $0x1  }
0xb5: {  	[sflag:s29] =	ssyncadd.s32 $0xFFFFFFFF  }
0xb6: {  	_ =	strace $0x9000004B  }
0xb7: {  	_ =	sfence  }
0xb8: {  	s30 =	sld [smem:$0x0];
	_ =	sdelay $0x2  }
0xb9: {  	s31 =	sshll.u32 s1, $0xD;
	s1 =	sshrl.u32 s1, $0x2  }
0xba: {  	s3 =	sand.u32 $0x4000, s31;
	s1 =	sadd.s32 s1, s30  }
0xbb: {  	s0 =	sor.u32 s3, s0;
	s1 =	sshll.u32 s1, $0x11  }
0xbc: {  	s0 =	sor.u32 s1, s0  }
0xbd: {  	s0 =	sadd.s32 $0x8F2B, s0  }
0xbe: {  	[sflag:s0] =	ssyncadd.remote.s32 $0x1  }
0xbf: {  	_ =	sfence.sel $0xFFFF  }
0xc0: {  	[dreg:$0x0] =	wrdreg $0xFFFFFFFF;
	(pc) =	sbr.abs _section_cstart, $3  }
0xc1: {  	[dreg:$0x1] =	wrdreg $0xFFFFFFFF  }
0xc2: {  	_ =	task.clear_ibuf [dreg:s7], $0x2FFFF;
	_ =	strace $0x9FFFFFFF  }
0xc3: {  	(tm) =	ssettm $0x7FFFFFFF  }
tec
execute0_lowered:
.L_overlay_start_1:
0x0: {  	(tag) =	ssettag $0x1  }
0x1: {  	s5 =	rddreg [dreg:$0x0]  }
0x2: {  	s8 =	rddreg [dreg:$0x1]  }
0x3: {  	s1 =	rddreg [dreg:$0x2]  }
0x4: {  	s0 =	rddreg [dreg:$0x3];
	s3 =	simm.s32 $0x0  }
0x5: {  	s4 =	srdreg.scid;
	s2 =	stileid.u32;
	s13 =	simm.s32 $0x1800  }
0x6: {  	s17 =	simm.s32 $0x4;
	s18 =	simm.s32 $0x3;
	s19 =	simm.s32 $0x200  }
0x7: {  	s20 =	simm.s32 $0x3000;
	s21 =	simm.s32 $0x1;
	s22 =	simm.s32 $0x2  }
0x8: {  	s23 =	simm.s32 $0x28000;
	[smem:$0x7FF] =	sst s3;
	s6 =	sand.u32 $0x1, s4  }
0x9: {  	s4 =	sadd.s32 $0x11600, s5;
	s9 =	smul.u32 $0x300, s2;
	s10 =	sadd.s32 $0x2600, s5  }
0xa: {  	s12 =	smul.u32 $0x4F00, s2;
	s5 =	sadd.s32 $0x1B400, s5;
	s31 =	sshll.u32 s2, $0x9  }
0xb: {  	s14 =	sshll.u32 s2, $0x6;
	_ =	strace $0x8000004A;
	s7 =	ssub.s32 $0x2, s6  }
.Ltmp0:
0xc: {  	p0 =	seq.s32 s6, $0x1;
	s15 =	sor.u32 $0x1C04, s14;
	(pc) =	sbr.rel .LBB2_1-.Ltmp0, $4  }
0xd: {  	s11 =	sshrl.u32 s7, $0x1;
	s6 =	sadd.s32 s10, s9;
	s16 =	sadd.s32 s12, s1  }
0xe: {  	s9 =	sadd.s32 s31, s10;
	s11 =	ssub.s32 s7, s11;
	s7 =	sshrl.u32 s12, $0x3  }
0xf: {  	s9 =	sadd.s32 $0x3000, s9;
	s16 =	sshrl.u32 s16, $0x3;
	s8 =	sadd.s32 s8, s7  }
0x10: {  	s10 =	sadd.s32 $0x9E00, s7;
	s11 =	smax.u32 s11, $0x1;
	s12 =	sadd.s32 $0x5000, s9  }
.LBB2_11:
0x11: {  	s25 =	smov.u32 s10;
	s24 =	smov.u32 s15  }
.LBB2_12:
0x12: {  	_ =	swait.ge [sflag:s22], $0x4000  }
0x13: {  	s3 =	sadd.s32 $0x1, s3;
	[sflag:s22] =	ssyncset.done $0x0  }
0x14: {  	p1 =	sne.s32 s3, s11;
	[sflag:s22] =	ssyncadd.s32 $0xFFFFC000  }
.Ltmp1:
0x15: {  	s25 =	sadd.s32 s5, s25;
	[bflag:$0x0] =	sbarrier.arrive $0xFFFF;
	(pc) =	sbr.rel @!p1 .LBB2_13-.Ltmp1, $4  }
0x16: {  	[hbm:s25], [sflag:s24] =	dma.local [spmem:s16], $0x9E0  }
0x17: {  	_ =	swait.ge [sflag:s17], $0x9E0  }
0x18: {  	[sflag:s17] =	ssyncset.done $0x0  }
0x19: {  	[sflag:s17] =	ssyncadd.s32 $0xFFFFF620  }
.LBB2_1:
.Ltmp2:
0x1a: {  	(pc) =	sbr.rel @!p0 .LBB2_2-.Ltmp2, $1  }
0x1b: {  	_ =	sdelay $0x3  }
0x1c: {  	s24 =	simm.s32 $0x0  }
0x1d: {  	[tilespmem:s24], [sflag:$0x3] =	stream.linear.gather [hbm4b:s9+s24], $0x1000, $0x38;
	[tilespmem:$0xFF00] =	vst v63  }
0x1e: {  	_ = 	snop  }
0x1f: {  	[tilespmem:s13], [sflag:$0x3] =	stream.linear.gather [hbm4b:s12+s24], $0x1000, $0x38;
	[tilespmem:$0xFF00] =	vst v63  }
0x20: {  	[spmem:s16], [sflag:s15] =	dma.local [hbm:s8], $0x9E0  }
0x21: {  	_ =	swait.ge [sflag:s17], $0x9E0  }
0x22: {  	[sflag:s17] =	ssyncset.done $0x0  }
0x23: {  	[sflag:s17] =	ssyncadd.s32 $0xFFFFF620  }
.Ltmp3:
0x24: {  	_ =	swait.ge [sflag:s18], $0x2000;
	(pc) =	sbr.rel .LBB2_8-.Ltmp3, $4  }
0x25: {  	[sflag:s18] =	ssyncset.done $0x0  }
0x26: {  	[sflag:s18] =	ssyncadd.s32 $0xFFFFE000  }
0x27: {  	[bflag:$0x0] =	sbarrier.arrive $0xFFFF  }
0x28: {  	[tilespmem:s20], [sflag:$0x1] =	stream.indirect.gather [hbm4b:s4+s19], $0x20, s24, s19, $0xb8;
	[tilespmem:$0xFF00] =	vst v63  }
.LBB2_10:
0x29: {  	p1 =	slt.u32 s25, $0x8  }
.Ltmp4:
0x2a: {  	_ =	swait.ge [sflag:s21], $0x4000;
	s24 =	sshll.u32 s24, $0x9;
	(pc) =	sbr.rel @!p1 .LBB2_11-.Ltmp4, $4  }
0x2b: {  	s26 =	sshll.u32 s26, $0xE;
	[sflag:s21] =	ssyncset.done $0x0;
	s24 =	sand.u32 $0x3FFFFE00, s24  }
0x2c: {  	s26 =	sor.u32 $0x3000, s26;
	[sflag:s21] =	ssyncadd.s32 $0xFFFFC000;
	s24 =	sadd.s32 $0x1800, s24  }
0x2d: {  	[spmem:s1] =	stream.indirect.scatter.add.f32 [tilespmem:s26], [sflag:$0x2], $0x20, s24, s19, $0xb8;
	[tilespmem:$0xFF00] =	vst v63  }
0x2e: {  	s24 =	smov.u32 s25  }
.LBB2_8:
0x2f: {  	p1 =	seq.s32 s24, $0x0  }
0x30: {  	p2 =	seq.s32 @!p1 s24, $0x7  }
0x31: {  	p2 =	por p1, !p2  }
.Ltmp5:
0x32: {  	_ = 	snop;
	(pc) =	sbr.rel @!p2 .LBB2_10-.Ltmp5, $4  }
0x33: {  	s25 =	simm.s32 @!p1 $0x2  }
0x34: {  	_ =	swait.ge @!p1 [sflag:s25], $0x4000  }
0x35: {  	[sflag:s25] =	ssyncset.done @!p1 $0x0  }
0x36: {  	s26 =	sand.u32 $0x1, s24;
	[sflag:s25] =	ssyncadd.s32 @!p1 $0xFFFFC000;
	s25 =	simm.s32 @!p1 $0x8  }
.Ltmp6:
0x37: {  	s25 =	sadd.s32 @!p1 $0x1, s24;
	(pc) =	sbr.rel .LBB2_10-.Ltmp6, $4  }
0x38: {  	s25 =	simm.s32 @p1 $0x1  }
0x39: {  	s28 =	sshll.u32 s26, $0xE;
	s29 =	sshll.u32 s25, $0x9  }
0x3a: {  	s28 =	sxor.u32 $0x7000, s28;
	s29 =	sand.u32 $0x3FFFFE00, s29  }
0x3b: {  	[tilespmem:s28], [sflag:$0x1] =	stream.indirect.gather [hbm4b:s4+s19], $0x20, s29, s19, $0xb8;
	[tilespmem:$0xFF00] =	vst v63  }
.LBB2_2:
0x3c: {  	s25 =	simm.s32 $0x0;
	s24 =	sor.u32 $0x1C04, s14  }
0x3d: {  	[tilespmem:s25], [sflag:$0x3] =	stream.strided.gather [hbm4b:s6+s13], $0x3000, s23, s13, $0x38;
	[tilespmem:$0xFF00] =	vst v63  }
0x3e: {  	[spmem:s16], [sflag:s24] =	dma.local [hbm:s8], $0x9E0  }
0x3f: {  	_ =	swait.ge [sflag:s17], $0x9E0  }
0x40: {  	[sflag:s17] =	ssyncset.done $0x0  }
0x41: {  	[sflag:s17] =	ssyncadd.s32 $0xFFFFF620  }
.Ltmp7:
0x42: {  	_ =	swait.ge [sflag:s18], $0x3000;
	(pc) =	sbr.rel .LBB2_3-.Ltmp7, $4  }
0x43: {  	[sflag:s18] =	ssyncset.done $0x0  }
0x44: {  	[sflag:s18] =	ssyncadd.s32 $0xFFFFD000  }
0x45: {  	[bflag:$0x0] =	sbarrier.arrive $0xFFFF  }
0x46: {  	[tilespmem:s20], [sflag:$0x1] =	stream.indirect.gather [hbm4b:s4+s19], $0x20, s25, s19, $0xb8;
	[tilespmem:$0xFF00] =	vst v63  }
.LBB2_5:
0x47: {  	p1 =	slt.u32 s26, $0xC  }
.Ltmp8:
0x48: {  	_ =	swait.ge [sflag:s21], $0x4000;
	s25 =	sshll.u32 s25, $0x9;
	(pc) =	sbr.rel @!p1 .LBB2_6-.Ltmp8, $4  }
0x49: {  	s28 =	sshll.u32 s28, $0xE;
	[sflag:s21] =	ssyncset.done $0x0;
	s25 =	sand.u32 $0x3FFFFE00, s25  }
0x4a: {  	s28 =	sor.u32 $0x3000, s28;
	[sflag:s21] =	ssyncadd.s32 $0xFFFFC000;
	s25 =	sadd.s32 $0x1800, s25  }
0x4b: {  	[spmem:s1] =	stream.indirect.scatter.add.f32 [tilespmem:s28], [sflag:$0x2], $0x20, s25, s19, $0xb8;
	[tilespmem:$0xFF00] =	vst v63  }
0x4c: {  	s25 =	smov.u32 s26  }
.LBB2_3:
0x4d: {  	p1 =	seq.s32 s25, $0x0  }
0x4e: {  	p2 =	seq.s32 @!p1 s25, $0xB  }
0x4f: {  	p2 =	por p1, !p2  }
.Ltmp9:
0x50: {  	_ = 	snop;
	(pc) =	sbr.rel @!p2 .LBB2_5-.Ltmp9, $4  }
0x51: {  	s26 =	simm.s32 @!p1 $0x2  }
0x52: {  	_ =	swait.ge @!p1 [sflag:s26], $0x4000  }
0x53: {  	[sflag:s26] =	ssyncset.done @!p1 $0x0  }
0x54: {  	s28 =	sand.u32 $0x1, s25;
	[sflag:s26] =	ssyncadd.s32 @!p1 $0xFFFFC000;
	s26 =	simm.s32 @!p1 $0xC  }
.Ltmp10:
0x55: {  	s26 =	sadd.s32 @!p1 $0x1, s25;
	(pc) =	sbr.rel .LBB2_5-.Ltmp10, $4  }
0x56: {  	s26 =	simm.s32 @p1 $0x1  }
0x57: {  	s29 =	sshll.u32 s28, $0xE;
	s30 =	sshll.u32 s26, $0x9  }
0x58: {  	s29 =	sxor.u32 $0x7000, s29;
	s30 =	sand.u32 $0x3FFFFE00, s30  }
0x59: {  	[tilespmem:s29], [sflag:$0x1] =	stream.indirect.gather [hbm4b:s4+s19], $0x20, s30, s19, $0xb8;
	[tilespmem:$0xFF00] =	vst v63  }
.LBB2_6:
.Ltmp11:
0x5a: {  	(pc) =	sbr.rel .LBB2_12-.Ltmp11, $2  }
0x5b: {  	_ =	sdelay $0x2  }
0x5c: {  	s25 =	smov.u32 s7  }
.LBB2_13:
0x5d: {  	_ =	sfence.sel $0x180000  }
0x5e: {  	[bflag:$0x0] =	sbarrier.arrive $0xFFFF  }
0x5f: {  	p0 =	sne.s32 s2, $0x0;
	_ =	strace $0x9000004A  }
0x60: {  	s0 =	sadd.s32 @!p0 $0x100000, s0;
	[bflag:$0x2] =	sbarrier.arrive $0xFFFF  }
0x61: {  	[sflag:s0] =	ssyncadd.tile.s32 @!p0 $0x1;
	_ =	shalt  }
.Lfunc_end2:
_tile_overlayer_lowered:
.L_overlay_start_2:
0x62: {  	(tag) =	ssettag $0x2  }
0x63: {  	s0 =	rddreg [dreg:$0x0];
	s2 =	stileid.u32  }
0x64: {  	s1 =	rddreg [dreg:$0x1];
	p0 =	sne.s32 s2, $0x0  }
0x65: {  	s3 =	rddreg [dreg:$0x2];
	[bflag:$0x3] =	sbarrier.arrive $0xFFFF;
	s2 =	simm.s32 @!p0 $0x1C04  }
0x66: {  	[timem:s3], [sflag:s2] =	dma.local @!p0 [hbm:s0], s1  }
0x67: {  	s0 =	simm.s32 @!p0 $0x4  }
0x68: {  	_ =	swait.ge @!p0 [sflag:s0], s1  }
0x69: {  	s1 =	ssub.s32 @!p0 $0x0, s1;
	[sflag:s0] =	ssyncset.done @!p0 $0x0  }
0x6a: {  	[sflag:s0] =	ssyncadd.s32 @!p0 s1  }
0x6b: {  	[bflag:$0x3] =	sbarrier.arrive $0xFFFF  }
0x6c: {  	_ =	shalt  }

// kernel: kernel.17.cloned.1.call-start
scs
__scs_entry_jumppad:
0x0: {  	(pc) =	sbr.rel $0x88, $3  }
0x1: {  	(tag) =	ssettag $0x0;
	lr =	simm.s32 $0x1  }
0x2: {  	[smem:$0x3F99] =	sst lr;
	_ =	strace $0xD0000000  }
0x3: {  	_ = 	snop  }
0x4: {  	_ = 	snop  }
0x5: {  	_ = 	snop  }
0x6: {  	_ = 	snop  }
0x7: {  	_ = 	snop  }
__scs_overlays_trampoline_lowered:
0x8: {  	[smem:$0x3FA8] =	sst s0  }
0x9: {  	[smem:$0x3FA9] =	sst s1  }
0xa: {  	[smem:$0x3FAA] =	sst s2  }
0xb: {  	[smem:$0x3FAB] =	sst s3  }
0xc: {  	[smem:$0x3FAC] =	sst s4  }
0xd: {  	[smem:$0x3FAD] =	sst s5  }
0xe: {  	[smem:$0x3FAE] =	sst s6  }
0xf: {  	[smem:$0x3FAF] =	sst s7  }
0x10: {  	[smem:$0x3FB0] =	sst s8  }
0x11: {  	[smem:$0x3FB1] =	sst s9;
	s0 =	simm.s32 @!p0 $0x0  }
0x12: {  	s1 =	sld [smem:$0x3F97];
	s0 =	simm.s32 @p0 $0x1  }
0x13: {  	[smem:$0x3FB2] =	sst s0;
	s0 =	simm.s32 @!p1 $0x0  }
0x14: {  	s2 =	sld [smem:$0x3F96];
	s0 =	simm.s32 @p1 $0x1  }
0x15: {  	[smem:$0x3FB3] =	sst s0;
	s0 =	simm.s32 @!p2 $0x0  }
0x16: {  	s3 =	sld [smem:$0x3FDB];
	s0 =	simm.s32 @p2 $0x1  }
0x17: {  	s4 =	simm.s32 $0x1BF5;
	[smem:$0x3FB5] =	sst s0  }
0x18: {  	s0 =	sld [smem:$0x3F98];
	_ =	swait.ge [sflag:s4], $0x0  }
0x19: {  	s7 =	sld [smem:$0x3F99]  }
0x1a: {  	s8 =	sadd.s32 $0xFFFFE003, lr  }
0x1b: {  	s9 =	sadd.s32 $0xFFFFFEF7, lr;
	s5 =	simm.s32 $0xFFFFFFFF;
	p2 =	slt.u32 s8, $0xFFFFF086  }
0x1c: {  	p1 =	slt.u32 s9, $0xF7A;
	s5 =	simm.s32 @!p2 $0x0  }
0x1d: {  	s5 =	simm.s32 @p1 $0x1;
	p0 =	seq.s32 s7, s2  }
0x1e: {  	s7 =	smul.u32 @!p0 $0xF7A, s2;
	p2 =	seq.s32 @!p0 s5, $0x0  }
0x1f: {  	s9 =	smul.u32 $0xF7A, s1;
	s8 =	simm.s32 @!p0 $0x1BF5;
	p2 =	por !p2, p0  }
0x20: {  	[sflag:s8] =	ssyncset.s32 @!p0 $0xFFFFF086;
	s6 =	sadd.s32 @!p0 s3, s7;
	s7 =	simm.s32 @!p0 $0x108  }
0x21: {  	s3 =	sadd.s32 s3, s9;
	s6 =	sadd.s32 @!p0 $0x88, s6;
	s7 =	simm.s32 @p2 $0x1082  }
0x22: {  	[simem:s7], [sflag:s8] =	dma.local @!p0 [hbm:s6], $0xF7A  }
0x23: {  	s9 =	sor.u32 $0xD0000000, s2;
	s6 =	simm.s32 $0x108;
	_ =	swait.ge @!p0 [sflag:s8], $0x0  }
0x24: {  	s3 =	sadd.s32 $0x88, s3;
	s6 =	simm.s32 @!p1 $0x1082;
	[sflag:s4] =	ssyncset.s32 $0xFFFFF086  }
0x25: {  	[simem:s6], [sflag:s4] =	dma.local [hbm:s3], $0xF7A  }
0x26: {  	[smem:$0x3F99] =	sst s1;
	(tag) =	ssettag s2;
	_ =	strace s9  }
0x27: {  	s1 =	sld [smem:$0x3FA9]  }
0x28: {  	s2 =	sld [smem:$0x3FAA]  }
0x29: {  	s4 =	sld [smem:$0x3FAC]  }
0x2a: {  	p0 =	seq.s32 s5, $0x0;
	s5 =	sld [smem:$0x3FAD]  }
0x2b: {  	s6 =	sld [smem:$0x3FAE]  }
0x2c: {  	s7 =	sld [smem:$0x3FAF]  }
0x2d: {  	s3 =	simm.s32 $0x108;
	s8 =	sld [smem:$0x3FB0]  }
0x2e: {  	s3 =	simm.s32 @!p0 $0x1082;
	s9 =	sld [smem:$0x3FB1]  }
0x2f: {  	lr =	sadd.s32 s0, s3;
	s0 =	sld [smem:$0x3FA8]  }
0x30: {  	s3 =	sld [smem:$0x3FAB]  }
0x31: {  	[smem:$0x3FB4] =	sst s10  }
0x32: {  	s10 =	sld [smem:$0x3FB2];
	_ =	sdelay $0x3  }
0x33: {  	p0 =	seq.s32 s10, $0x1;
	s10 =	sld [smem:$0x3FB4];
	_ =	sdelay $0x3  }
0x34: {  	[smem:$0x3FB4] =	sst s10  }
0x35: {  	s10 =	sld [smem:$0x3FB3];
	_ =	sdelay $0x3  }
0x36: {  	p1 =	seq.s32 s10, $0x1;
	s10 =	sld [smem:$0x3FB4];
	_ =	sdelay $0x3  }
0x37: {  	[smem:$0x3FB4] =	sst s10  }
0x38: {  	s10 =	sld [smem:$0x3FB5]  }
0x39: {  	_ = 	snop;
	(pc) =	sbr.ind lr, $3  }
0x3a: {  	_ = 	snop  }
0x3b: {  	_ = 	snop  }
0x3c: {  	p2 =	seq.s32 s10, $0x1;
	s10 =	sld [smem:$0x3FB4]  }
0x3d: {  	_ =	shalt  }
0x3e: {  	_ =	shalt  }
0x3f: {  	_ =	shalt  }
0x40: {  	_ =	shalt  }
0x41: {  	_ =	shalt  }
0x42: {  	_ =	shalt  }
0x43: {  	_ =	shalt  }
0x44: {  	_ =	shalt  }
0x45: {  	_ =	shalt  }
0x46: {  	_ =	shalt  }
0x47: {  	_ =	shalt  }
0x48: {  	_ =	shalt  }
0x49: {  	_ =	shalt  }
0x4a: {  	_ =	shalt  }
0x4b: {  	_ =	shalt  }
0x4c: {  	_ =	shalt  }
0x4d: {  	_ =	shalt  }
0x4e: {  	_ =	shalt  }
0x4f: {  	_ =	shalt  }
0x50: {  	_ =	shalt  }
0x51: {  	_ =	shalt  }
0x52: {  	_ =	shalt  }
0x53: {  	_ =	shalt  }
0x54: {  	_ =	shalt  }
0x55: {  	_ =	shalt  }
0x56: {  	_ =	shalt  }
0x57: {  	_ =	shalt  }
0x58: {  	_ =	shalt  }
0x59: {  	_ =	shalt  }
0x5a: {  	_ =	shalt  }
0x5b: {  	_ =	shalt  }
0x5c: {  	_ =	shalt  }
0x5d: {  	_ =	shalt  }
0x5e: {  	_ =	shalt  }
0x5f: {  	_ =	shalt  }
0x60: {  	_ =	shalt  }
0x61: {  	_ =	shalt  }
0x62: {  	_ =	shalt  }
0x63: {  	_ =	shalt  }
0x64: {  	_ =	shalt  }
0x65: {  	_ =	shalt  }
0x66: {  	_ =	shalt  }
0x67: {  	_ =	shalt  }
0x68: {  	_ =	shalt  }
0x69: {  	_ =	shalt  }
0x6a: {  	_ =	shalt  }
0x6b: {  	_ =	shalt  }
0x6c: {  	_ =	shalt  }
0x6d: {  	_ =	shalt  }
0x6e: {  	_ =	shalt  }
0x6f: {  	_ =	shalt  }
0x70: {  	_ =	shalt  }
0x71: {  	_ =	shalt  }
0x72: {  	_ =	shalt  }
0x73: {  	_ =	shalt  }
0x74: {  	_ =	shalt  }
0x75: {  	_ =	shalt  }
0x76: {  	_ =	shalt  }
0x77: {  	_ =	shalt  }
0x78: {  	_ =	shalt  }
0x79: {  	_ =	shalt  }
0x7a: {  	_ =	shalt  }
0x7b: {  	_ =	shalt  }
0x7c: {  	_ =	shalt  }
0x7d: {  	_ =	shalt  }
0x7e: {  	_ =	shalt  }
0x7f: {  	_ =	shalt  }
0x80: {  	_ =	shalt  }
0x81: {  	_ =	shalt  }
0x82: {  	_ =	shalt  }
0x83: {  	_ =	shalt  }
0x84: {  	_ =	shalt  }
0x85: {  	_ =	shalt  }
0x86: {  	_ =	shalt  }
0x87: {  	_ =	shalt  }
.Lfunc_end0:
.L_simem_size_0:
called_computation.2_lowered:
.L_overlay_start_0:
0x88: {  	s2 =	sld [smem:$0x3FD9]  }
0x89: {  	s3 =	sld [smem:$0x3FFE];
	_ =	sdelay $0x1  }
0x8a: {  	s1 =	srdreg.scid  }
0x8b: {  	s0 =	sand.u32 $0x1, s1  }
0x8c: {  	s17 =	sshll.u32 s0, $0xA;
	s2 =	sadd.s32 s3, s2  }
0x8d: {  	s2 =	sadd.s32 s2, s17  }
0x8e: {  	[smem:$0x3FC0] =	sst s2  }
0x8f: {  	_ = 	snop  }
0x90: {  	s2 =	sld [smem:$0x3FD0];
	(tm) =	ssettm $0x1  }
0x91: {  	s18 =	sld [smem:$0x3FFB];
	_ =	sdelay $0x3  }
0x92: {  	_ =	strace s18  }
0x93: {  	s3 =	sld [smem:$0x3FFC];
	_ =	sdelay $0x3  }
0x94: {  	_ =	strace s3  }
0x95: {  	s3 =	sld [smem:$0x3FFD];
	_ =	sdelay $0x3  }
0x96: {  	_ =	strace s3  }
0x97: {  	_ =	strace $0x8FFFFFFF  }
0x98: {  	s19 =	sld [smem:$0x3FDB];
	_ =	sdelay $0x1  }
0x99: {  	s4 =	simm.s32 $_scs_section_size  }
0x9a: {  	s5 =	simm.s32 $_size__tile_overlayer_lowered;
	s6 =	simm.s32 $_tile_overlayer_lowered  }
0x9b: {  	s22 =	simm.s32 $0x1BFF;
	s21 =	sshll.u32 s6, $0x1;
	s3 =	sadd.s32 s4, s19  }
0x9c: {  	s7 =	simm.s32 $0x0;
	s20 =	sshll.u32 s5, $0x1;
	s5 =	sadd.s32 s21, s3  }
0x9d: {  	[timem:s7], [sflag:s22] =	dma.local [hbm:s5], s20  }
0x9e: {  	_ =	swait.ge [sflag:s22], s20  }
0x9f: {  	s4 =	ssub.s32 $0x0, s20;
	[sflag:s22] =	ssyncset.done $0x0  }
0xa0: {  	[sflag:s22] =	ssyncadd.s32 s4;
	_ =	sdelay $0x1  }
0xa1: {  	s23 =	simm.s32 $0x1B8B  }
0xa2: {  	_ =	swait.ge [sflag:s23], $0x1  }
0xa3: {  	[sflag:s23] =	ssyncset.done $0x0  }
0xa4: {  	s25 =	simm.s32 $0x1B8E;
	s24 =	sld [smem:$0x3FFE];
	[sflag:s23] =	ssyncadd.s32 $0xFFFFFFFF  }
0xa5: {  	s26 =	simm.s32 $execute0_lowered;
	[smem:$0x3FD2] =	sst s25  }
0xa6: {  	s5 =	sshll.u32 s26, $0x1;
	_ =	strace $0x8000004C;
	[dreg:$0x1] =	wrdreg $0xFFFFFFFF  }
0xa7: {  	s28 =	simm.s32 $_size_execute0_lowered;
	s3 =	sadd.s32 s3, s5;
	[dreg:$0x0] =	wrdreg $0x0  }
0xa8: {  	s5 =	sshll.u32 s28, $0x1;
	[dreg:$0x2] =	wrdreg s3  }
0xa9: {  	[dreg:$0x3] =	wrdreg s5  }
0xaa: {  	[dreg:$0x4] =	wrdreg $0xC0  }
0xab: {  	_ =	task [dreg:s7], $0x5FFFF  }
0xac: {  	[dreg:$0x1] =	wrdreg $0xFFFFFFFF  }
0xad: {  	[dreg:$0x0] =	wrdreg $0x60  }
0xae: {  	[dreg:$0x2] =	wrdreg s2  }
0xaf: {  	[dreg:$0x3] =	wrdreg s24  }
0xb0: {  	[dreg:$0x4] =	wrdreg $0x6C000  }
0xb1: {  	[dreg:$0x5] =	wrdreg $0x9  }
0xb2: {  	_ =	task.clear_ibuf [dreg:s7], $0x6FFFF;
	_ =	strace $0x9000004C  }
0xb3: {  	s29 =	simm.s32 $0x9;
	_ =	strace $0x8000004E  }
0xb4: {  	_ =	swait.ge [sflag:s29], $0x1  }
0xb5: {  	[sflag:s29] =	ssyncadd.s32 $0xFFFFFFFF  }
0xb6: {  	_ =	strace $0x9000004E  }
0xb7: {  	_ =	sfence  }
0xb8: {  	s30 =	sld [smem:$0x0];
	_ =	sdelay $0x2  }
0xb9: {  	s31 =	sshll.u32 s1, $0xD;
	s1 =	sshrl.u32 s1, $0x2  }
0xba: {  	s3 =	sand.u32 $0x4000, s31;
	s1 =	sadd.s32 s1, s30  }
0xbb: {  	s0 =	sor.u32 s3, s0;
	s1 =	sshll.u32 s1, $0x11  }
0xbc: {  	s0 =	sor.u32 s1, s0  }
0xbd: {  	s0 =	sadd.s32 $0x8F2B, s0  }
0xbe: {  	[sflag:s0] =	ssyncadd.remote.s32 $0x1  }
0xbf: {  	_ =	sfence.sel $0xFFFF  }
0xc0: {  	[dreg:$0x0] =	wrdreg $0xFFFFFFFF;
	(pc) =	sbr.abs _section_cstart, $3  }
0xc1: {  	[dreg:$0x1] =	wrdreg $0xFFFFFFFF  }
0xc2: {  	_ =	task.clear_ibuf [dreg:s7], $0x2FFFF;
	_ =	strace $0x9FFFFFFF  }
0xc3: {  	(tm) =	ssettm $0x7FFFFFFF  }
tec
execute0_lowered:
.L_overlay_start_1:
0x0: {  	(tag) =	ssettag $0x1  }
0x1: {  	s1 =	rddreg [dreg:$0x0]  }
0x2: {  	s6 =	rddreg [dreg:$0x1]  }
0x3: {  	s3 =	rddreg [dreg:$0x2]  }
0x4: {  	s0 =	rddreg [dreg:$0x3];
	s4 =	simm.s32 $0x0;
	s2 =	stileid.u32  }
0x5: {  	s5 =	srdreg.scid;
	s17 =	simm.s32 $0x4;
	s18 =	simm.s32 $0x3  }
0x6: {  	s19 =	simm.s32 $0x200;
	s20 =	simm.s32 $0x2C00;
	s21 =	simm.s32 $0x1  }
0x7: {  	s22 =	simm.s32 $0x2;
	s23 =	simm.s32 $0x28000;
	s8 =	smul.u32 $0x2780, s2  }
0x8: {  	[smem:$0x7FF] =	sst s4;
	s7 =	sand.u32 $0x1, s5;
	s11 =	smul.u32 $0x2C0, s2  }
0x9: {  	s9 =	sadd.s32 $0x2600, s6;
	s13 =	smul.u32 $0x1200, s2;
	_ =	strace $0x8000004D  }
0xa: {  	s10 =	ssub.s32 $0x2, s7;
	p0 =	seq.s32 s7, $0x1;
	s5 =	sshrl.u32 s8, $0x3  }
0xb: {  	s12 =	sshrl.u32 s10, $0x1;
	s7 =	sadd.s32 s9, s11;
	s31 =	sshrl.u32 s13, $0x3  }
.Ltmp0:
0xc: {  	s16 =	sadd.s32 s8, s3;
	s13 =	simm.s32 $0x1600;
	(pc) =	sbr.rel .LBB2_1-.Ltmp0, $4  }
0xd: {  	s14 =	sadd.s32 s5, s6;
	s6 =	sadd.s32 $0x11600, s6;
	s12 =	ssub.s32 s10, s12  }
0xe: {  	s9 =	sadd.s32 s9, s31;
	s10 =	sadd.s32 $0x4F00, s5;
	s16 =	sshrl.u32 s16, $0x3  }
0xf: {  	s8 =	sadd.s32 $0xC600, s14;
	s9 =	sadd.s32 $0x2C00, s9;
	s14 =	sshll.u32 s2, $0x6  }
0x10: {  	s11 =	smax.u32 s12, $0x1;
	s12 =	sadd.s32 $0x5000, s9;
	s15 =	sor.u32 $0x1C04, s14  }
.LBB2_11:
0x11: {  	s25 =	smov.u32 s10;
	s24 =	smov.u32 s15  }
.LBB2_12:
0x12: {  	_ =	swait.ge [sflag:s22], $0x2000  }
0x13: {  	s4 =	sadd.s32 $0x1, s4;
	[sflag:s22] =	ssyncset.done $0x0  }
0x14: {  	p1 =	sne.s32 s4, s11;
	[sflag:s22] =	ssyncadd.s32 $0xFFFFE000  }
.Ltmp1:
0x15: {  	s25 =	sadd.s32 s6, s25;
	[bflag:$0x0] =	sbarrier.arrive $0xFFFF;
	(pc) =	sbr.rel @!p1 .LBB2_13-.Ltmp1, $4  }
0x16: {  	[hbm:s25], [sflag:s24] =	dma.local [spmem:s16], $0x4F0  }
0x17: {  	_ =	swait.ge [sflag:s17], $0x4F0  }
0x18: {  	[sflag:s17] =	ssyncset.done $0x0  }
0x19: {  	[sflag:s17] =	ssyncadd.s32 $0xFFFFFB10  }
.LBB2_1:
.Ltmp2:
0x1a: {  	(pc) =	sbr.rel @!p0 .LBB2_2-.Ltmp2, $1  }
0x1b: {  	_ =	sdelay $0x3  }
0x1c: {  	s24 =	simm.s32 $0x0  }
0x1d: {  	[tilespmem:s24], [sflag:$0x3] =	stream.linear.gather [hbm4b:s9+s24], $0x1200, $0x38;
	[tilespmem:$0x9380] =	vst v63  }
0x1e: {  	_ = 	snop  }
0x1f: {  	[tilespmem:s13], [sflag:$0x3] =	stream.linear.gather [hbm4b:s12+s24], $0x1200, $0x38;
	[tilespmem:$0x9380] =	vst v63  }
0x20: {  	[spmem:s16], [sflag:s15] =	dma.local [hbm:s8], $0x4F0  }
0x21: {  	_ =	swait.ge [sflag:s17], $0x4F0  }
0x22: {  	[sflag:s17] =	ssyncset.done $0x0  }
0x23: {  	[sflag:s17] =	ssyncadd.s32 $0xFFFFFB10  }
.Ltmp3:
0x24: {  	_ =	swait.ge [sflag:s18], $0x2400;
	(pc) =	sbr.rel .LBB2_8-.Ltmp3, $4  }
0x25: {  	[sflag:s18] =	ssyncset.done $0x0  }
0x26: {  	[sflag:s18] =	ssyncadd.s32 $0xFFFFDC00  }
0x27: {  	[bflag:$0x0] =	sbarrier.arrive $0xFFFF  }
0x28: {  	[tilespmem:s20], [sflag:$0x1] =	stream.indirect.gather [hbm4b:s1+s19], $0x10, s24, s19, $0xb8;
	[tilespmem:$0x9380] =	vst v63  }
.LBB2_10:
0x29: {  	p1 =	slt.u32 s25, $0x9  }
.Ltmp4:
0x2a: {  	_ =	swait.ge [sflag:s21], $0x2000;
	s24 =	sshll.u32 s24, $0x9;
	(pc) =	sbr.rel @!p1 .LBB2_11-.Ltmp4, $4  }
0x2b: {  	s26 =	sshll.u32 s26, $0xD;
	[sflag:s21] =	ssyncset.done $0x0;
	s24 =	sand.u32 $0x3FFFFE00, s24  }
0x2c: {  	s26 =	sadd.s32 $0x2C00, s26;
	[sflag:s21] =	ssyncadd.s32 $0xFFFFE000;
	s24 =	sadd.s32 $0x1600, s24  }
0x2d: {  	[spmem:s3] =	stream.indirect.scatter.add.f32 [tilespmem:s26], [sflag:$0x2], $0x10, s24, s19, $0xb8;
	[tilespmem:$0x9380] =	vst v63  }
0x2e: {  	s24 =	smov.u32 s25  }
.LBB2_8:
0x2f: {  	p1 =	seq.s32 s24, $0x0  }
0x30: {  	p2 =	seq.s32 @!p1 s24, $0x8  }
0x31: {  	p2 =	por p1, !p2  }
.Ltmp5:
0x32: {  	_ = 	snop;
	(pc) =	sbr.rel @!p2 .LBB2_10-.Ltmp5, $4  }
0x33: {  	s25 =	simm.s32 @!p1 $0x2  }
0x34: {  	_ =	swait.ge @!p1 [sflag:s25], $0x2000  }
0x35: {  	[sflag:s25] =	ssyncset.done @!p1 $0x0  }
0x36: {  	s26 =	sand.u32 $0x1, s24;
	[sflag:s25] =	ssyncadd.s32 @!p1 $0xFFFFE000;
	s25 =	simm.s32 @!p1 $0x9  }
.Ltmp6:
0x37: {  	s25 =	sadd.s32 @!p1 $0x1, s24;
	(pc) =	sbr.rel .LBB2_10-.Ltmp6, $4  }
0x38: {  	s25 =	simm.s32 @p1 $0x1  }
0x39: {  	s28 =	sshll.u32 s26, $0xD;
	s29 =	sshll.u32 s25, $0x9  }
0x3a: {  	s28 =	ssub.s32 $0x4C00, s28;
	s29 =	sand.u32 $0x3FFFFE00, s29  }
0x3b: {  	[tilespmem:s28], [sflag:$0x1] =	stream.indirect.gather [hbm4b:s1+s19], $0x10, s29, s19, $0xb8;
	[tilespmem:$0x9380] =	vst v63  }
.LBB2_2:
0x3c: {  	s25 =	simm.s32 $0x0;
	s24 =	sor.u32 $0x1C04, s14  }
0x3d: {  	[tilespmem:s25], [sflag:$0x3] =	stream.strided.gather [hbm4b:s7+s13], $0x2C00, s23, s13, $0x38;
	[tilespmem:$0x9380] =	vst v63  }
0x3e: {  	[spmem:s16], [sflag:s24] =	dma.local [hbm:s8], $0x4F0  }
0x3f: {  	_ =	swait.ge [sflag:s17], $0x4F0  }
0x40: {  	[sflag:s17] =	ssyncset.done $0x0  }
0x41: {  	[sflag:s17] =	ssyncadd.s32 $0xFFFFFB10  }
.Ltmp7:
0x42: {  	_ =	swait.ge [sflag:s18], $0x2C00;
	(pc) =	sbr.rel .LBB2_3-.Ltmp7, $4  }
0x43: {  	[sflag:s18] =	ssyncset.done $0x0  }
0x44: {  	[sflag:s18] =	ssyncadd.s32 $0xFFFFD400  }
0x45: {  	[bflag:$0x0] =	sbarrier.arrive $0xFFFF  }
0x46: {  	[tilespmem:s20], [sflag:$0x1] =	stream.indirect.gather [hbm4b:s1+s19], $0x10, s25, s19, $0xb8;
	[tilespmem:$0x9380] =	vst v63  }
.LBB2_5:
0x47: {  	p1 =	slt.u32 s26, $0xB  }
.Ltmp8:
0x48: {  	_ =	swait.ge [sflag:s21], $0x2000;
	s25 =	sshll.u32 s25, $0x9;
	(pc) =	sbr.rel @!p1 .LBB2_6-.Ltmp8, $4  }
0x49: {  	s28 =	sshll.u32 s28, $0xD;
	[sflag:s21] =	ssyncset.done $0x0;
	s25 =	sand.u32 $0x3FFFFE00, s25  }
0x4a: {  	s28 =	sadd.s32 $0x2C00, s28;
	[sflag:s21] =	ssyncadd.s32 $0xFFFFE000;
	s25 =	sadd.s32 $0x1600, s25  }
0x4b: {  	[spmem:s3] =	stream.indirect.scatter.add.f32 [tilespmem:s28], [sflag:$0x2], $0x10, s25, s19, $0xb8;
	[tilespmem:$0x9380] =	vst v63  }
0x4c: {  	s25 =	smov.u32 s26  }
.LBB2_3:
0x4d: {  	p1 =	seq.s32 s25, $0x0  }
0x4e: {  	p2 =	seq.s32 @!p1 s25, $0xA  }
0x4f: {  	p2 =	por p1, !p2  }
.Ltmp9:
0x50: {  	_ = 	snop;
	(pc) =	sbr.rel @!p2 .LBB2_5-.Ltmp9, $4  }
0x51: {  	s26 =	simm.s32 @!p1 $0x2  }
0x52: {  	_ =	swait.ge @!p1 [sflag:s26], $0x2000  }
0x53: {  	[sflag:s26] =	ssyncset.done @!p1 $0x0  }
0x54: {  	s28 =	sand.u32 $0x1, s25;
	[sflag:s26] =	ssyncadd.s32 @!p1 $0xFFFFE000;
	s26 =	simm.s32 @!p1 $0xB  }
.Ltmp10:
0x55: {  	s26 =	sadd.s32 @!p1 $0x1, s25;
	(pc) =	sbr.rel .LBB2_5-.Ltmp10, $4  }
0x56: {  	s26 =	simm.s32 @p1 $0x1  }
0x57: {  	s29 =	sshll.u32 s28, $0xD;
	s30 =	sshll.u32 s26, $0x9  }
0x58: {  	s29 =	ssub.s32 $0x4C00, s29;
	s30 =	sand.u32 $0x3FFFFE00, s30  }
0x59: {  	[tilespmem:s29], [sflag:$0x1] =	stream.indirect.gather [hbm4b:s1+s19], $0x10, s30, s19, $0xb8;
	[tilespmem:$0x9380] =	vst v63  }
.LBB2_6:
.Ltmp11:
0x5a: {  	(pc) =	sbr.rel .LBB2_12-.Ltmp11, $2  }
0x5b: {  	_ =	sdelay $0x2  }
0x5c: {  	s25 =	smov.u32 s5  }
.LBB2_13:
0x5d: {  	_ =	sfence.sel $0x180000  }
0x5e: {  	[bflag:$0x0] =	sbarrier.arrive $0xFFFF  }
0x5f: {  	p0 =	sne.s32 s2, $0x0;
	_ =	strace $0x9000004D  }
0x60: {  	s0 =	sadd.s32 @!p0 $0x100000, s0;
	[bflag:$0x2] =	sbarrier.arrive $0xFFFF  }
0x61: {  	[sflag:s0] =	ssyncadd.tile.s32 @!p0 $0x1;
	_ =	shalt  }
.Lfunc_end2:
_tile_overlayer_lowered:
.L_overlay_start_2:
0x62: {  	(tag) =	ssettag $0x2  }
0x63: {  	s0 =	rddreg [dreg:$0x0];
	s2 =	stileid.u32  }
0x64: {  	s1 =	rddreg [dreg:$0x1];
	p0 =	sne.s32 s2, $0x0  }
0x65: {  	s3 =	rddreg [dreg:$0x2];
	[bflag:$0x3] =	sbarrier.arrive $0xFFFF;
	s2 =	simm.s32 @!p0 $0x1C04  }
0x66: {  	[timem:s3], [sflag:s2] =	dma.local @!p0 [hbm:s0], s1  }
0x67: {  	s0 =	simm.s32 @!p0 $0x4  }
0x68: {  	_ =	swait.ge @!p0 [sflag:s0], s1  }
0x69: {  	s1 =	ssub.s32 @!p0 $0x0, s1;
	[sflag:s0] =	ssyncset.done @!p0 $0x0  }
0x6a: {  	[sflag:s0] =	ssyncadd.s32 @!p0 s1  }
0x6b: {  	[bflag:$0x3] =	sbarrier.arrive $0xFFFF  }
0x6c: {  	_ =	shalt  }

// kernel: kernel.20.cloned.1.call-start
scs
__scs_entry_jumppad:
0x0: {  	(pc) =	sbr.rel $0x88, $3  }
0x1: {  	(tag) =	ssettag $0x0;
	lr =	simm.s32 $0x1  }
0x2: {  	[smem:$0x3F99] =	sst lr;
	_ =	strace $0xD0000000  }
0x3: {  	_ = 	snop  }
0x4: {  	_ = 	snop  }
0x5: {  	_ = 	snop  }
0x6: {  	_ = 	snop  }
0x7: {  	_ = 	snop  }
__scs_overlays_trampoline_lowered:
0x8: {  	[smem:$0x3FA8] =	sst s0  }
0x9: {  	[smem:$0x3FA9] =	sst s1  }
0xa: {  	[smem:$0x3FAA] =	sst s2  }
0xb: {  	[smem:$0x3FAB] =	sst s3  }
0xc: {  	[smem:$0x3FAC] =	sst s4  }
0xd: {  	[smem:$0x3FAD] =	sst s5  }
0xe: {  	[smem:$0x3FAE] =	sst s6  }
0xf: {  	[smem:$0x3FAF] =	sst s7  }
0x10: {  	[smem:$0x3FB0] =	sst s8  }
0x11: {  	[smem:$0x3FB1] =	sst s9;
	s0 =	simm.s32 @!p0 $0x0  }
0x12: {  	s1 =	sld [smem:$0x3F97];
	s0 =	simm.s32 @p0 $0x1  }
0x13: {  	[smem:$0x3FB2] =	sst s0;
	s0 =	simm.s32 @!p1 $0x0  }
0x14: {  	s2 =	sld [smem:$0x3F96];
	s0 =	simm.s32 @p1 $0x1  }
0x15: {  	[smem:$0x3FB3] =	sst s0;
	s0 =	simm.s32 @!p2 $0x0  }
0x16: {  	s3 =	sld [smem:$0x3FDB];
	s0 =	simm.s32 @p2 $0x1  }
0x17: {  	s4 =	simm.s32 $0x1BF5;
	[smem:$0x3FB5] =	sst s0  }
0x18: {  	s0 =	sld [smem:$0x3F98];
	_ =	swait.ge [sflag:s4], $0x0  }
0x19: {  	s7 =	sld [smem:$0x3F99]  }
0x1a: {  	s8 =	sadd.s32 $0xFFFFE003, lr  }
0x1b: {  	s9 =	sadd.s32 $0xFFFFFEF7, lr;
	s5 =	simm.s32 $0xFFFFFFFF;
	p2 =	slt.u32 s8, $0xFFFFF086  }
0x1c: {  	p1 =	slt.u32 s9, $0xF7A;
	s5 =	simm.s32 @!p2 $0x0  }
0x1d: {  	s5 =	simm.s32 @p1 $0x1;
	p0 =	seq.s32 s7, s2  }
0x1e: {  	s7 =	smul.u32 @!p0 $0xF7A, s2;
	p2 =	seq.s32 @!p0 s5, $0x0  }
0x1f: {  	s9 =	smul.u32 $0xF7A, s1;
	s8 =	simm.s32 @!p0 $0x1BF5;
	p2 =	por !p2, p0  }
0x20: {  	[sflag:s8] =	ssyncset.s32 @!p0 $0xFFFFF086;
	s6 =	sadd.s32 @!p0 s3, s7;
	s7 =	simm.s32 @!p0 $0x108  }
0x21: {  	s3 =	sadd.s32 s3, s9;
	s6 =	sadd.s32 @!p0 $0x88, s6;
	s7 =	simm.s32 @p2 $0x1082  }
0x22: {  	[simem:s7], [sflag:s8] =	dma.local @!p0 [hbm:s6], $0xF7A  }
0x23: {  	s9 =	sor.u32 $0xD0000000, s2;
	s6 =	simm.s32 $0x108;
	_ =	swait.ge @!p0 [sflag:s8], $0x0  }
0x24: {  	s3 =	sadd.s32 $0x88, s3;
	s6 =	simm.s32 @!p1 $0x1082;
	[sflag:s4] =	ssyncset.s32 $0xFFFFF086  }
0x25: {  	[simem:s6], [sflag:s4] =	dma.local [hbm:s3], $0xF7A  }
0x26: {  	[smem:$0x3F99] =	sst s1;
	(tag) =	ssettag s2;
	_ =	strace s9  }
0x27: {  	s1 =	sld [smem:$0x3FA9]  }
0x28: {  	s2 =	sld [smem:$0x3FAA]  }
0x29: {  	s4 =	sld [smem:$0x3FAC]  }
0x2a: {  	p0 =	seq.s32 s5, $0x0;
	s5 =	sld [smem:$0x3FAD]  }
0x2b: {  	s6 =	sld [smem:$0x3FAE]  }
0x2c: {  	s7 =	sld [smem:$0x3FAF]  }
0x2d: {  	s3 =	simm.s32 $0x108;
	s8 =	sld [smem:$0x3FB0]  }
0x2e: {  	s3 =	simm.s32 @!p0 $0x1082;
	s9 =	sld [smem:$0x3FB1]  }
0x2f: {  	lr =	sadd.s32 s0, s3;
	s0 =	sld [smem:$0x3FA8]  }
0x30: {  	s3 =	sld [smem:$0x3FAB]  }
0x31: {  	[smem:$0x3FB4] =	sst s10  }
0x32: {  	s10 =	sld [smem:$0x3FB2];
	_ =	sdelay $0x3  }
0x33: {  	p0 =	seq.s32 s10, $0x1;
	s10 =	sld [smem:$0x3FB4];
	_ =	sdelay $0x3  }
0x34: {  	[smem:$0x3FB4] =	sst s10  }
0x35: {  	s10 =	sld [smem:$0x3FB3];
	_ =	sdelay $0x3  }
0x36: {  	p1 =	seq.s32 s10, $0x1;
	s10 =	sld [smem:$0x3FB4];
	_ =	sdelay $0x3  }
0x37: {  	[smem:$0x3FB4] =	sst s10  }
0x38: {  	s10 =	sld [smem:$0x3FB5]  }
0x39: {  	_ = 	snop;
	(pc) =	sbr.ind lr, $3  }
0x3a: {  	_ = 	snop  }
0x3b: {  	_ = 	snop  }
0x3c: {  	p2 =	seq.s32 s10, $0x1;
	s10 =	sld [smem:$0x3FB4]  }
0x3d: {  	_ =	shalt  }
0x3e: {  	_ =	shalt  }
0x3f: {  	_ =	shalt  }
0x40: {  	_ =	shalt  }
0x41: {  	_ =	shalt  }
0x42: {  	_ =	shalt  }
0x43: {  	_ =	shalt  }
0x44: {  	_ =	shalt  }
0x45: {  	_ =	shalt  }
0x46: {  	_ =	shalt  }
0x47: {  	_ =	shalt  }
0x48: {  	_ =	shalt  }
0x49: {  	_ =	shalt  }
0x4a: {  	_ =	shalt  }
0x4b: {  	_ =	shalt  }
0x4c: {  	_ =	shalt  }
0x4d: {  	_ =	shalt  }
0x4e: {  	_ =	shalt  }
0x4f: {  	_ =	shalt  }
0x50: {  	_ =	shalt  }
0x51: {  	_ =	shalt  }
0x52: {  	_ =	shalt  }
0x53: {  	_ =	shalt  }
0x54: {  	_ =	shalt  }
0x55: {  	_ =	shalt  }
0x56: {  	_ =	shalt  }
0x57: {  	_ =	shalt  }
0x58: {  	_ =	shalt  }
0x59: {  	_ =	shalt  }
0x5a: {  	_ =	shalt  }
0x5b: {  	_ =	shalt  }
0x5c: {  	_ =	shalt  }
0x5d: {  	_ =	shalt  }
0x5e: {  	_ =	shalt  }
0x5f: {  	_ =	shalt  }
0x60: {  	_ =	shalt  }
0x61: {  	_ =	shalt  }
0x62: {  	_ =	shalt  }
0x63: {  	_ =	shalt  }
0x64: {  	_ =	shalt  }
0x65: {  	_ =	shalt  }
0x66: {  	_ =	shalt  }
0x67: {  	_ =	shalt  }
0x68: {  	_ =	shalt  }
0x69: {  	_ =	shalt  }
0x6a: {  	_ =	shalt  }
0x6b: {  	_ =	shalt  }
0x6c: {  	_ =	shalt  }
0x6d: {  	_ =	shalt  }
0x6e: {  	_ =	shalt  }
0x6f: {  	_ =	shalt  }
0x70: {  	_ =	shalt  }
0x71: {  	_ =	shalt  }
0x72: {  	_ =	shalt  }
0x73: {  	_ =	shalt  }
0x74: {  	_ =	shalt  }
0x75: {  	_ =	shalt  }
0x76: {  	_ =	shalt  }
0x77: {  	_ =	shalt  }
0x78: {  	_ =	shalt  }
0x79: {  	_ =	shalt  }
0x7a: {  	_ =	shalt  }
0x7b: {  	_ =	shalt  }
0x7c: {  	_ =	shalt  }
0x7d: {  	_ =	shalt  }
0x7e: {  	_ =	shalt  }
0x7f: {  	_ =	shalt  }
0x80: {  	_ =	shalt  }
0x81: {  	_ =	shalt  }
0x82: {  	_ =	shalt  }
0x83: {  	_ =	shalt  }
0x84: {  	_ =	shalt  }
0x85: {  	_ =	shalt  }
0x86: {  	_ =	shalt  }
0x87: {  	_ =	shalt  }
.Lfunc_end0:
.L_simem_size_0:
called_computation.3_lowered:
.L_overlay_start_0:
0x88: {  	s2 =	sld [smem:$0x3FD9]  }
0x89: {  	s3 =	sld [smem:$0x3FFE];
	_ =	sdelay $0x1  }
0x8a: {  	s1 =	srdreg.scid  }
0x8b: {  	s0 =	sand.u32 $0x1, s1  }
0x8c: {  	s17 =	sshll.u32 s0, $0xA;
	s2 =	sadd.s32 s3, s2  }
0x8d: {  	s2 =	sadd.s32 s2, s17  }
0x8e: {  	[smem:$0x3FC0] =	sst s2  }
0x8f: {  	_ = 	snop  }
0x90: {  	s2 =	sld [smem:$0x3FD0];
	(tm) =	ssettm $0x1  }
0x91: {  	s18 =	sld [smem:$0x3FFB];
	_ =	sdelay $0x3  }
0x92: {  	_ =	strace s18  }
0x93: {  	s3 =	sld [smem:$0x3FFC];
	_ =	sdelay $0x3  }
0x94: {  	_ =	strace s3  }
0x95: {  	s3 =	sld [smem:$0x3FFD];
	_ =	sdelay $0x3  }
0x96: {  	_ =	strace s3  }
0x97: {  	_ =	strace $0x8FFFFFFF  }
0x98: {  	s19 =	sld [smem:$0x3FDB];
	_ =	sdelay $0x1  }
0x99: {  	s4 =	simm.s32 $_scs_section_size  }
0x9a: {  	s5 =	simm.s32 $_size__tile_overlayer_lowered;
	s6 =	simm.s32 $_tile_overlayer_lowered  }
0x9b: {  	s22 =	simm.s32 $0x1BFF;
	s21 =	sshll.u32 s6, $0x1;
	s3 =	sadd.s32 s4, s19  }
0x9c: {  	s7 =	simm.s32 $0x0;
	s20 =	sshll.u32 s5, $0x1;
	s5 =	sadd.s32 s21, s3  }
0x9d: {  	[timem:s7], [sflag:s22] =	dma.local [hbm:s5], s20  }
0x9e: {  	_ =	swait.ge [sflag:s22], s20  }
0x9f: {  	s4 =	ssub.s32 $0x0, s20;
	[sflag:s22] =	ssyncset.done $0x0  }
0xa0: {  	[sflag:s22] =	ssyncadd.s32 s4;
	_ =	sdelay $0x1  }
0xa1: {  	s23 =	simm.s32 $0x1B8B  }
0xa2: {  	_ =	swait.ge [sflag:s23], $0x1  }
0xa3: {  	[sflag:s23] =	ssyncset.done $0x0  }
0xa4: {  	s25 =	simm.s32 $0x1B8E;
	s24 =	sld [smem:$0x3FFE];
	[sflag:s23] =	ssyncadd.s32 $0xFFFFFFFF  }
0xa5: {  	s26 =	simm.s32 $execute0_lowered;
	[smem:$0x3FD2] =	sst s25  }
0xa6: {  	s5 =	sshll.u32 s26, $0x1;
	_ =	strace $0x8000004F;
	[dreg:$0x1] =	wrdreg $0xFFFFFFFF  }
0xa7: {  	s28 =	simm.s32 $_size_execute0_lowered;
	s3 =	sadd.s32 s3, s5;
	[dreg:$0x0] =	wrdreg $0x0  }
0xa8: {  	s5 =	sshll.u32 s28, $0x1;
	[dreg:$0x2] =	wrdreg s3  }
0xa9: {  	[dreg:$0x3] =	wrdreg s5  }
0xaa: {  	[dreg:$0x4] =	wrdreg $0xC0  }
0xab: {  	_ =	task [dreg:s7], $0x5FFFF  }
0xac: {  	[dreg:$0x1] =	wrdreg $0xFFFFFFFF  }
0xad: {  	[dreg:$0x0] =	wrdreg $0x60  }
0xae: {  	[dreg:$0x2] =	wrdreg s24  }
0xaf: {  	[dreg:$0x3] =	wrdreg s2  }
0xb0: {  	[dreg:$0x4] =	wrdreg $0x6C000  }
0xb1: {  	[dreg:$0x5] =	wrdreg $0x9  }
0xb2: {  	_ =	task.clear_ibuf [dreg:s7], $0x6FFFF;
	_ =	strace $0x9000004F  }
0xb3: {  	s29 =	simm.s32 $0x9;
	_ =	strace $0x80000051  }
0xb4: {  	_ =	swait.ge [sflag:s29], $0x1  }
0xb5: {  	[sflag:s29] =	ssyncadd.s32 $0xFFFFFFFF  }
0xb6: {  	_ =	strace $0x90000051  }
0xb7: {  	_ =	sfence  }
0xb8: {  	s30 =	sld [smem:$0x0];
	_ =	sdelay $0x2  }
0xb9: {  	s31 =	sshll.u32 s1, $0xD;
	s1 =	sshrl.u32 s1, $0x2  }
0xba: {  	s3 =	sand.u32 $0x4000, s31;
	s1 =	sadd.s32 s1, s30  }
0xbb: {  	s0 =	sor.u32 s3, s0;
	s1 =	sshll.u32 s1, $0x11  }
0xbc: {  	s0 =	sor.u32 s1, s0  }
0xbd: {  	s0 =	sadd.s32 $0x8F2B, s0  }
0xbe: {  	[sflag:s0] =	ssyncadd.remote.s32 $0x1  }
0xbf: {  	_ =	sfence.sel $0xFFFF  }
0xc0: {  	[dreg:$0x0] =	wrdreg $0xFFFFFFFF;
	(pc) =	sbr.abs _section_cstart, $3  }
0xc1: {  	[dreg:$0x1] =	wrdreg $0xFFFFFFFF  }
0xc2: {  	_ =	task.clear_ibuf [dreg:s7], $0x2FFFF;
	_ =	strace $0x9FFFFFFF  }
0xc3: {  	(tm) =	ssettm $0x7FFFFFFF  }
tec
execute0_lowered:
.L_overlay_start_1:
0x0: {  	(tag) =	ssettag $0x1  }
0x1: {  	s7 =	rddreg [dreg:$0x0]  }
0x2: {  	s1 =	rddreg [dreg:$0x1]  }
0x3: {  	s3 =	rddreg [dreg:$0x2]  }
0x4: {  	s0 =	rddreg [dreg:$0x3];
	s4 =	simm.s32 $0x0;
	s2 =	stileid.u32  }
0x5: {  	s5 =	srdreg.scid;
	s17 =	simm.s32 $0x4;
	s18 =	simm.s32 $0x3  }
0x6: {  	s19 =	simm.s32 $0x200;
	s20 =	simm.s32 $0x2C00;
	s21 =	simm.s32 $0x1  }
0x7: {  	s22 =	simm.s32 $0x2;
	s23 =	simm.s32 $0x28000;
	s8 =	smul.u32 $0x2780, s2  }
0x8: {  	[smem:$0x7FF] =	sst s4;
	s9 =	sand.u32 $0x1, s5;
	s11 =	smul.u32 $0x2C0, s2  }
0x9: {  	s5 =	sadd.s32 $0x11600, s7;
	s13 =	smul.u32 $0x1200, s2;
	s14 =	sadd.s32 $0x2600, s7  }
0xa: {  	_ =	strace $0x80000050;
	s10 =	ssub.s32 $0x2, s9;
	p0 =	seq.s32 s9, $0x1  }
0xb: {  	s6 =	sshrl.u32 s8, $0x3;
	s12 =	sshrl.u32 s10, $0x1;
	s31 =	sshrl.u32 s13, $0x3  }
.Ltmp0:
0xc: {  	s16 =	sadd.s32 s8, s3;
	s13 =	simm.s32 $0x1600;
	(pc) =	sbr.rel .LBB2_1-.Ltmp0, $4  }
0xd: {  	s15 =	sadd.s32 s6, s7;
	s12 =	ssub.s32 s10, s12;
	s7 =	sadd.s32 s14, s11  }
0xe: {  	s9 =	sadd.s32 s14, s31;
	s10 =	sadd.s32 $0x4F00, s6;
	s14 =	sshll.u32 s2, $0x6  }
0xf: {  	s16 =	sshrl.u32 s16, $0x3;
	s8 =	sadd.s32 $0xC600, s15;
	s9 =	sadd.s32 $0x2C00, s9  }
0x10: {  	s11 =	smax.u32 s12, $0x1;
	s15 =	sor.u32 $0x1C04, s14;
	s12 =	sadd.s32 $0x5000, s9  }
.LBB2_11:
0x11: {  	s25 =	smov.u32 s10;
	s24 =	smov.u32 s15  }
.LBB2_12:
0x12: {  	_ =	swait.ge [sflag:s22], $0x2000  }
0x13: {  	s4 =	sadd.s32 $0x1, s4;
	[sflag:s22] =	ssyncset.done $0x0  }
0x14: {  	p1 =	sne.s32 s4, s11;
	[sflag:s22] =	ssyncadd.s32 $0xFFFFE000  }
.Ltmp1:
0x15: {  	s25 =	sadd.s32 s1, s25;
	[bflag:$0x0] =	sbarrier.arrive $0xFFFF;
	(pc) =	sbr.rel @!p1 .LBB2_13-.Ltmp1, $4  }
0x16: {  	[hbm:s25], [sflag:s24] =	dma.local [spmem:s16], $0x4F0  }
0x17: {  	_ =	swait.ge [sflag:s17], $0x4F0  }
0x18: {  	[sflag:s17] =	ssyncset.done $0x0  }
0x19: {  	[sflag:s17] =	ssyncadd.s32 $0xFFFFFB10  }
.LBB2_1:
.Ltmp2:
0x1a: {  	(pc) =	sbr.rel @!p0 .LBB2_2-.Ltmp2, $1  }
0x1b: {  	_ =	sdelay $0x3  }
0x1c: {  	s24 =	simm.s32 $0x0  }
0x1d: {  	[tilespmem:s24], [sflag:$0x3] =	stream.linear.gather [hbm4b:s9+s24], $0x1200, $0x38;
	[tilespmem:$0x9380] =	vst v63  }
0x1e: {  	_ = 	snop  }
0x1f: {  	[tilespmem:s13], [sflag:$0x3] =	stream.linear.gather [hbm4b:s12+s24], $0x1200, $0x38;
	[tilespmem:$0x9380] =	vst v63  }
0x20: {  	[spmem:s16], [sflag:s15] =	dma.local [hbm:s8], $0x4F0  }
0x21: {  	_ =	swait.ge [sflag:s17], $0x4F0  }
0x22: {  	[sflag:s17] =	ssyncset.done $0x0  }
0x23: {  	[sflag:s17] =	ssyncadd.s32 $0xFFFFFB10  }
.Ltmp3:
0x24: {  	_ =	swait.ge [sflag:s18], $0x2400;
	(pc) =	sbr.rel .LBB2_8-.Ltmp3, $4  }
0x25: {  	[sflag:s18] =	ssyncset.done $0x0  }
0x26: {  	[sflag:s18] =	ssyncadd.s32 $0xFFFFDC00  }
0x27: {  	[bflag:$0x0] =	sbarrier.arrive $0xFFFF  }
0x28: {  	[tilespmem:s20], [sflag:$0x1] =	stream.indirect.gather [hbm4b:s5+s19], $0x10, s24, s19, $0xb8;
	[tilespmem:$0x9380] =	vst v63  }
.LBB2_10:
0x29: {  	p1 =	slt.u32 s25, $0x9  }
.Ltmp4:
0x2a: {  	_ =	swait.ge [sflag:s21], $0x2000;
	s24 =	sshll.u32 s24, $0x9;
	(pc) =	sbr.rel @!p1 .LBB2_11-.Ltmp4, $4  }
0x2b: {  	s26 =	sshll.u32 s26, $0xD;
	[sflag:s21] =	ssyncset.done $0x0;
	s24 =	sand.u32 $0x3FFFFE00, s24  }
0x2c: {  	s26 =	sadd.s32 $0x2C00, s26;
	[sflag:s21] =	ssyncadd.s32 $0xFFFFE000;
	s24 =	sadd.s32 $0x1600, s24  }
0x2d: {  	[spmem:s3] =	stream.indirect.scatter.add.f32 [tilespmem:s26], [sflag:$0x2], $0x10, s24, s19, $0xb8;
	[tilespmem:$0x9380] =	vst v63  }
0x2e: {  	s24 =	smov.u32 s25  }
.LBB2_8:
0x2f: {  	p1 =	seq.s32 s24, $0x0  }
0x30: {  	p2 =	seq.s32 @!p1 s24, $0x8  }
0x31: {  	p2 =	por p1, !p2  }
.Ltmp5:
0x32: {  	_ = 	snop;
	(pc) =	sbr.rel @!p2 .LBB2_10-.Ltmp5, $4  }
0x33: {  	s25 =	simm.s32 @!p1 $0x2  }
0x34: {  	_ =	swait.ge @!p1 [sflag:s25], $0x2000  }
0x35: {  	[sflag:s25] =	ssyncset.done @!p1 $0x0  }
0x36: {  	s26 =	sand.u32 $0x1, s24;
	[sflag:s25] =	ssyncadd.s32 @!p1 $0xFFFFE000;
	s25 =	simm.s32 @!p1 $0x9  }
.Ltmp6:
0x37: {  	s25 =	sadd.s32 @!p1 $0x1, s24;
	(pc) =	sbr.rel .LBB2_10-.Ltmp6, $4  }
0x38: {  	s25 =	simm.s32 @p1 $0x1  }
0x39: {  	s28 =	sshll.u32 s26, $0xD;
	s29 =	sshll.u32 s25, $0x9  }
0x3a: {  	s28 =	ssub.s32 $0x4C00, s28;
	s29 =	sand.u32 $0x3FFFFE00, s29  }
0x3b: {  	[tilespmem:s28], [sflag:$0x1] =	stream.indirect.gather [hbm4b:s5+s19], $0x10, s29, s19, $0xb8;
	[tilespmem:$0x9380] =	vst v63  }
.LBB2_2:
0x3c: {  	s25 =	simm.s32 $0x0;
	s24 =	sor.u32 $0x1C04, s14  }
0x3d: {  	[tilespmem:s25], [sflag:$0x3] =	stream.strided.gather [hbm4b:s7+s13], $0x2C00, s23, s13, $0x38;
	[tilespmem:$0x9380] =	vst v63  }
0x3e: {  	[spmem:s16], [sflag:s24] =	dma.local [hbm:s8], $0x4F0  }
0x3f: {  	_ =	swait.ge [sflag:s17], $0x4F0  }
0x40: {  	[sflag:s17] =	ssyncset.done $0x0  }
0x41: {  	[sflag:s17] =	ssyncadd.s32 $0xFFFFFB10  }
.Ltmp7:
0x42: {  	_ =	swait.ge [sflag:s18], $0x2C00;
	(pc) =	sbr.rel .LBB2_3-.Ltmp7, $4  }
0x43: {  	[sflag:s18] =	ssyncset.done $0x0  }
0x44: {  	[sflag:s18] =	ssyncadd.s32 $0xFFFFD400  }
0x45: {  	[bflag:$0x0] =	sbarrier.arrive $0xFFFF  }
0x46: {  	[tilespmem:s20], [sflag:$0x1] =	stream.indirect.gather [hbm4b:s5+s19], $0x10, s25, s19, $0xb8;
	[tilespmem:$0x9380] =	vst v63  }
.LBB2_5:
0x47: {  	p1 =	slt.u32 s26, $0xB  }
.Ltmp8:
0x48: {  	_ =	swait.ge [sflag:s21], $0x2000;
	s25 =	sshll.u32 s25, $0x9;
	(pc) =	sbr.rel @!p1 .LBB2_6-.Ltmp8, $4  }
0x49: {  	s28 =	sshll.u32 s28, $0xD;
	[sflag:s21] =	ssyncset.done $0x0;
	s25 =	sand.u32 $0x3FFFFE00, s25  }
0x4a: {  	s28 =	sadd.s32 $0x2C00, s28;
	[sflag:s21] =	ssyncadd.s32 $0xFFFFE000;
	s25 =	sadd.s32 $0x1600, s25  }
0x4b: {  	[spmem:s3] =	stream.indirect.scatter.add.f32 [tilespmem:s28], [sflag:$0x2], $0x10, s25, s19, $0xb8;
	[tilespmem:$0x9380] =	vst v63  }
0x4c: {  	s25 =	smov.u32 s26  }
.LBB2_3:
0x4d: {  	p1 =	seq.s32 s25, $0x0  }
0x4e: {  	p2 =	seq.s32 @!p1 s25, $0xA  }
0x4f: {  	p2 =	por p1, !p2  }
.Ltmp9:
0x50: {  	_ = 	snop;
	(pc) =	sbr.rel @!p2 .LBB2_5-.Ltmp9, $4  }
0x51: {  	s26 =	simm.s32 @!p1 $0x2  }
0x52: {  	_ =	swait.ge @!p1 [sflag:s26], $0x2000  }
0x53: {  	[sflag:s26] =	ssyncset.done @!p1 $0x0  }
0x54: {  	s28 =	sand.u32 $0x1, s25;
	[sflag:s26] =	ssyncadd.s32 @!p1 $0xFFFFE000;
	s26 =	simm.s32 @!p1 $0xB  }
.Ltmp10:
0x55: {  	s26 =	sadd.s32 @!p1 $0x1, s25;
	(pc) =	sbr.rel .LBB2_5-.Ltmp10, $4  }
0x56: {  	s26 =	simm.s32 @p1 $0x1  }
0x57: {  	s29 =	sshll.u32 s28, $0xD;
	s30 =	sshll.u32 s26, $0x9  }
0x58: {  	s29 =	ssub.s32 $0x4C00, s29;
	s30 =	sand.u32 $0x3FFFFE00, s30  }
0x59: {  	[tilespmem:s29], [sflag:$0x1] =	stream.indirect.gather [hbm4b:s5+s19], $0x10, s30, s19, $0xb8;
	[tilespmem:$0x9380] =	vst v63  }
.LBB2_6:
.Ltmp11:
0x5a: {  	(pc) =	sbr.rel .LBB2_12-.Ltmp11, $2  }
0x5b: {  	_ =	sdelay $0x2  }
0x5c: {  	s25 =	smov.u32 s6  }
.LBB2_13:
0x5d: {  	_ =	sfence.sel $0x180000  }
0x5e: {  	[bflag:$0x0] =	sbarrier.arrive $0xFFFF  }
0x5f: {  	p0 =	sne.s32 s2, $0x0;
	_ =	strace $0x90000050  }
0x60: {  	s0 =	sadd.s32 @!p0 $0x100000, s0;
	[bflag:$0x2] =	sbarrier.arrive $0xFFFF  }
0x61: {  	[sflag:s0] =	ssyncadd.tile.s32 @!p0 $0x1;
	_ =	shalt  }
.Lfunc_end2:
_tile_overlayer_lowered:
.L_overlay_start_2:
0x62: {  	(tag) =	ssettag $0x2  }
0x63: {  	s0 =	rddreg [dreg:$0x0];
	s2 =	stileid.u32  }
0x64: {  	s1 =	rddreg [dreg:$0x1];
	p0 =	sne.s32 s2, $0x0  }
0x65: {  	s3 =	rddreg [dreg:$0x2];
	[bflag:$0x3] =	sbarrier.arrive $0xFFFF;
	s2 =	simm.s32 @!p0 $0x1C04  }
0x66: {  	[timem:s3], [sflag:s2] =	dma.local @!p0 [hbm:s0], s1  }
0x67: {  	s0 =	simm.s32 @!p0 $0x4  }
0x68: {  	_ =	swait.ge @!p0 [sflag:s0], s1  }
0x69: {  	s1 =	ssub.s32 @!p0 $0x0, s1;
	[sflag:s0] =	ssyncset.done @!p0 $0x0  }
0x6a: {  	[sflag:s0] =	ssyncadd.s32 @!p0 s1  }
0x6b: {  	[bflag:$0x3] =	sbarrier.arrive $0xFFFF  }
0x6c: {  	_ =	shalt  }

</sc_bundles>
